<compile_context>
chip_gen: v7x
topology: tpu7x:2x2x1
jax: 0.10.2.dev20260603
libtpu: 0.0.44.dev20260713+nightly
codegen_flags: <defaults>
</compile_context>

<pallas_src>
import functools

import jax
import jax.numpy as jnp
from jax import lax
from jax.experimental import pallas as pl
from jax.experimental.pallas import tpu as pltpu
from jax.experimental.pallas import tpu_sc as plsc

B = 128; C = 512; H = 14; W = 14; HW = H * W
NFIND = 256; NROOT = 64; NANS = 1000
V = 5000; L = 20; DEMB = 300; DHID = 512; K = 2

TE = 8
DP = 384
VP = 5008
NW = 32
EX_W = B // NW
IDX_W = EX_W * L


def _softmax_rows(x):
    m = jnp.max(x, axis=-1, keepdims=True)
    e = jnp.exp(x - m)
    return e / jnp.sum(e, axis=-1, keepdims=True)



def _find_body(sf0, sf1, feat_ref, fw_ref, maps_ref, att_ref):
    i = pl.program_id(0)
    for e in range(TE):
        b = i * TE + e
        feat = feat_ref[e]
        w0 = fw_ref[pl.ds(sf0[b], 1), :]
        w1 = fw_ref[pl.ds(sf1[b], 1), :]
        w01 = jnp.concatenate([w0, w1], axis=0)
        att = jnp.maximum(
            jnp.dot(w01, feat, preferred_element_type=jnp.float32), 0.0)
        maps = att[0:1] * att[1:2]
        maps_ref[pl.ds(e, 1), :] = maps
        att_ref[pl.ds(e, 1), :] = lax.dot_general(
            maps, feat, (((1,), (1,)), ((), ())),
            preferred_element_type=jnp.float32)


def _find(features3, find_w, f0, f1):
    grid_spec = pltpu.PrefetchScalarGridSpec(
        num_scalar_prefetch=2,
        grid=(B // TE,),
        in_specs=[
            pl.BlockSpec((TE, C, HW), lambda i, a, b: (i, 0, 0)),
            pl.BlockSpec((NFIND, C), lambda i, a, b: (0, 0)),
        ],
        out_specs=[
            pl.BlockSpec((TE, HW), lambda i, a, b: (i, 0)),
            pl.BlockSpec((TE, C), lambda i, a, b: (i, 0)),
        ],
    )
    return pl.pallas_call(
        _find_body,
        grid_spec=grid_spec,
        out_shape=[jax.ShapeDtypeStruct((B, HW), jnp.float32),
                   jax.ShapeDtypeStruct((B, C), jnp.float32)],
        compiler_params=pltpu.CompilerParams(
            dimension_semantics=("arbitrary",)),
    )(f0, f1, features3, find_w)



def _expert_body(xflat_ref, xatt_ref, mw_ref, dw_ref, mb_ref, db_ref,
                 mm_ref, md_ref, out_ref):
    r = pl.program_id(0)
    ym = jnp.dot(xflat_ref[...], mw_ref[0],
                 preferred_element_type=jnp.float32) + mb_ref[0]
    yd = jnp.dot(xatt_ref[...], dw_ref[0],
                 preferred_element_type=jnp.float32) + db_ref[0]
    cur = out_ref[...]
    cur = jnp.where(mm_ref[0] > 0, ym, cur)
    cur = jnp.where(md_ref[0] > 0, yd, cur)
    out_ref[...] = cur

    @pl.when(r == NROOT - 1)
    def _softmax():
        out_ref[...] = _softmax_rows(out_ref[...])


def _experts(xflat, xatt, measure_w, describe_w, measure_b3, describe_b3,
             maskm, maskd):
    return pl.pallas_call(
        _expert_body,
        grid=(NROOT,),
        in_specs=[
            pl.BlockSpec((B, HW), lambda r: (0, 0)),
            pl.BlockSpec((B, C), lambda r: (0, 0)),
            pl.BlockSpec((1, HW, NANS), lambda r: (r, 0, 0)),
            pl.BlockSpec((1, C, NANS), lambda r: (r, 0, 0)),
            pl.BlockSpec((1, 1, NANS), lambda r: (r, 0, 0)),
            pl.BlockSpec((1, 1, NANS), lambda r: (r, 0, 0)),
            pl.BlockSpec((1, B, 1), lambda r: (r, 0, 0)),
            pl.BlockSpec((1, B, 1), lambda r: (r, 0, 0)),
        ],
        out_specs=pl.BlockSpec((B, NANS), lambda r: (0, 0)),
        out_shape=jax.ShapeDtypeStruct((B, NANS), jnp.float32),
        compiler_params=pltpu.CompilerParams(
            dimension_semantics=("arbitrary",)),
    )(xflat, xatt, measure_w, describe_w, measure_b3, describe_b3,
      maskm, maskd)



def _pool_sums_sc(qflat, emb_pad):
    mesh = plsc.VectorSubcoreMesh(core_axis_name="c", subcore_axis_name="s")

    @functools.partial(
        pl.kernel, mesh=mesh,
        out_type=jax.ShapeDtypeStruct((B, DP), jnp.float32),
        scratch_types=[
            pltpu.VMEM((IDX_W,), jnp.int32),
            pltpu.VMEM((IDX_W, DP), jnp.float32),
            pltpu.VMEM((EX_W, DP), jnp.float32),
            pltpu.SemaphoreType.DMA,
        ],
    )
    def k(q_hbm, emb_hbm, out_hbm, idx_v, rows_v, acc_v, sem):
        wid = lax.axis_index("s") * 2 + lax.axis_index("c")
        base = wid * IDX_W
        pltpu.sync_copy(q_hbm.at[pl.ds(base, IDX_W)], idx_v)
        pltpu.async_copy(emb_hbm.at[idx_v], rows_v, sem).wait()
        nj = DP // 16
        for e in range(EX_W):
            def body(t, carry):
                r = e * L + t
                return tuple(c + rows_v[r, pl.ds(j * 16, 16)]
                             for j, c in enumerate(carry))
            acc = lax.fori_loop(
                0, L, body,
                tuple(jnp.zeros((16,), jnp.float32) for _ in range(nj)))
            for j in range(nj):
                acc_v[e, pl.ds(j * 16, 16)] = acc[j]
        pltpu.sync_copy(acc_v, out_hbm.at[pl.ds(wid * EX_W, EX_W)])

    return k(qflat, emb_pad)



def _enc_body(sums_ref, len_ref, w1_ref, b1_ref, w2_ref, b2_ref, rp_ref,
              out_ref):
    pooled = sums_ref[...] / len_ref[...]
    h = jnp.tanh(jnp.dot(pooled, w1_ref[...],
                         preferred_element_type=jnp.float32) + b1_ref[...])
    logits = jnp.dot(h, w2_ref[...],
                     preferred_element_type=jnp.float32) + b2_ref[...]
    enc = _softmax_rows(logits)
    out_ref[...] = jnp.sqrt(rp_ref[...] * enc + 1e-30)


def _final(sums, lclip_f, enc_w1p, enc_b1, enc_w2, enc_b2, root_pred):
    return pl.pallas_call(
        _enc_body,
        out_shape=jax.ShapeDtypeStruct((B, NANS), jnp.float32),
    )(sums, lclip_f, enc_w1p, enc_b1, enc_w2, enc_b2, root_pred)



def kernel(features, question, length, yesno, root_inst, find_inst, find_w,
           measure_w, measure_b, describe_w, describe_b, emb, enc_w1, enc_b1,
           enc_w2, enc_b2):
    f32 = jnp.float32

    features3 = features.reshape(B, C, HW)
    measure_b3 = measure_b.reshape(NROOT, 1, NANS)
    describe_b3 = describe_b.reshape(NROOT, 1, NANS)
    emb_pad = jnp.zeros((VP, DP), f32).at[:V, :DEMB].set(emb)
    enc_w1p = jnp.zeros((DP, DHID), f32).at[:DEMB].set(enc_w1)
    b1r = enc_b1.reshape(1, DHID)
    b2r = enc_b2.reshape(1, NANS)

    rids = jnp.arange(NROOT, dtype=jnp.int32)[:, None]
    is_r = rids == root_inst.astype(jnp.int32)[None, :]
    maskm = (is_r & yesno[None, :]).astype(f32).reshape(NROOT, B, 1)
    maskd = (is_r & ~yesno[None, :]).astype(f32).reshape(NROOT, B, 1)
    f0 = find_inst[:, 0].astype(jnp.int32)
    f1 = find_inst[:, 1].astype(jnp.int32)

    lclip = jnp.clip(length, 1, L).astype(jnp.int32)
    qmask = jnp.arange(L, dtype=jnp.int32)[None, :] < lclip[:, None]
    qflat = jnp.where(qmask, question.astype(jnp.int32), V).reshape(-1)

    xflat, xatt = _find(features3, find_w, f0, f1)
    root_pred = _experts(xflat, xatt, measure_w, describe_w,
                         measure_b3, describe_b3, maskm, maskd)
    sums = _pool_sums_sc(qflat, emb_pad)
    out = _final(sums, lclip.astype(f32).reshape(B, 1), enc_w1p, b1r,
                 enc_w2, b2r, root_pred)
    return out

# --- scband reference (transcript-rebuilt; emitter-appended) ---
"""Pipeline reference for scband-nmn-45354854645910 (READ-ONLY COPY).

The authoritative reference and input builder live on the scoring server;
editing this copy changes nothing except your own understanding.
"""

import jax, jax.numpy as jnp
import numpy as np

B = 128; C = 512; H = 14; W = 14
NFIND = 256; NROOT = 64; NANS = 1000
V = 5000; L = 20; DEMB = 300; DHID = 512; K = 2


def setup_inputs(seed: int = 0) -> dict:
    key = jax.random.key(seed)
    ks = jax.random.split(key, 16)
    features = jax.random.normal(ks[0], (B, C, H, W), dtype=jnp.float32)
    question = jax.random.randint(ks[1], (B, L), 0, V)
    length = jax.random.randint(ks[2], (B,), 0, L)
    yesno = jax.random.randint(ks[3], (B,), 0, 2).astype(bool)
    root_inst = jax.random.randint(ks[4], (B,), 0, NROOT)
    find_inst = jax.random.randint(ks[5], (B, K), 0, NFIND)
    # learned parameters (module banks indexed by instruction id = expert routing)
    find_w = jax.random.normal(ks[6], (NFIND, C), dtype=jnp.float32) * (1.0 / np.sqrt(C))
    measure_w = jax.random.normal(ks[7], (NROOT, H * W, NANS), dtype=jnp.float32) * (1.0 / np.sqrt(H * W))
    measure_b = jnp.zeros((NROOT, NANS), dtype=jnp.float32)
    describe_w = jax.random.normal(ks[8], (NROOT, C, NANS), dtype=jnp.float32) * (1.0 / np.sqrt(C))
    describe_b = jnp.zeros((NROOT, NANS), dtype=jnp.float32)
    emb = jax.random.normal(ks[9], (V, DEMB), dtype=jnp.float32) * 0.02
    enc_w1 = jax.random.normal(ks[10], (DEMB, DHID), dtype=jnp.float32) * (1.0 / np.sqrt(DEMB))
    enc_b1 = jnp.zeros((DHID,), dtype=jnp.float32)
    enc_w2 = jax.random.normal(ks[11], (DHID, NANS), dtype=jnp.float32) * (1.0 / np.sqrt(DHID))
    enc_b2 = jnp.zeros((NANS,), dtype=jnp.float32)
    return {
        'features': features, 'question': question, 'length': length,
        'yesno': yesno, 'root_inst': root_inst, 'find_inst': find_inst,
        'find_w': find_w, 'measure_w': measure_w, 'measure_b': measure_b,
        'describe_w': describe_w, 'describe_b': describe_b, 'emb': emb,
        'enc_w1': enc_w1, 'enc_b1': enc_b1, 'enc_w2': enc_w2, 'enc_b2': enc_b2,
    }


def reference(features, question, length, yesno, root_inst, find_inst,
              find_w, measure_w, measure_b, describe_w, describe_b,
              emb, enc_w1, enc_b1, enc_w2, enc_b2):
    # Find module bank: gather per-instruction 1x1 conv kernels, product over hops
    w_sel = jnp.take(find_w, find_inst, axis=0)                 # [B, K, C]
    att = jax.nn.relu(jnp.einsum('bchw,bkc->bkhw', features, w_sel))
    maps = jnp.prod(att, axis=1)                                # [B, H, W]

    # Measure module bank (for yes/no questions): per-instruction linear on the map
    flat = maps.reshape(B, H * W)
    mw = jnp.take(measure_w, root_inst, axis=0)                 # [B, HW, NANS]
    mb = jnp.take(measure_b, root_inst, axis=0)                 # [B, NANS]
    measure_logits = jnp.einsum('bd,bdn->bn', flat, mw) + mb

    # Describe module bank (non yes/no): attend features with map, per-inst linear
    attended = jnp.einsum('bchw,bhw->bc', features, maps)       # [B, C]
    dw = jnp.take(describe_w, root_inst, axis=0)                # [B, C, NANS]
    db = jnp.take(describe_b, root_inst, axis=0)                # [B, NANS]
    describe_logits = jnp.einsum('bc,bcn->bn', attended, dw) + db

    # route each example to Measure or Describe by the yesno mask
    root_logits = jnp.where(yesno[:, None], measure_logits, describe_logits)
    root_pred = jax.nn.softmax(root_logits, axis=1)

    # question encoder: embedding lookup + masked mean pool + MLP
    tok = jnp.take(emb, question, axis=0)                       # [B, L, DEMB]
    lclip = jnp.clip(length, 1, L)
    mask = (jnp.arange(L)[None, :] < lclip[:, None]).astype(jnp.float32)
    pooled = (tok * mask[:, :, None]).sum(axis=1) / lclip[:, None].astype(jnp.float32)
    h = jnp.tanh(pooled @ enc_w1 + enc_b1)
    enc_pred = jax.nn.softmax(h @ enc_w2 + enc_b2, axis=1)

    return jnp.sqrt(root_pred * enc_pred + 1e-30)

if __name__ == "__main__":
    import jax
    _d = setup_inputs()
    print(jax.jit(kernel)(*tuple(_d.values())))

</pallas_src>

<mosaic_0001>
#map = affine_map<(d0, d1) -> (0)>
#map1 = affine_map<(d0, d1) -> (0, 0)>
module attributes {stable_mosaic.version = 14 : i64} {
  func.func @k(%arg0: i32, %arg1: i32, %arg2: memref<2560xi32, #tpu.memory_space<hbm>>, %arg3: memref<5008x384xf32, #tpu.memory_space<hbm>>, %arg4: memref<128x384xf32, #tpu.memory_space<hbm>>, %arg5: memref<80xi32, #tpu.memory_space<vmem>>, %arg6: memref<80x384xf32, #tpu.memory_space<vmem>>, %arg7: memref<4x384xf32, #tpu.memory_space<vmem>>, %arg8: memref<!tpu.dma_semaphore, #tpu.memory_space<semaphore_mem>>) attributes {dimension_semantics = [#tpu.dimension_semantics<core_parallel>, #tpu.dimension_semantics<subcore_parallel>], iteration_bounds = array<i64: 2, 16>, scalar_prefetch = 0 : i64, scratch_operands = 4 : i64, tpu.core_type = #tpu.core_type<sc_vector_subcore>, window_params = [{transform_indices = #map}, {transform_indices = #map1}, {transform_indices = #map1}]} {
    %mul3A = arith.constant 2 : i32
    %mul3A_0 = arith.muli %arg1, %mul3A : i32
    %add3A = arith.addi %mul3A_0, %arg0 : i32
    %mul3A_1 = arith.constant 80 : i32
    %mul3A_2 = arith.muli %add3A, %mul3A_1 : i32
    "tpu.region"() ({
      %run_scoped3A = tpu.sem_alloc : memref<!tpu.dma_semaphore, #tpu.memory_space<semaphore_mem>>
      %dma_start3A_798 = tpu.memref_slice %arg2[%mul3A_2] : memref<2560xi32, #tpu.memory_space<hbm>> -> memref<80xi32, #tpu.memory_space<hbm>>
      %dma_start3A_799 = tpu.memref_slice %arg2[%mul3A_2] : memref<2560xi32, #tpu.memory_space<hbm>> -> memref<80xi32, #tpu.memory_space<hbm>>
      tpu.enqueue_dma source(%dma_start3A_799 : memref<80xi32, #tpu.memory_space<hbm>>) target(%arg5 : memref<80xi32, #tpu.memory_space<vmem>>) target_semaphore(%run_scoped3A : memref<!tpu.dma_semaphore, #tpu.memory_space<semaphore_mem>>)
      %dma_wait3A_800 = tpu.memref_slice %arg2[%mul3A_2] : memref<2560xi32, #tpu.memory_space<hbm>> -> memref<80xi32, #tpu.memory_space<hbm>>
      %dma_wait3A_801 = tpu.memref_slice %arg2[%mul3A_2] : memref<2560xi32, #tpu.memory_space<hbm>> -> memref<80xi32, #tpu.memory_space<hbm>>
      tpu.wait_dma2 semaphore(%run_scoped3A : memref<!tpu.dma_semaphore, #tpu.memory_space<semaphore_mem>>) src(%dma_wait3A_801 : memref<80xi32, #tpu.memory_space<hbm>>) dst(%arg5 : memref<80xi32, #tpu.memory_space<vmem>>)
      tpu.yield
    }) : () -> ()
    %dma_start3A = arith.constant 0 : i32
    %dma_start3A_3 = arith.constant 0 : i32
    %dma_start3A_4 = tpu.memref_slice %arg3[%dma_start3A, %dma_start3A_3] : memref<5008x384xf32, #tpu.memory_space<hbm>> -> memref<5008x384xf32, #tpu.memory_space<hbm>>
    tpu.enqueue_indirect_dma source(%dma_start3A_4 : memref<5008x384xf32, #tpu.memory_space<hbm>>) target(%arg6 : memref<80x384xf32, #tpu.memory_space<vmem>>) offsets(%arg5 : memref<80xi32, #tpu.memory_space<vmem>>) semaphore(%arg8 : memref<!tpu.dma_semaphore, #tpu.memory_space<semaphore_mem>>)
    %dma_wait3A = arith.constant 0 : i32
    %dma_wait3A_5 = arith.constant 0 : i32
    %dma_wait3A_6 = tpu.memref_slice %arg3[%dma_wait3A, %dma_wait3A_5] : memref<5008x384xf32, #tpu.memory_space<hbm>> -> memref<5008x384xf32, #tpu.memory_space<hbm>>
    tpu.wait_indirect_dma semaphore(%arg8 : memref<!tpu.dma_semaphore, #tpu.memory_space<semaphore_mem>>) src(%dma_wait3A_6 : memref<5008x384xf32, #tpu.memory_space<hbm>>) dst(%arg6 : memref<80x384xf32, #tpu.memory_space<vmem>>)
    %broadcast_in_dim3A = arith.constant 0.000000e+00 : f32
    %broadcast_in_dim3A_7 = vector.broadcast %broadcast_in_dim3A : f32 to vector<16xf32>
    %broadcast_in_dim3A_8 = arith.constant 0.000000e+00 : f32
    %broadcast_in_dim3A_9 = vector.broadcast %broadcast_in_dim3A_8 : f32 to vector<16xf32>
    %broadcast_in_dim3A_10 = arith.constant 0.000000e+00 : f32
    %broadcast_in_dim3A_11 = vector.broadcast %broadcast_in_dim3A_10 : f32 to vector<16xf32>
    %broadcast_in_dim3A_12 = arith.constant 0.000000e+00 : f32
    %broadcast_in_dim3A_13 = vector.broadcast %broadcast_in_dim3A_12 : f32 to vector<16xf32>
    %broadcast_in_dim3A_14 = arith.constant 0.000000e+00 : f32
    %broadcast_in_dim3A_15 = vector.broadcast %broadcast_in_dim3A_14 : f32 to vector<16xf32>
    %broadcast_in_dim3A_16 = arith.constant 0.000000e+00 : f32
    %broadcast_in_dim3A_17 = vector.broadcast %broadcast_in_dim3A_16 : f32 to vector<16xf32>
    %broadcast_in_dim3A_18 = arith.constant 0.000000e+00 : f32
    %broadcast_in_dim3A_19 = vector.broadcast %broadcast_in_dim3A_18 : f32 to vector<16xf32>
    %broadcast_in_dim3A_20 = arith.constant 0.000000e+00 : f32
    %broadcast_in_dim3A_21 = vector.broadcast %broadcast_in_dim3A_20 : f32 to vector<16xf32>
    %broadcast_in_dim3A_22 = arith.constant 0.000000e+00 : f32
    %broadcast_in_dim3A_23 = vector.broadcast %broadcast_in_dim3A_22 : f32 to vector<16xf32>
    %broadcast_in_dim3A_24 = arith.constant 0.000000e+00 : f32
    %broadcast_in_dim3A_25 = vector.broadcast %broadcast_in_dim3A_24 : f32 to vector<16xf32>
    %broadcast_in_dim3A_26 = arith.constant 0.000000e+00 : f32
    %broadcast_in_dim3A_27 = vector.broadcast %broadcast_in_dim3A_26 : f32 to vector<16xf32>
    %broadcast_in_dim3A_28 = arith.constant 0.000000e+00 : f32
    %broadcast_in_dim3A_29 = vector.broadcast %broadcast_in_dim3A_28 : f32 to vector<16xf32>
    %broadcast_in_dim3A_30 = arith.constant 0.000000e+00 : f32
    %broadcast_in_dim3A_31 = vector.broadcast %broadcast_in_dim3A_30 : f32 to vector<16xf32>
    %broadcast_in_dim3A_32 = arith.constant 0.000000e+00 : f32
    %broadcast_in_dim3A_33 = vector.broadcast %broadcast_in_dim3A_32 : f32 to vector<16xf32>
    %broadcast_in_dim3A_34 = arith.constant 0.000000e+00 : f32
    %broadcast_in_dim3A_35 = vector.broadcast %broadcast_in_dim3A_34 : f32 to vector<16xf32>
    %broadcast_in_dim3A_36 = arith.constant 0.000000e+00 : f32
    %broadcast_in_dim3A_37 = vector.broadcast %broadcast_in_dim3A_36 : f32 to vector<16xf32>
    %broadcast_in_dim3A_38 = arith.constant 0.000000e+00 : f32
    %broadcast_in_dim3A_39 = vector.broadcast %broadcast_in_dim3A_38 : f32 to vector<16xf32>
    %broadcast_in_dim3A_40 = arith.constant 0.000000e+00 : f32
    %broadcast_in_dim3A_41 = vector.broadcast %broadcast_in_dim3A_40 : f32 to vector<16xf32>
    %broadcast_in_dim3A_42 = arith.constant 0.000000e+00 : f32
    %broadcast_in_dim3A_43 = vector.broadcast %broadcast_in_dim3A_42 : f32 to vector<16xf32>
    %broadcast_in_dim3A_44 = arith.constant 0.000000e+00 : f32
    %broadcast_in_dim3A_45 = vector.broadcast %broadcast_in_dim3A_44 : f32 to vector<16xf32>
    %broadcast_in_dim3A_46 = arith.constant 0.000000e+00 : f32
    %broadcast_in_dim3A_47 = vector.broadcast %broadcast_in_dim3A_46 : f32 to vector<16xf32>
    %broadcast_in_dim3A_48 = arith.constant 0.000000e+00 : f32
    %broadcast_in_dim3A_49 = vector.broadcast %broadcast_in_dim3A_48 : f32 to vector<16xf32>
    %broadcast_in_dim3A_50 = arith.constant 0.000000e+00 : f32
    %broadcast_in_dim3A_51 = vector.broadcast %broadcast_in_dim3A_50 : f32 to vector<16xf32>
    %broadcast_in_dim3A_52 = arith.constant 0.000000e+00 : f32
    %broadcast_in_dim3A_53 = vector.broadcast %broadcast_in_dim3A_52 : f32 to vector<16xf32>
    %scan3A = arith.constant 0 : i32
    %scan3A_54 = arith.constant 20 : i32
    %scan3A_55 = arith.addi %scan3A, %scan3A_54 : i32
    %scan3A_56 = arith.constant 1 : i32
    %scan3A_57:24 = scf.for %scan3A_798 = %scan3A to %scan3A_55 step %scan3A_56 iter_args(%scan3A_799 = %broadcast_in_dim3A_7, %scan3A_800 = %broadcast_in_dim3A_9, %scan3A_801 = %broadcast_in_dim3A_11, %scan3A_802 = %broadcast_in_dim3A_13, %scan3A_803 = %broadcast_in_dim3A_15, %scan3A_804 = %broadcast_in_dim3A_17, %scan3A_805 = %broadcast_in_dim3A_19, %scan3A_806 = %broadcast_in_dim3A_21, %scan3A_807 = %broadcast_in_dim3A_23, %scan3A_808 = %broadcast_in_dim3A_25, %scan3A_809 = %broadcast_in_dim3A_27, %scan3A_810 = %broadcast_in_dim3A_29, %scan3A_811 = %broadcast_in_dim3A_31, %scan3A_812 = %broadcast_in_dim3A_33, %scan3A_813 = %broadcast_in_dim3A_35, %scan3A_814 = %broadcast_in_dim3A_37, %scan3A_815 = %broadcast_in_dim3A_39, %scan3A_816 = %broadcast_in_dim3A_41, %scan3A_817 = %broadcast_in_dim3A_43, %scan3A_818 = %broadcast_in_dim3A_45, %scan3A_819 = %broadcast_in_dim3A_47, %scan3A_820 = %broadcast_in_dim3A_49, %scan3A_821 = %broadcast_in_dim3A_51, %scan3A_822 = %broadcast_in_dim3A_53) -> (vector<16xf32>, vector<16xf32>, vector<16xf32>, vector<16xf32>, vector<16xf32>, vector<16xf32>, vector<16xf32>, vector<16xf32>, vector<16xf32>, vector<16xf32>, vector<16xf32>, vector<16xf32>, vector<16xf32>, vector<16xf32>, vector<16xf32>, vector<16xf32>, vector<16xf32>, vector<16xf32>, vector<16xf32>, vector<16xf32>, vector<16xf32>, vector<16xf32>, vector<16xf32>, vector<16xf32>)  : i32 {
      %add3A_823 = arith.constant 0 : i32
      %add3A_824 = arith.addi %add3A_823, %scan3A_798 : i32
      %get3A = arith.index_cast %add3A_824 : i32 to index
      %get3A_825 = arith.constant 0 : index
      %get3A_826 = tpu.vector_load %arg6[%get3A, %get3A_825] {strides = array<i32>} : memref<80x384xf32, #tpu.memory_space<vmem>>, vector<1x16xf32>,
      %get3A_827 = vector.shape_cast %get3A_826 : vector<1x16xf32> to vector<16xf32>
      %add3A_828 = arith.addf %scan3A_799, %get3A_827 : vector<16xf32>
      %get3A_829 = arith.index_cast %add3A_824 : i32 to index
      %get3A_830 = arith.constant 16 : index
      %get3A_831 = tpu.vector_load %arg6[%get3A_829, %get3A_830] {strides = array<i32>} : memref<80x384xf32, #tpu.memory_space<vmem>>, vector<1x16xf32>,
      %get3A_832 = vector.shape_cast %get3A_831 : vector<1x16xf32> to vector<16xf32>
      %add3A_833 = arith.addf %scan3A_800, %get3A_832 : vector<16xf32>
      %get3A_834 = arith.index_cast %add3A_824 : i32 to index
      %get3A_835 = arith.constant 32 : index
      %get3A_836 = tpu.vector_load %arg6[%get3A_834, %get3A_835] {strides = array<i32>} : memref<80x384xf32, #tpu.memory_space<vmem>>, vector<1x16xf32>,
      %get3A_837 = vector.shape_cast %get3A_836 : vector<1x16xf32> to vector<16xf32>
      %add3A_838 = arith.addf %scan3A_801, %get3A_837 : vector<16xf32>
      %get3A_839 = arith.index_cast %add3A_824 : i32 to index
      %get3A_840 = arith.constant 48 : index
      %get3A_841 = tpu.vector_load %arg6[%get3A_839, %get3A_840] {strides = array<i32>} : memref<80x384xf32, #tpu.memory_space<vmem>>, vector<1x16xf32>,
      %get3A_842 = vector.shape_cast %get3A_841 : vector<1x16xf32> to vector<16xf32>
      %add3A_843 = arith.addf %scan3A_802, %get3A_842 : vector<16xf32>
      %get3A_844 = arith.index_cast %add3A_824 : i32 to index
      %get3A_845 = arith.constant 64 : index
      %get3A_846 = tpu.vector_load %arg6[%get3A_844, %get3A_845] {strides = array<i32>} : memref<80x384xf32, #tpu.memory_space<vmem>>, vector<1x16xf32>,
      %get3A_847 = vector.shape_cast %get3A_846 : vector<1x16xf32> to vector<16xf32>
      %add3A_848 = arith.addf %scan3A_803, %get3A_847 : vector<16xf32>
      %get3A_849 = arith.index_cast %add3A_824 : i32 to index
      %get3A_850 = arith.constant 80 : index
      %get3A_851 = tpu.vector_load %arg6[%get3A_849, %get3A_850] {strides = array<i32>} : memref<80x384xf32, #tpu.memory_space<vmem>>, vector<1x16xf32>,
      %get3A_852 = vector.shape_cast %get3A_851 : vector<1x16xf32> to vector<16xf32>
      %add3A_853 = arith.addf %scan3A_804, %get3A_852 : vector<16xf32>
      %get3A_854 = arith.index_cast %add3A_824 : i32 to index
      %get3A_855 = arith.constant 96 : index
      %get3A_856 = tpu.vector_load %arg6[%get3A_854, %get3A_855] {strides = array<i32>} : memref<80x384xf32, #tpu.memory_space<vmem>>, vector<1x16xf32>,
      %get3A_857 = vector.shape_cast %get3A_856 : vector<1x16xf32> to vector<16xf32>
      %add3A_858 = arith.addf %scan3A_805, %get3A_857 : vector<16xf32>
      %get3A_859 = arith.index_cast %add3A_824 : i32 to index
      %get3A_860 = arith.constant 112 : index
      %get3A_861 = tpu.vector_load %arg6[%get3A_859, %get3A_860] {strides = array<i32>} : memref<80x384xf32, #tpu.memory_space<vmem>>, vector<1x16xf32>,
      %get3A_862 = vector.shape_cast %get3A_861 : vector<1x16xf32> to vector<16xf32>
      %add3A_863 = arith.addf %scan3A_806, %get3A_862 : vector<16xf32>
      %get3A_864 = arith.index_cast %add3A_824 : i32 to index
      %get3A_865 = arith.constant 128 : index
      %get3A_866 = tpu.vector_load %arg6[%get3A_864, %get3A_865] {strides = array<i32>} : memref<80x384xf32, #tpu.memory_space<vmem>>, vector<1x16xf32>,
      %get3A_867 = vector.shape_cast %get3A_866 : vector<1x16xf32> to vector<16xf32>
      %add3A_868 = arith.addf %scan3A_807, %get3A_867 : vector<16xf32>
      %get3A_869 = arith.index_cast %add3A_824 : i32 to index
      %get3A_870 = arith.constant 144 : index
      %get3A_871 = tpu.vector_load %arg6[%get3A_869, %get3A_870] {strides = array<i32>} : memref<80x384xf32, #tpu.memory_space<vmem>>, vector<1x16xf32>,
      %get3A_872 = vector.shape_cast %get3A_871 : vector<1x16xf32> to vector<16xf32>
      %add3A_873 = arith.addf %scan3A_808, %get3A_872 : vector<16xf32>
      %get3A_874 = arith.index_cast %add3A_824 : i32 to index
      %get3A_875 = arith.constant 160 : index
      %get3A_876 = tpu.vector_load %arg6[%get3A_874, %get3A_875] {strides = array<i32>} : memref<80x384xf32, #tpu.memory_space<vmem>>, vector<1x16xf32>,
      %get3A_877 = vector.shape_cast %get3A_876 : vector<1x16xf32> to vector<16xf32>
      %add3A_878 = arith.addf %scan3A_809, %get3A_877 : vector<16xf32>
      %get3A_879 = arith.index_cast %add3A_824 : i32 to index
      %get3A_880 = arith.constant 176 : index
      %get3A_881 = tpu.vector_load %arg6[%get3A_879, %get3A_880] {strides = array<i32>} : memref<80x384xf32, #tpu.memory_space<vmem>>, vector<1x16xf32>,
      %get3A_882 = vector.shape_cast %get3A_881 : vector<1x16xf32> to vector<16xf32>
      %add3A_883 = arith.addf %scan3A_810, %get3A_882 : vector<16xf32>
      %get3A_884 = arith.index_cast %add3A_824 : i32 to index
      %get3A_885 = arith.constant 192 : index
      %get3A_886 = tpu.vector_load %arg6[%get3A_884, %get3A_885] {strides = array<i32>} : memref<80x384xf32, #tpu.memory_space<vmem>>, vector<1x16xf32>,
      %get3A_887 = vector.shape_cast %get3A_886 : vector<1x16xf32> to vector<16xf32>
      %add3A_888 = arith.addf %scan3A_811, %get3A_887 : vector<16xf32>
      %get3A_889 = arith.index_cast %add3A_824 : i32 to index
      %get3A_890 = arith.constant 208 : index
      %get3A_891 = tpu.vector_load %arg6[%get3A_889, %get3A_890] {strides = array<i32>} : memref<80x384xf32, #tpu.memory_space<vmem>>, vector<1x16xf32>,
      %get3A_892 = vector.shape_cast %get3A_891 : vector<1x16xf32> to vector<16xf32>
      %add3A_893 = arith.addf %scan3A_812, %get3A_892 : vector<16xf32>
      %get3A_894 = arith.index_cast %add3A_824 : i32 to index
      %get3A_895 = arith.constant 224 : index
      %get3A_896 = tpu.vector_load %arg6[%get3A_894, %get3A_895] {strides = array<i32>} : memref<80x384xf32, #tpu.memory_space<vmem>>, vector<1x16xf32>,
      %get3A_897 = vector.shape_cast %get3A_896 : vector<1x16xf32> to vector<16xf32>
      %add3A_898 = arith.addf %scan3A_813, %get3A_897 : vector<16xf32>
      %get3A_899 = arith.index_cast %add3A_824 : i32 to index
      %get3A_900 = arith.constant 240 : index
      %get3A_901 = tpu.vector_load %arg6[%get3A_899, %get3A_900] {strides = array<i32>} : memref<80x384xf32, #tpu.memory_space<vmem>>, vector<1x16xf32>,
      %get3A_902 = vector.shape_cast %get3A_901 : vector<1x16xf32> to vector<16xf32>
      %add3A_903 = arith.addf %scan3A_814, %get3A_902 : vector<16xf32>
      %get3A_904 = arith.index_cast %add3A_824 : i32 to index
      %get3A_905 = arith.constant 256 : index
      %get3A_906 = tpu.vector_load %arg6[%get3A_904, %get3A_905] {strides = array<i32>} : memref<80x384xf32, #tpu.memory_space<vmem>>, vector<1x16xf32>,
      %get3A_907 = vector.shape_cast %get3A_906 : vector<1x16xf32> to vector<16xf32>
      %add3A_908 = arith.addf %scan3A_815, %get3A_907 : vector<16xf32>
      %get3A_909 = arith.index_cast %add3A_824 : i32 to index
      %get3A_910 = arith.constant 272 : index
      %get3A_911 = tpu.vector_load %arg6[%get3A_909, %get3A_910] {strides = array<i32>} : memref<80x384xf32, #tpu.memory_space<vmem>>, vector<1x16xf32>,
      %get3A_912 = vector.shape_cast %get3A_911 : vector<1x16xf32> to vector<16xf32>
      %add3A_913 = arith.addf %scan3A_816, %get3A_912 : vector<16xf32>
      %get3A_914 = arith.index_cast %add3A_824 : i32 to index
      %get3A_915 = arith.constant 288 : index
      %get3A_916 = tpu.vector_load %arg6[%get3A_914, %get3A_915] {strides = array<i32>} : memref<80x384xf32, #tpu.memory_space<vmem>>, vector<1x16xf32>,
      %get3A_917 = vector.shape_cast %get3A_916 : vector<1x16xf32> to vector<16xf32>
      %add3A_918 = arith.addf %scan3A_817, %get3A_917 : vector<16xf32>
      %get3A_919 = arith.index_cast %add3A_824 : i32 to index
      %get3A_920 = arith.constant 304 : index
      %get3A_921 = tpu.vector_load %arg6[%get3A_919, %get3A_920] {strides = array<i32>} : memref<80x384xf32, #tpu.memory_space<vmem>>, vector<1x16xf32>,
      %get3A_922 = vector.shape_cast %get3A_921 : vector<1x16xf32> to vector<16xf32>
      %add3A_923 = arith.addf %scan3A_818, %get3A_922 : vector<16xf32>
      %get3A_924 = arith.index_cast %add3A_824 : i32 to index
      %get3A_925 = arith.constant 320 : index
      %get3A_926 = tpu.vector_load %arg6[%get3A_924, %get3A_925] {strides = array<i32>} : memref<80x384xf32, #tpu.memory_space<vmem>>, vector<1x16xf32>,
      %get3A_927 = vector.shape_cast %get3A_926 : vector<1x16xf32> to vector<16xf32>
      %add3A_928 = arith.addf %scan3A_819, %get3A_927 : vector<16xf32>
      %get3A_929 = arith.index_cast %add3A_824 : i32 to index
      %get3A_930 = arith.constant 336 : index
      %get3A_931 = tpu.vector_load %arg6[%get3A_929, %get3A_930] {strides = array<i32>} : memref<80x384xf32, #tpu.memory_space<vmem>>, vector<1x16xf32>,
      %get3A_932 = vector.shape_cast %get3A_931 : vector<1x16xf32> to vector<16xf32>
      %add3A_933 = arith.addf %scan3A_820, %get3A_932 : vector<16xf32>
      %get3A_934 = arith.index_cast %add3A_824 : i32 to index
      %get3A_935 = arith.constant 352 : index
      %get3A_936 = tpu.vector_load %arg6[%get3A_934, %get3A_935] {strides = array<i32>} : memref<80x384xf32, #tpu.memory_space<vmem>>, vector<1x16xf32>,
      %get3A_937 = vector.shape_cast %get3A_936 : vector<1x16xf32> to vector<16xf32>
      %add3A_938 = arith.addf %scan3A_821, %get3A_937 : vector<16xf32>
      %get3A_939 = arith.index_cast %add3A_824 : i32 to index
      %get3A_940 = arith.constant 368 : index
      %get3A_941 = tpu.vector_load %arg6[%get3A_939, %get3A_940] {strides = array<i32>} : memref<80x384xf32, #tpu.memory_space<vmem>>, vector<1x16xf32>,
      %get3A_942 = vector.shape_cast %get3A_941 : vector<1x16xf32> to vector<16xf32>
      %add3A_943 = arith.addf %scan3A_822, %get3A_942 : vector<16xf32>
      scf.yield %add3A_828, %add3A_833, %add3A_838, %add3A_843, %add3A_848, %add3A_853, %add3A_858, %add3A_863, %add3A_868, %add3A_873, %add3A_878, %add3A_883, %add3A_888, %add3A_893, %add3A_898, %add3A_903, %add3A_908, %add3A_913, %add3A_918, %add3A_923, %add3A_928, %add3A_933, %add3A_938, %add3A_943 : vector<16xf32>, vector<16xf32>, vector<16xf32>, vector<16xf32>, vector<16xf32>, vector<16xf32>, vector<16xf32>, vector<16xf32>, vector<16xf32>, vector<16xf32>, vector<16xf32>, vector<16xf32>, vector<16xf32>, vector<16xf32>, vector<16xf32>, vector<16xf32>, vector<16xf32>, vector<16xf32>, vector<16xf32>, vector<16xf32>, vector<16xf32>, vector<16xf32>, vector<16xf32>, vector<16xf32>
    }
    %scan3A_58 = arith.constant 20 : i32
    %swap3A = arith.constant 0 : i32
    %swap3A_59 = arith.index_cast %swap3A : i32 to index
    %swap3A_60 = arith.constant 0 : index
    %swap3A_61 = tpu.vector_load %arg7[%swap3A_59, %swap3A_60] {strides = array<i32>} : memref<4x384xf32, #tpu.memory_space<vmem>>, vector<1x16xf32>,
    %swap3A_62 = vector.shape_cast %swap3A_61 : vector<1x16xf32> to vector<16xf32>
    %swap3A_63 = vector.shape_cast %scan3A_57#0 : vector<16xf32> to vector<1x16xf32>
    tpu.vector_store %arg7[%swap3A_59, %swap3A_60], %swap3A_63 {strides = array<i32>} : memref<4x384xf32, #tpu.memory_space<vmem>>, vector<1x16xf32>,
    %swap3A_64 = arith.constant 0 : i32
    %swap3A_65 = arith.index_cast %swap3A_64 : i32 to index
    %swap3A_66 = arith.constant 16 : index
    %swap3A_67 = tpu.vector_load %arg7[%swap3A_65, %swap3A_66] {strides = array<i32>} : memref<4x384xf32, #tpu.memory_space<vmem>>, vector<1x16xf32>,
    %swap3A_68 = vector.shape_cast %swap3A_67 : vector<1x16xf32> to vector<16xf32>
    %swap3A_69 = vector.shape_cast %scan3A_57#1 : vector<16xf32> to vector<1x16xf32>
    tpu.vector_store %arg7[%swap3A_65, %swap3A_66], %swap3A_69 {strides = array<i32>} : memref<4x384xf32, #tpu.memory_space<vmem>>, vector<1x16xf32>,
    %swap3A_70 = arith.constant 0 : i32
    %swap3A_71 = arith.index_cast %swap3A_70 : i32 to index
    %swap3A_72 = arith.constant 32 : index
    %swap3A_73 = tpu.vector_load %arg7[%swap3A_71, %swap3A_72] {strides = array<i32>} : memref<4x384xf32, #tpu.memory_space<vmem>>, vector<1x16xf32>,
    %swap3A_74 = vector.shape_cast %swap3A_73 : vector<1x16xf32> to vector<16xf32>
    %swap3A_75 = vector.shape_cast %scan3A_57#2 : vector<16xf32> to vector<1x16xf32>
    tpu.vector_store %arg7[%swap3A_71, %swap3A_72], %swap3A_75 {strides = array<i32>} : memref<4x384xf32, #tpu.memory_space<vmem>>, vector<1x16xf32>,
    %swap3A_76 = arith.constant 0 : i32
    %swap3A_77 = arith.index_cast %swap3A_76 : i32 to index
    %swap3A_78 = arith.constant 48 : index
    %swap3A_79 = tpu.vector_load %arg7[%swap3A_77, %swap3A_78] {strides = array<i32>} : memref<4x384xf32, #tpu.memory_space<vmem>>, vector<1x16xf32>,
    %swap3A_80 = vector.shape_cast %swap3A_79 : vector<1x16xf32> to vector<16xf32>
    %swap3A_81 = vector.shape_cast %scan3A_57#3 : vector<16xf32> to vector<1x16xf32>
    tpu.vector_store %arg7[%swap3A_77, %swap3A_78], %swap3A_81 {strides = array<i32>} : memref<4x384xf32, #tpu.memory_space<vmem>>, vector<1x16xf32>,
    %swap3A_82 = arith.constant 0 : i32
    %swap3A_83 = arith.index_cast %swap3A_82 : i32 to index
    %swap3A_84 = arith.constant 64 : index
    %swap3A_85 = tpu.vector_load %arg7[%swap3A_83, %swap3A_84] {strides = array<i32>} : memref<4x384xf32, #tpu.memory_space<vmem>>, vector<1x16xf32>,
    %swap3A_86 = vector.shape_cast %swap3A_85 : vector<1x16xf32> to vector<16xf32>
    %swap3A_87 = vector.shape_cast %scan3A_57#4 : vector<16xf32> to vector<1x16xf32>
    tpu.vector_store %arg7[%swap3A_83, %swap3A_84], %swap3A_87 {strides = array<i32>} : memref<4x384xf32, #tpu.memory_space<vmem>>, vector<1x16xf32>,
    %swap3A_88 = arith.constant 0 : i32
    %swap3A_89 = arith.index_cast %swap3A_88 : i32 to index
    %swap3A_90 = arith.constant 80 : index
    %swap3A_91 = tpu.vector_load %arg7[%swap3A_89, %swap3A_90] {strides = array<i32>} : memref<4x384xf32, #tpu.memory_space<vmem>>, vector<1x16xf32>,
    %swap3A_92 = vector.shape_cast %swap3A_91 : vector<1x16xf32> to vector<16xf32>
    %swap3A_93 = vector.shape_cast %scan3A_57#5 : vector<16xf32> to vector<1x16xf32>
    tpu.vector_store %arg7[%swap3A_89, %swap3A_90], %swap3A_93 {strides = array<i32>} : memref<4x384xf32, #tpu.memory_space<vmem>>, vector<1x16xf32>,
    %swap3A_94 = arith.constant 0 : i32
    %swap3A_95 = arith.index_cast %swap3A_94 : i32 to index
    %swap3A_96 = arith.constant 96 : index
    %swap3A_97 = tpu.vector_load %arg7[%swap3A_95, %swap3A_96] {strides = array<i32>} : memref<4x384xf32, #tpu.memory_space<vmem>>, vector<1x16xf32>,
    %swap3A_98 = vector.shape_cast %swap3A_97 : vector<1x16xf32> to vector<16xf32>
    %swap3A_99 = vector.shape_cast %scan3A_57#6 : vector<16xf32> to vector<1x16xf32>
    tpu.vector_store %arg7[%swap3A_95, %swap3A_96], %swap3A_99 {strides = array<i32>} : memref<4x384xf32, #tpu.memory_space<vmem>>, vector<1x16xf32>,
    %swap3A_100 = arith.constant 0 : i32
    %swap3A_101 = arith.index_cast %swap3A_100 : i32 to index
    %swap3A_102 = arith.constant 112 : index
    %swap3A_103 = tpu.vector_load %arg7[%swap3A_101, %swap3A_102] {strides = array<i32>} : memref<4x384xf32, #tpu.memory_space<vmem>>, vector<1x16xf32>,
    %swap3A_104 = vector.shape_cast %swap3A_103 : vector<1x16xf32> to vector<16xf32>
    %swap3A_105 = vector.shape_cast %scan3A_57#7 : vector<16xf32> to vector<1x16xf32>
    tpu.vector_store %arg7[%swap3A_101, %swap3A_102], %swap3A_105 {strides = array<i32>} : memref<4x384xf32, #tpu.memory_space<vmem>>, vector<1x16xf32>,
    %swap3A_106 = arith.constant 0 : i32
    %swap3A_107 = arith.index_cast %swap3A_106 : i32 to index
    %swap3A_108 = arith.constant 128 : index
    %swap3A_109 = tpu.vector_load %arg7[%swap3A_107, %swap3A_108] {strides = array<i32>} : memref<4x384xf32, #tpu.memory_space<vmem>>, vector<1x16xf32>,
    %swap3A_110 = vector.shape_cast %swap3A_109 : vector<1x16xf32> to vector<16xf32>
    %swap3A_111 = vector.shape_cast %scan3A_57#8 : vector<16xf32> to vector<1x16xf32>
    tpu.vector_store %arg7[%swap3A_107, %swap3A_108], %swap3A_111 {strides = array<i32>} : memref<4x384xf32, #tpu.memory_space<vmem>>, vector<1x16xf32>,
    %swap3A_112 = arith.constant 0 : i32
    %swap3A_113 = arith.index_cast %swap3A_112 : i32 to index
    %swap3A_114 = arith.constant 144 : index
    %swap3A_115 = tpu.vector_load %arg7[%swap3A_113, %swap3A_114] {strides = array<i32>} : memref<4x384xf32, #tpu.memory_space<vmem>>, vector<1x16xf32>,
    %swap3A_116 = vector.shape_cast %swap3A_115 : vector<1x16xf32> to vector<16xf32>
    %swap3A_117 = vector.shape_cast %scan3A_57#9 : vector<16xf32> to vector<1x16xf32>
    tpu.vector_store %arg7[%swap3A_113, %swap3A_114], %swap3A_117 {strides = array<i32>} : memref<4x384xf32, #tpu.memory_space<vmem>>, vector<1x16xf32>,
    %swap3A_118 = arith.constant 0 : i32
    %swap3A_119 = arith.index_cast %swap3A_118 : i32 to index
    %swap3A_120 = arith.constant 160 : index
    %swap3A_121 = tpu.vector_load %arg7[%swap3A_119, %swap3A_120] {strides = array<i32>} : memref<4x384xf32, #tpu.memory_space<vmem>>, vector<1x16xf32>,
    %swap3A_122 = vector.shape_cast %swap3A_121 : vector<1x16xf32> to vector<16xf32>
    %swap3A_123 = vector.shape_cast %scan3A_57#10 : vector<16xf32> to vector<1x16xf32>
    tpu.vector_store %arg7[%swap3A_119, %swap3A_120], %swap3A_123 {strides = array<i32>} : memref<4x384xf32, #tpu.memory_space<vmem>>, vector<1x16xf32>,
    %swap3A_124 = arith.constant 0 : i32
    %swap3A_125 = arith.index_cast %swap3A_124 : i32 to index
    %swap3A_126 = arith.constant 176 : index
    %swap3A_127 = tpu.vector_load %arg7[%swap3A_125, %swap3A_126] {strides = array<i32>} : memref<4x384xf32, #tpu.memory_space<vmem>>, vector<1x16xf32>,
    %swap3A_128 = vector.shape_cast %swap3A_127 : vector<1x16xf32> to vector<16xf32>
    %swap3A_129 = vector.shape_cast %scan3A_57#11 : vector<16xf32> to vector<1x16xf32>
    tpu.vector_store %arg7[%swap3A_125, %swap3A_126], %swap3A_129 {strides = array<i32>} : memref<4x384xf32, #tpu.memory_space<vmem>>, vector<1x16xf32>,
    %swap3A_130 = arith.constant 0 : i32
    %swap3A_131 = arith.index_cast %swap3A_130 : i32 to index
    %swap3A_132 = arith.constant 192 : index
    %swap3A_133 = tpu.vector_load %arg7[%swap3A_131, %swap3A_132] {strides = array<i32>} : memref<4x384xf32, #tpu.memory_space<vmem>>, vector<1x16xf32>,
    %swap3A_134 = vector.shape_cast %swap3A_133 : vector<1x16xf32> to vector<16xf32>
    %swap3A_135 = vector.shape_cast %scan3A_57#12 : vector<16xf32> to vector<1x16xf32>
    tpu.vector_store %arg7[%swap3A_131, %swap3A_132], %swap3A_135 {strides = array<i32>} : memref<4x384xf32, #tpu.memory_space<vmem>>, vector<1x16xf32>,
    %swap3A_136 = arith.constant 0 : i32
    %swap3A_137 = arith.index_cast %swap3A_136 : i32 to index
    %swap3A_138 = arith.constant 208 : index
    %swap3A_139 = tpu.vector_load %arg7[%swap3A_137, %swap3A_138] {strides = array<i32>} : memref<4x384xf32, #tpu.memory_space<vmem>>, vector<1x16xf32>,
    %swap3A_140 = vector.shape_cast %swap3A_139 : vector<1x16xf32> to vector<16xf32>
    %swap3A_141 = vector.shape_cast %scan3A_57#13 : vector<16xf32> to vector<1x16xf32>
    tpu.vector_store %arg7[%swap3A_137, %swap3A_138], %swap3A_141 {strides = array<i32>} : memref<4x384xf32, #tpu.memory_space<vmem>>, vector<1x16xf32>,
    %swap3A_142 = arith.constant 0 : i32
    %swap3A_143 = arith.index_cast %swap3A_142 : i32 to index
    %swap3A_144 = arith.constant 224 : index
    %swap3A_145 = tpu.vector_load %arg7[%swap3A_143, %swap3A_144] {strides = array<i32>} : memref<4x384xf32, #tpu.memory_space<vmem>>, vector<1x16xf32>,
    %swap3A_146 = vector.shape_cast %swap3A_145 : vector<1x16xf32> to vector<16xf32>
    %swap3A_147 = vector.shape_cast %scan3A_57#14 : vector<16xf32> to vector<1x16xf32>
    tpu.vector_store %arg7[%swap3A_143, %swap3A_144], %swap3A_147 {strides = array<i32>} : memref<4x384xf32, #tpu.memory_space<vmem>>, vector<1x16xf32>,
    %swap3A_148 = arith.constant 0 : i32
    %swap3A_149 = arith.index_cast %swap3A_148 : i32 to index
    %swap3A_150 = arith.constant 240 : index
    %swap3A_151 = tpu.vector_load %arg7[%swap3A_149, %swap3A_150] {strides = array<i32>} : memref<4x384xf32, #tpu.memory_space<vmem>>, vector<1x16xf32>,
    %swap3A_152 = vector.shape_cast %swap3A_151 : vector<1x16xf32> to vector<16xf32>
    %swap3A_153 = vector.shape_cast %scan3A_57#15 : vector<16xf32> to vector<1x16xf32>
    tpu.vector_store %arg7[%swap3A_149, %swap3A_150], %swap3A_153 {strides = array<i32>} : memref<4x384xf32, #tpu.memory_space<vmem>>, vector<1x16xf32>,
    %swap3A_154 = arith.constant 0 : i32
    %swap3A_155 = arith.index_cast %swap3A_154 : i32 to index
    %swap3A_156 = arith.constant 256 : index
    %swap3A_157 = tpu.vector_load %arg7[%swap3A_155, %swap3A_156] {strides = array<i32>} : memref<4x384xf32, #tpu.memory_space<vmem>>, vector<1x16xf32>,
    %swap3A_158 = vector.shape_cast %swap3A_157 : vector<1x16xf32> to vector<16xf32>
    %swap3A_159 = vector.shape_cast %scan3A_57#16 : vector<16xf32> to vector<1x16xf32>
    tpu.vector_store %arg7[%swap3A_155, %swap3A_156], %swap3A_159 {strides = array<i32>} : memref<4x384xf32, #tpu.memory_space<vmem>>, vector<1x16xf32>,
    %swap3A_160 = arith.constant 0 : i32
    %swap3A_161 = arith.index_cast %swap3A_160 : i32 to index
    %swap3A_162 = arith.constant 272 : index
    %swap3A_163 = tpu.vector_load %arg7[%swap3A_161, %swap3A_162] {strides = array<i32>} : memref<4x384xf32, #tpu.memory_space<vmem>>, vector<1x16xf32>,
    %swap3A_164 = vector.shape_cast %swap3A_163 : vector<1x16xf32> to vector<16xf32>
    %swap3A_165 = vector.shape_cast %scan3A_57#17 : vector<16xf32> to vector<1x16xf32>
    tpu.vector_store %arg7[%swap3A_161, %swap3A_162], %swap3A_165 {strides = array<i32>} : memref<4x384xf32, #tpu.memory_space<vmem>>, vector<1x16xf32>,
    %swap3A_166 = arith.constant 0 : i32
    %swap3A_167 = arith.index_cast %swap3A_166 : i32 to index
    %swap3A_168 = arith.constant 288 : index
    %swap3A_169 = tpu.vector_load %arg7[%swap3A_167, %swap3A_168] {strides = array<i32>} : memref<4x384xf32, #tpu.memory_space<vmem>>, vector<1x16xf32>,
    %swap3A_170 = vector.shape_cast %swap3A_169 : vector<1x16xf32> to vector<16xf32>
    %swap3A_171 = vector.shape_cast %scan3A_57#18 : vector<16xf32> to vector<1x16xf32>
    tpu.vector_store %arg7[%swap3A_167, %swap3A_168], %swap3A_171 {strides = array<i32>} : memref<4x384xf32, #tpu.memory_space<vmem>>, vector<1x16xf32>,
    %swap3A_172 = arith.constant 0 : i32
    %swap3A_173 = arith.index_cast %swap3A_172 : i32 to index
    %swap3A_174 = arith.constant 304 : index
    %swap3A_175 = tpu.vector_load %arg7[%swap3A_173, %swap3A_174] {strides = array<i32>} : memref<4x384xf32, #tpu.memory_space<vmem>>, vector<1x16xf32>,
    %swap3A_176 = vector.shape_cast %swap3A_175 : vector<1x16xf32> to vector<16xf32>
    %swap3A_177 = vector.shape_cast %scan3A_57#19 : vector<16xf32> to vector<1x16xf32>
    tpu.vector_store %arg7[%swap3A_173, %swap3A_174], %swap3A_177 {strides = array<i32>} : memref<4x384xf32, #tpu.memory_space<vmem>>, vector<1x16xf32>,
    %swap3A_178 = arith.constant 0 : i32
    %swap3A_179 = arith.index_cast %swap3A_178 : i32 to index
    %swap3A_180 = arith.constant 320 : index
    %swap3A_181 = tpu.vector_load %arg7[%swap3A_179, %swap3A_180] {strides = array<i32>} : memref<4x384xf32, #tpu.memory_space<vmem>>, vector<1x16xf32>,
    %swap3A_182 = vector.shape_cast %swap3A_181 : vector<1x16xf32> to vector<16xf32>
    %swap3A_183 = vector.shape_cast %scan3A_57#20 : vector<16xf32> to vector<1x16xf32>
    tpu.vector_store %arg7[%swap3A_179, %swap3A_180], %swap3A_183 {strides = array<i32>} : memref<4x384xf32, #tpu.memory_space<vmem>>, vector<1x16xf32>,
    %swap3A_184 = arith.constant 0 : i32
    %swap3A_185 = arith.index_cast %swap3A_184 : i32 to index
    %swap3A_186 = arith.constant 336 : index
    %swap3A_187 = tpu.vector_load %arg7[%swap3A_185, %swap3A_186] {strides = array<i32>} : memref<4x384xf32, #tpu.memory_space<vmem>>, vector<1x16xf32>,
    %swap3A_188 = vector.shape_cast %swap3A_187 : vector<1x16xf32> to vector<16xf32>
    %swap3A_189 = vector.shape_cast %scan3A_57#21 : vector<16xf32> to vector<1x16xf32>
    tpu.vector_store %arg7[%swap3A_185, %swap3A_186], %swap3A_189 {strides = array<i32>} : memref<4x384xf32, #tpu.memory_space<vmem>>, vector<1x16xf32>,
    %swap3A_190 = arith.constant 0 : i32
    %swap3A_191 = arith.index_cast %swap3A_190 : i32 to index
    %swap3A_192 = arith.constant 352 : index
    %swap3A_193 = tpu.vector_load %arg7[%swap3A_191, %swap3A_192] {strides = array<i32>} : memref<4x384xf32, #tpu.memory_space<vmem>>, vector<1x16xf32>,
    %swap3A_194 = vector.shape_cast %swap3A_193 : vector<1x16xf32> to vector<16xf32>
    %swap3A_195 = vector.shape_cast %scan3A_57#22 : vector<16xf32> to vector<1x16xf32>
    tpu.vector_store %arg7[%swap3A_191, %swap3A_192], %swap3A_195 {strides = array<i32>} : memref<4x384xf32, #tpu.memory_space<vmem>>, vector<1x16xf32>,
    %swap3A_196 = arith.constant 0 : i32
    %swap3A_197 = arith.index_cast %swap3A_196 : i32 to index
    %swap3A_198 = arith.constant 368 : index
    %swap3A_199 = tpu.vector_load %arg7[%swap3A_197, %swap3A_198] {strides = array<i32>} : memref<4x384xf32, #tpu.memory_space<vmem>>, vector<1x16xf32>,
    %swap3A_200 = vector.shape_cast %swap3A_199 : vector<1x16xf32> to vector<16xf32>
    %swap3A_201 = vector.shape_cast %scan3A_57#23 : vector<16xf32> to vector<1x16xf32>
    tpu.vector_store %arg7[%swap3A_197, %swap3A_198], %swap3A_201 {strides = array<i32>} : memref<4x384xf32, #tpu.memory_space<vmem>>, vector<1x16xf32>,
    %broadcast_in_dim3A_202 = arith.constant 0.000000e+00 : f32
    %broadcast_in_dim3A_203 = vector.broadcast %broadcast_in_dim3A_202 : f32 to vector<16xf32>
    %broadcast_in_dim3A_204 = arith.constant 0.000000e+00 : f32
    %broadcast_in_dim3A_205 = vector.broadcast %broadcast_in_dim3A_204 : f32 to vector<16xf32>
    %broadcast_in_dim3A_206 = arith.constant 0.000000e+00 : f32
    %broadcast_in_dim3A_207 = vector.broadcast %broadcast_in_dim3A_206 : f32 to vector<16xf32>
    %broadcast_in_dim3A_208 = arith.constant 0.000000e+00 : f32
    %broadcast_in_dim3A_209 = vector.broadcast %broadcast_in_dim3A_208 : f32 to vector<16xf32>
    %broadcast_in_dim3A_210 = arith.constant 0.000000e+00 : f32
    %broadcast_in_dim3A_211 = vector.broadcast %broadcast_in_dim3A_210 : f32 to vector<16xf32>
    %broadcast_in_dim3A_212 = arith.constant 0.000000e+00 : f32
    %broadcast_in_dim3A_213 = vector.broadcast %broadcast_in_dim3A_212 : f32 to vector<16xf32>
    %broadcast_in_dim3A_214 = arith.constant 0.000000e+00 : f32
    %broadcast_in_dim3A_215 = vector.broadcast %broadcast_in_dim3A_214 : f32 to vector<16xf32>
    %broadcast_in_dim3A_216 = arith.constant 0.000000e+00 : f32
    %broadcast_in_dim3A_217 = vector.broadcast %broadcast_in_dim3A_216 : f32 to vector<16xf32>
    %broadcast_in_dim3A_218 = arith.constant 0.000000e+00 : f32
    %broadcast_in_dim3A_219 = vector.broadcast %broadcast_in_dim3A_218 : f32 to vector<16xf32>
    %broadcast_in_dim3A_220 = arith.constant 0.000000e+00 : f32
    %broadcast_in_dim3A_221 = vector.broadcast %broadcast_in_dim3A_220 : f32 to vector<16xf32>
    %broadcast_in_dim3A_222 = arith.constant 0.000000e+00 : f32
    %broadcast_in_dim3A_223 = vector.broadcast %broadcast_in_dim3A_222 : f32 to vector<16xf32>
    %broadcast_in_dim3A_224 = arith.constant 0.000000e+00 : f32
    %broadcast_in_dim3A_225 = vector.broadcast %broadcast_in_dim3A_224 : f32 to vector<16xf32>
    %broadcast_in_dim3A_226 = arith.constant 0.000000e+00 : f32
    %broadcast_in_dim3A_227 = vector.broadcast %broadcast_in_dim3A_226 : f32 to vector<16xf32>
    %broadcast_in_dim3A_228 = arith.constant 0.000000e+00 : f32
    %broadcast_in_dim3A_229 = vector.broadcast %broadcast_in_dim3A_228 : f32 to vector<16xf32>
    %broadcast_in_dim3A_230 = arith.constant 0.000000e+00 : f32
    %broadcast_in_dim3A_231 = vector.broadcast %broadcast_in_dim3A_230 : f32 to vector<16xf32>
    %broadcast_in_dim3A_232 = arith.constant 0.000000e+00 : f32
    %broadcast_in_dim3A_233 = vector.broadcast %broadcast_in_dim3A_232 : f32 to vector<16xf32>
    %broadcast_in_dim3A_234 = arith.constant 0.000000e+00 : f32
    %broadcast_in_dim3A_235 = vector.broadcast %broadcast_in_dim3A_234 : f32 to vector<16xf32>
    %broadcast_in_dim3A_236 = arith.constant 0.000000e+00 : f32
    %broadcast_in_dim3A_237 = vector.broadcast %broadcast_in_dim3A_236 : f32 to vector<16xf32>
    %broadcast_in_dim3A_238 = arith.constant 0.000000e+00 : f32
    %broadcast_in_dim3A_239 = vector.broadcast %broadcast_in_dim3A_238 : f32 to vector<16xf32>
    %broadcast_in_dim3A_240 = arith.constant 0.000000e+00 : f32
    %broadcast_in_dim3A_241 = vector.broadcast %broadcast_in_dim3A_240 : f32 to vector<16xf32>
    %broadcast_in_dim3A_242 = arith.constant 0.000000e+00 : f32
    %broadcast_in_dim3A_243 = vector.broadcast %broadcast_in_dim3A_242 : f32 to vector<16xf32>
    %broadcast_in_dim3A_244 = arith.constant 0.000000e+00 : f32
    %broadcast_in_dim3A_245 = vector.broadcast %broadcast_in_dim3A_244 : f32 to vector<16xf32>
    %broadcast_in_dim3A_246 = arith.constant 0.000000e+00 : f32
    %broadcast_in_dim3A_247 = vector.broadcast %broadcast_in_dim3A_246 : f32 to vector<16xf32>
    %broadcast_in_dim3A_248 = arith.constant 0.000000e+00 : f32
    %broadcast_in_dim3A_249 = vector.broadcast %broadcast_in_dim3A_248 : f32 to vector<16xf32>
    %scan3A_250 = arith.constant 0 : i32
    %scan3A_251 = arith.constant 20 : i32
    %scan3A_252 = arith.addi %scan3A_250, %scan3A_251 : i32
    %scan3A_253 = arith.constant 1 : i32
    %scan3A_254:24 = scf.for %scan3A_798 = %scan3A_250 to %scan3A_252 step %scan3A_253 iter_args(%scan3A_799 = %broadcast_in_dim3A_203, %scan3A_800 = %broadcast_in_dim3A_205, %scan3A_801 = %broadcast_in_dim3A_207, %scan3A_802 = %broadcast_in_dim3A_209, %scan3A_803 = %broadcast_in_dim3A_211, %scan3A_804 = %broadcast_in_dim3A_213, %scan3A_805 = %broadcast_in_dim3A_215, %scan3A_806 = %broadcast_in_dim3A_217, %scan3A_807 = %broadcast_in_dim3A_219, %scan3A_808 = %broadcast_in_dim3A_221, %scan3A_809 = %broadcast_in_dim3A_223, %scan3A_810 = %broadcast_in_dim3A_225, %scan3A_811 = %broadcast_in_dim3A_227, %scan3A_812 = %broadcast_in_dim3A_229, %scan3A_813 = %broadcast_in_dim3A_231, %scan3A_814 = %broadcast_in_dim3A_233, %scan3A_815 = %broadcast_in_dim3A_235, %scan3A_816 = %broadcast_in_dim3A_237, %scan3A_817 = %broadcast_in_dim3A_239, %scan3A_818 = %broadcast_in_dim3A_241, %scan3A_819 = %broadcast_in_dim3A_243, %scan3A_820 = %broadcast_in_dim3A_245, %scan3A_821 = %broadcast_in_dim3A_247, %scan3A_822 = %broadcast_in_dim3A_249) -> (vector<16xf32>, vector<16xf32>, vector<16xf32>, vector<16xf32>, vector<16xf32>, vector<16xf32>, vector<16xf32>, vector<16xf32>, vector<16xf32>, vector<16xf32>, vector<16xf32>, vector<16xf32>, vector<16xf32>, vector<16xf32>, vector<16xf32>, vector<16xf32>, vector<16xf32>, vector<16xf32>, vector<16xf32>, vector<16xf32>, vector<16xf32>, vector<16xf32>, vector<16xf32>, vector<16xf32>)  : i32 {
      %add3A_823 = arith.constant 20 : i32
      %add3A_824 = arith.addi %add3A_823, %scan3A_798 : i32
      %get3A = arith.index_cast %add3A_824 : i32 to index
      %get3A_825 = arith.constant 0 : index
      %get3A_826 = tpu.vector_load %arg6[%get3A, %get3A_825] {strides = array<i32>} : memref<80x384xf32, #tpu.memory_space<vmem>>, vector<1x16xf32>,
      %get3A_827 = vector.shape_cast %get3A_826 : vector<1x16xf32> to vector<16xf32>
      %add3A_828 = arith.addf %scan3A_799, %get3A_827 : vector<16xf32>
      %get3A_829 = arith.index_cast %add3A_824 : i32 to index
      %get3A_830 = arith.constant 16 : index
      %get3A_831 = tpu.vector_load %arg6[%get3A_829, %get3A_830] {strides = array<i32>} : memref<80x384xf32, #tpu.memory_space<vmem>>, vector<1x16xf32>,
      %get3A_832 = vector.shape_cast %get3A_831 : vector<1x16xf32> to vector<16xf32>
      %add3A_833 = arith.addf %scan3A_800, %get3A_832 : vector<16xf32>
      %get3A_834 = arith.index_cast %add3A_824 : i32 to index
      %get3A_835 = arith.constant 32 : index
      %get3A_836 = tpu.vector_load %arg6[%get3A_834, %get3A_835] {strides = array<i32>} : memref<80x384xf32, #tpu.memory_space<vmem>>, vector<1x16xf32>,
      %get3A_837 = vector.shape_cast %get3A_836 : vector<1x16xf32> to vector<16xf32>
      %add3A_838 = arith.addf %scan3A_801, %get3A_837 : vector<16xf32>
      %get3A_839 = arith.index_cast %add3A_824 : i32 to index
      %get3A_840 = arith.constant 48 : index
      %get3A_841 = tpu.vector_load %arg6[%get3A_839, %get3A_840] {strides = array<i32>} : memref<80x384xf32, #tpu.memory_space<vmem>>, vector<1x16xf32>,
      %get3A_842 = vector.shape_cast %get3A_841 : vector<1x16xf32> to vector<16xf32>
      %add3A_843 = arith.addf %scan3A_802, %get3A_842 : vector<16xf32>
      %get3A_844 = arith.index_cast %add3A_824 : i32 to index
      %get3A_845 = arith.constant 64 : index
      %get3A_846 = tpu.vector_load %arg6[%get3A_844, %get3A_845] {strides = array<i32>} : memref<80x384xf32, #tpu.memory_space<vmem>>, vector<1x16xf32>,
      %get3A_847 = vector.shape_cast %get3A_846 : vector<1x16xf32> to vector<16xf32>
      %add3A_848 = arith.addf %scan3A_803, %get3A_847 : vector<16xf32>
      %get3A_849 = arith.index_cast %add3A_824 : i32 to index
      %get3A_850 = arith.constant 80 : index
      %get3A_851 = tpu.vector_load %arg6[%get3A_849, %get3A_850] {strides = array<i32>} : memref<80x384xf32, #tpu.memory_space<vmem>>, vector<1x16xf32>,
      %get3A_852 = vector.shape_cast %get3A_851 : vector<1x16xf32> to vector<16xf32>
      %add3A_853 = arith.addf %scan3A_804, %get3A_852 : vector<16xf32>
      %get3A_854 = arith.index_cast %add3A_824 : i32 to index
      %get3A_855 = arith.constant 96 : index
      %get3A_856 = tpu.vector_load %arg6[%get3A_854, %get3A_855] {strides = array<i32>} : memref<80x384xf32, #tpu.memory_space<vmem>>, vector<1x16xf32>,
      %get3A_857 = vector.shape_cast %get3A_856 : vector<1x16xf32> to vector<16xf32>
      %add3A_858 = arith.addf %scan3A_805, %get3A_857 : vector<16xf32>
      %get3A_859 = arith.index_cast %add3A_824 : i32 to index
      %get3A_860 = arith.constant 112 : index
      %get3A_861 = tpu.vector_load %arg6[%get3A_859, %get3A_860] {strides = array<i32>} : memref<80x384xf32, #tpu.memory_space<vmem>>, vector<1x16xf32>,
      %get3A_862 = vector.shape_cast %get3A_861 : vector<1x16xf32> to vector<16xf32>
      %add3A_863 = arith.addf %scan3A_806, %get3A_862 : vector<16xf32>
      %get3A_864 = arith.index_cast %add3A_824 : i32 to index
      %get3A_865 = arith.constant 128 : index
      %get3A_866 = tpu.vector_load %arg6[%get3A_864, %get3A_865] {strides = array<i32>} : memref<80x384xf32, #tpu.memory_space<vmem>>, vector<1x16xf32>,
      %get3A_867 = vector.shape_cast %get3A_866 : vector<1x16xf32> to vector<16xf32>
      %add3A_868 = arith.addf %scan3A_807, %get3A_867 : vector<16xf32>
      %get3A_869 = arith.index_cast %add3A_824 : i32 to index
      %get3A_870 = arith.constant 144 : index
      %get3A_871 = tpu.vector_load %arg6[%get3A_869, %get3A_870] {strides = array<i32>} : memref<80x384xf32, #tpu.memory_space<vmem>>, vector<1x16xf32>,
      %get3A_872 = vector.shape_cast %get3A_871 : vector<1x16xf32> to vector<16xf32>
      %add3A_873 = arith.addf %scan3A_808, %get3A_872 : vector<16xf32>
      %get3A_874 = arith.index_cast %add3A_824 : i32 to index
      %get3A_875 = arith.constant 160 : index
      %get3A_876 = tpu.vector_load %arg6[%get3A_874, %get3A_875] {strides = array<i32>} : memref<80x384xf32, #tpu.memory_space<vmem>>, vector<1x16xf32>,
      %get3A_877 = vector.shape_cast %get3A_876 : vector<1x16xf32> to vector<16xf32>
      %add3A_878 = arith.addf %scan3A_809, %get3A_877 : vector<16xf32>
      %get3A_879 = arith.index_cast %add3A_824 : i32 to index
      %get3A_880 = arith.constant 176 : index
      %get3A_881 = tpu.vector_load %arg6[%get3A_879, %get3A_880] {strides = array<i32>} : memref<80x384xf32, #tpu.memory_space<vmem>>, vector<1x16xf32>,
      %get3A_882 = vector.shape_cast %get3A_881 : vector<1x16xf32> to vector<16xf32>
      %add3A_883 = arith.addf %scan3A_810, %get3A_882 : vector<16xf32>
      %get3A_884 = arith.index_cast %add3A_824 : i32 to index
      %get3A_885 = arith.constant 192 : index
      %get3A_886 = tpu.vector_load %arg6[%get3A_884, %get3A_885] {strides = array<i32>} : memref<80x384xf32, #tpu.memory_space<vmem>>, vector<1x16xf32>,
      %get3A_887 = vector.shape_cast %get3A_886 : vector<1x16xf32> to vector<16xf32>
      %add3A_888 = arith.addf %scan3A_811, %get3A_887 : vector<16xf32>
      %get3A_889 = arith.index_cast %add3A_824 : i32 to index
      %get3A_890 = arith.constant 208 : index
      %get3A_891 = tpu.vector_load %arg6[%get3A_889, %get3A_890] {strides = array<i32>} : memref<80x384xf32, #tpu.memory_space<vmem>>, vector<1x16xf32>,
      %get3A_892 = vector.shape_cast %get3A_891 : vector<1x16xf32> to vector<16xf32>
      %add3A_893 = arith.addf %scan3A_812, %get3A_892 : vector<16xf32>
      %get3A_894 = arith.index_cast %add3A_824 : i32 to index
      %get3A_895 = arith.constant 224 : index
      %get3A_896 = tpu.vector_load %arg6[%get3A_894, %get3A_895] {strides = array<i32>} : memref<80x384xf32, #tpu.memory_space<vmem>>, vector<1x16xf32>,
      %get3A_897 = vector.shape_cast %get3A_896 : vector<1x16xf32> to vector<16xf32>
      %add3A_898 = arith.addf %scan3A_813, %get3A_897 : vector<16xf32>
      %get3A_899 = arith.index_cast %add3A_824 : i32 to index
      %get3A_900 = arith.constant 240 : index
      %get3A_901 = tpu.vector_load %arg6[%get3A_899, %get3A_900] {strides = array<i32>} : memref<80x384xf32, #tpu.memory_space<vmem>>, vector<1x16xf32>,
      %get3A_902 = vector.shape_cast %get3A_901 : vector<1x16xf32> to vector<16xf32>
      %add3A_903 = arith.addf %scan3A_814, %get3A_902 : vector<16xf32>
      %get3A_904 = arith.index_cast %add3A_824 : i32 to index
      %get3A_905 = arith.constant 256 : index
      %get3A_906 = tpu.vector_load %arg6[%get3A_904, %get3A_905] {strides = array<i32>} : memref<80x384xf32, #tpu.memory_space<vmem>>, vector<1x16xf32>,
      %get3A_907 = vector.shape_cast %get3A_906 : vector<1x16xf32> to vector<16xf32>
      %add3A_908 = arith.addf %scan3A_815, %get3A_907 : vector<16xf32>
      %get3A_909 = arith.index_cast %add3A_824 : i32 to index
      %get3A_910 = arith.constant 272 : index
      %get3A_911 = tpu.vector_load %arg6[%get3A_909, %get3A_910] {strides = array<i32>} : memref<80x384xf32, #tpu.memory_space<vmem>>, vector<1x16xf32>,
      %get3A_912 = vector.shape_cast %get3A_911 : vector<1x16xf32> to vector<16xf32>
      %add3A_913 = arith.addf %scan3A_816, %get3A_912 : vector<16xf32>
      %get3A_914 = arith.index_cast %add3A_824 : i32 to index
      %get3A_915 = arith.constant 288 : index
      %get3A_916 = tpu.vector_load %arg6[%get3A_914, %get3A_915] {strides = array<i32>} : memref<80x384xf32, #tpu.memory_space<vmem>>, vector<1x16xf32>,
      %get3A_917 = vector.shape_cast %get3A_916 : vector<1x16xf32> to vector<16xf32>
      %add3A_918 = arith.addf %scan3A_817, %get3A_917 : vector<16xf32>
      %get3A_919 = arith.index_cast %add3A_824 : i32 to index
      %get3A_920 = arith.constant 304 : index
      %get3A_921 = tpu.vector_load %arg6[%get3A_919, %get3A_920] {strides = array<i32>} : memref<80x384xf32, #tpu.memory_space<vmem>>, vector<1x16xf32>,
      %get3A_922 = vector.shape_cast %get3A_921 : vector<1x16xf32> to vector<16xf32>
      %add3A_923 = arith.addf %scan3A_818, %get3A_922 : vector<16xf32>
      %get3A_924 = arith.index_cast %add3A_824 : i32 to index
      %get3A_925 = arith.constant 320 : index
      %get3A_926 = tpu.vector_load %arg6[%get3A_924, %get3A_925] {strides = array<i32>} : memref<80x384xf32, #tpu.memory_space<vmem>>, vector<1x16xf32>,
      %get3A_927 = vector.shape_cast %get3A_926 : vector<1x16xf32> to vector<16xf32>
      %add3A_928 = arith.addf %scan3A_819, %get3A_927 : vector<16xf32>
      %get3A_929 = arith.index_cast %add3A_824 : i32 to index
      %get3A_930 = arith.constant 336 : index
      %get3A_931 = tpu.vector_load %arg6[%get3A_929, %get3A_930] {strides = array<i32>} : memref<80x384xf32, #tpu.memory_space<vmem>>, vector<1x16xf32>,
      %get3A_932 = vector.shape_cast %get3A_931 : vector<1x16xf32> to vector<16xf32>
      %add3A_933 = arith.addf %scan3A_820, %get3A_932 : vector<16xf32>
      %get3A_934 = arith.index_cast %add3A_824 : i32 to index
      %get3A_935 = arith.constant 352 : index
      %get3A_936 = tpu.vector_load %arg6[%get3A_934, %get3A_935] {strides = array<i32>} : memref<80x384xf32, #tpu.memory_space<vmem>>, vector<1x16xf32>,
      %get3A_937 = vector.shape_cast %get3A_936 : vector<1x16xf32> to vector<16xf32>
      %add3A_938 = arith.addf %scan3A_821, %get3A_937 : vector<16xf32>
      %get3A_939 = arith.index_cast %add3A_824 : i32 to index
      %get3A_940 = arith.constant 368 : index
      %get3A_941 = tpu.vector_load %arg6[%get3A_939, %get3A_940] {strides = array<i32>} : memref<80x384xf32, #tpu.memory_space<vmem>>, vector<1x16xf32>,
      %get3A_942 = vector.shape_cast %get3A_941 : vector<1x16xf32> to vector<16xf32>
      %add3A_943 = arith.addf %scan3A_822, %get3A_942 : vector<16xf32>
      scf.yield %add3A_828, %add3A_833, %add3A_838, %add3A_843, %add3A_848, %add3A_853, %add3A_858, %add3A_863, %add3A_868, %add3A_873, %add3A_878, %add3A_883, %add3A_888, %add3A_893, %add3A_898, %add3A_903, %add3A_908, %add3A_913, %add3A_918, %add3A_923, %add3A_928, %add3A_933, %add3A_938, %add3A_943 : vector<16xf32>, vector<16xf32>, vector<16xf32>, vector<16xf32>, vector<16xf32>, vector<16xf32>, vector<16xf32>, vector<16xf32>, vector<16xf32>, vector<16xf32>, vector<16xf32>, vector<16xf32>, vector<16xf32>, vector<16xf32>, vector<16xf32>, vector<16xf32>, vector<16xf32>, vector<16xf32>, vector<16xf32>, vector<16xf32>, vector<16xf32>, vector<16xf32>, vector<16xf32>, vector<16xf32>
    }
    %scan3A_255 = arith.constant 20 : i32
    %swap3A_256 = arith.constant 1 : i32
    %swap3A_257 = arith.index_cast %swap3A_256 : i32 to index
    %swap3A_258 = arith.constant 0 : index
    %swap3A_259 = tpu.vector_load %arg7[%swap3A_257, %swap3A_258] {strides = array<i32>} : memref<4x384xf32, #tpu.memory_space<vmem>>, vector<1x16xf32>,
    %swap3A_260 = vector.shape_cast %swap3A_259 : vector<1x16xf32> to vector<16xf32>
    %swap3A_261 = vector.shape_cast %scan3A_254#0 : vector<16xf32> to vector<1x16xf32>
    tpu.vector_store %arg7[%swap3A_257, %swap3A_258], %swap3A_261 {strides = array<i32>} : memref<4x384xf32, #tpu.memory_space<vmem>>, vector<1x16xf32>,
    %swap3A_262 = arith.constant 1 : i32
    %swap3A_263 = arith.index_cast %swap3A_262 : i32 to index
    %swap3A_264 = arith.constant 16 : index
    %swap3A_265 = tpu.vector_load %arg7[%swap3A_263, %swap3A_264] {strides = array<i32>} : memref<4x384xf32, #tpu.memory_space<vmem>>, vector<1x16xf32>,
    %swap3A_266 = vector.shape_cast %swap3A_265 : vector<1x16xf32> to vector<16xf32>
    %swap3A_267 = vector.shape_cast %scan3A_254#1 : vector<16xf32> to vector<1x16xf32>
    tpu.vector_store %arg7[%swap3A_263, %swap3A_264], %swap3A_267 {strides = array<i32>} : memref<4x384xf32, #tpu.memory_space<vmem>>, vector<1x16xf32>,
    %swap3A_268 = arith.constant 1 : i32
    %swap3A_269 = arith.index_cast %swap3A_268 : i32 to index
    %swap3A_270 = arith.constant 32 : index
    %swap3A_271 = tpu.vector_load %arg7[%swap3A_269, %swap3A_270] {strides = array<i32>} : memref<4x384xf32, #tpu.memory_space<vmem>>, vector<1x16xf32>,
    %swap3A_272 = vector.shape_cast %swap3A_271 : vector<1x16xf32> to vector<16xf32>
    %swap3A_273 = vector.shape_cast %scan3A_254#2 : vector<16xf32> to vector<1x16xf32>
    tpu.vector_store %arg7[%swap3A_269, %swap3A_270], %swap3A_273 {strides = array<i32>} : memref<4x384xf32, #tpu.memory_space<vmem>>, vector<1x16xf32>,
    %swap3A_274 = arith.constant 1 : i32
    %swap3A_275 = arith.index_cast %swap3A_274 : i32 to index
    %swap3A_276 = arith.constant 48 : index
    %swap3A_277 = tpu.vector_load %arg7[%swap3A_275, %swap3A_276] {strides = array<i32>} : memref<4x384xf32, #tpu.memory_space<vmem>>, vector<1x16xf32>,
    %swap3A_278 = vector.shape_cast %swap3A_277 : vector<1x16xf32> to vector<16xf32>
    %swap3A_279 = vector.shape_cast %scan3A_254#3 : vector<16xf32> to vector<1x16xf32>
    tpu.vector_store %arg7[%swap3A_275, %swap3A_276], %swap3A_279 {strides = array<i32>} : memref<4x384xf32, #tpu.memory_space<vmem>>, vector<1x16xf32>,
    %swap3A_280 = arith.constant 1 : i32
    %swap3A_281 = arith.index_cast %swap3A_280 : i32 to index
    %swap3A_282 = arith.constant 64 : index
    %swap3A_283 = tpu.vector_load %arg7[%swap3A_281, %swap3A_282] {strides = array<i32>} : memref<4x384xf32, #tpu.memory_space<vmem>>, vector<1x16xf32>,
    %swap3A_284 = vector.shape_cast %swap3A_283 : vector<1x16xf32> to vector<16xf32>
    %swap3A_285 = vector.shape_cast %scan3A_254#4 : vector<16xf32> to vector<1x16xf32>
    tpu.vector_store %arg7[%swap3A_281, %swap3A_282], %swap3A_285 {strides = array<i32>} : memref<4x384xf32, #tpu.memory_space<vmem>>, vector<1x16xf32>,
    %swap3A_286 = arith.constant 1 : i32
    %swap3A_287 = arith.index_cast %swap3A_286 : i32 to index
    %swap3A_288 = arith.constant 80 : index
    %swap3A_289 = tpu.vector_load %arg7[%swap3A_287, %swap3A_288] {strides = array<i32>} : memref<4x384xf32, #tpu.memory_space<vmem>>, vector<1x16xf32>,
    %swap3A_290 = vector.shape_cast %swap3A_289 : vector<1x16xf32> to vector<16xf32>
    %swap3A_291 = vector.shape_cast %scan3A_254#5 : vector<16xf32> to vector<1x16xf32>
    tpu.vector_store %arg7[%swap3A_287, %swap3A_288], %swap3A_291 {strides = array<i32>} : memref<4x384xf32, #tpu.memory_space<vmem>>, vector<1x16xf32>,
    %swap3A_292 = arith.constant 1 : i32
    %swap3A_293 = arith.index_cast %swap3A_292 : i32 to index
    %swap3A_294 = arith.constant 96 : index
    %swap3A_295 = tpu.vector_load %arg7[%swap3A_293, %swap3A_294] {strides = array<i32>} : memref<4x384xf32, #tpu.memory_space<vmem>>, vector<1x16xf32>,
    %swap3A_296 = vector.shape_cast %swap3A_295 : vector<1x16xf32> to vector<16xf32>
    %swap3A_297 = vector.shape_cast %scan3A_254#6 : vector<16xf32> to vector<1x16xf32>
    tpu.vector_store %arg7[%swap3A_293, %swap3A_294], %swap3A_297 {strides = array<i32>} : memref<4x384xf32, #tpu.memory_space<vmem>>, vector<1x16xf32>,
    %swap3A_298 = arith.constant 1 : i32
    %swap3A_299 = arith.index_cast %swap3A_298 : i32 to index
    %swap3A_300 = arith.constant 112 : index
    %swap3A_301 = tpu.vector_load %arg7[%swap3A_299, %swap3A_300] {strides = array<i32>} : memref<4x384xf32, #tpu.memory_space<vmem>>, vector<1x16xf32>,
    %swap3A_302 = vector.shape_cast %swap3A_301 : vector<1x16xf32> to vector<16xf32>
    %swap3A_303 = vector.shape_cast %scan3A_254#7 : vector<16xf32> to vector<1x16xf32>
    tpu.vector_store %arg7[%swap3A_299, %swap3A_300], %swap3A_303 {strides = array<i32>} : memref<4x384xf32, #tpu.memory_space<vmem>>, vector<1x16xf32>,
    %swap3A_304 = arith.constant 1 : i32
    %swap3A_305 = arith.index_cast %swap3A_304 : i32 to index
    %swap3A_306 = arith.constant 128 : index
    %swap3A_307 = tpu.vector_load %arg7[%swap3A_305, %swap3A_306] {strides = array<i32>} : memref<4x384xf32, #tpu.memory_space<vmem>>, vector<1x16xf32>,
    %swap3A_308 = vector.shape_cast %swap3A_307 : vector<1x16xf32> to vector<16xf32>
    %swap3A_309 = vector.shape_cast %scan3A_254#8 : vector<16xf32> to vector<1x16xf32>
    tpu.vector_store %arg7[%swap3A_305, %swap3A_306], %swap3A_309 {strides = array<i32>} : memref<4x384xf32, #tpu.memory_space<vmem>>, vector<1x16xf32>,
    %swap3A_310 = arith.constant 1 : i32
    %swap3A_311 = arith.index_cast %swap3A_310 : i32 to index
    %swap3A_312 = arith.constant 144 : index
    %swap3A_313 = tpu.vector_load %arg7[%swap3A_311, %swap3A_312] {strides = array<i32>} : memref<4x384xf32, #tpu.memory_space<vmem>>, vector<1x16xf32>,
    %swap3A_314 = vector.shape_cast %swap3A_313 : vector<1x16xf32> to vector<16xf32>
    %swap3A_315 = vector.shape_cast %scan3A_254#9 : vector<16xf32> to vector<1x16xf32>
    tpu.vector_store %arg7[%swap3A_311, %swap3A_312], %swap3A_315 {strides = array<i32>} : memref<4x384xf32, #tpu.memory_space<vmem>>, vector<1x16xf32>,
    %swap3A_316 = arith.constant 1 : i32
    %swap3A_317 = arith.index_cast %swap3A_316 : i32 to index
    %swap3A_318 = arith.constant 160 : index
    %swap3A_319 = tpu.vector_load %arg7[%swap3A_317, %swap3A_318] {strides = array<i32>} : memref<4x384xf32, #tpu.memory_space<vmem>>, vector<1x16xf32>,
    %swap3A_320 = vector.shape_cast %swap3A_319 : vector<1x16xf32> to vector<16xf32>
    %swap3A_321 = vector.shape_cast %scan3A_254#10 : vector<16xf32> to vector<1x16xf32>
    tpu.vector_store %arg7[%swap3A_317, %swap3A_318], %swap3A_321 {strides = array<i32>} : memref<4x384xf32, #tpu.memory_space<vmem>>, vector<1x16xf32>,
    %swap3A_322 = arith.constant 1 : i32
    %swap3A_323 = arith.index_cast %swap3A_322 : i32 to index
    %swap3A_324 = arith.constant 176 : index
    %swap3A_325 = tpu.vector_load %arg7[%swap3A_323, %swap3A_324] {strides = array<i32>} : memref<4x384xf32, #tpu.memory_space<vmem>>, vector<1x16xf32>,
    %swap3A_326 = vector.shape_cast %swap3A_325 : vector<1x16xf32> to vector<16xf32>
    %swap3A_327 = vector.shape_cast %scan3A_254#11 : vector<16xf32> to vector<1x16xf32>
    tpu.vector_store %arg7[%swap3A_323, %swap3A_324], %swap3A_327 {strides = array<i32>} : memref<4x384xf32, #tpu.memory_space<vmem>>, vector<1x16xf32>,
    %swap3A_328 = arith.constant 1 : i32
    %swap3A_329 = arith.index_cast %swap3A_328 : i32 to index
    %swap3A_330 = arith.constant 192 : index
    %swap3A_331 = tpu.vector_load %arg7[%swap3A_329, %swap3A_330] {strides = array<i32>} : memref<4x384xf32, #tpu.memory_space<vmem>>, vector<1x16xf32>,
    %swap3A_332 = vector.shape_cast %swap3A_331 : vector<1x16xf32> to vector<16xf32>
    %swap3A_333 = vector.shape_cast %scan3A_254#12 : vector<16xf32> to vector<1x16xf32>
    tpu.vector_store %arg7[%swap3A_329, %swap3A_330], %swap3A_333 {strides = array<i32>} : memref<4x384xf32, #tpu.memory_space<vmem>>, vector<1x16xf32>,
    %swap3A_334 = arith.constant 1 : i32
    %swap3A_335 = arith.index_cast %swap3A_334 : i32 to index
    %swap3A_336 = arith.constant 208 : index
    %swap3A_337 = tpu.vector_load %arg7[%swap3A_335, %swap3A_336] {strides = array<i32>} : memref<4x384xf32, #tpu.memory_space<vmem>>, vector<1x16xf32>,
    %swap3A_338 = vector.shape_cast %swap3A_337 : vector<1x16xf32> to vector<16xf32>
    %swap3A_339 = vector.shape_cast %scan3A_254#13 : vector<16xf32> to vector<1x16xf32>
    tpu.vector_store %arg7[%swap3A_335, %swap3A_336], %swap3A_339 {strides = array<i32>} : memref<4x384xf32, #tpu.memory_space<vmem>>, vector<1x16xf32>,
    %swap3A_340 = arith.constant 1 : i32
    %swap3A_341 = arith.index_cast %swap3A_340 : i32 to index
    %swap3A_342 = arith.constant 224 : index
    %swap3A_343 = tpu.vector_load %arg7[%swap3A_341, %swap3A_342] {strides = array<i32>} : memref<4x384xf32, #tpu.memory_space<vmem>>, vector<1x16xf32>,
    %swap3A_344 = vector.shape_cast %swap3A_343 : vector<1x16xf32> to vector<16xf32>
    %swap3A_345 = vector.shape_cast %scan3A_254#14 : vector<16xf32> to vector<1x16xf32>
    tpu.vector_store %arg7[%swap3A_341, %swap3A_342], %swap3A_345 {strides = array<i32>} : memref<4x384xf32, #tpu.memory_space<vmem>>, vector<1x16xf32>,
    %swap3A_346 = arith.constant 1 : i32
    %swap3A_347 = arith.index_cast %swap3A_346 : i32 to index
    %swap3A_348 = arith.constant 240 : index
    %swap3A_349 = tpu.vector_load %arg7[%swap3A_347, %swap3A_348] {strides = array<i32>} : memref<4x384xf32, #tpu.memory_space<vmem>>, vector<1x16xf32>,
    %swap3A_350 = vector.shape_cast %swap3A_349 : vector<1x16xf32> to vector<16xf32>
    %swap3A_351 = vector.shape_cast %scan3A_254#15 : vector<16xf32> to vector<1x16xf32>
    tpu.vector_store %arg7[%swap3A_347, %swap3A_348], %swap3A_351 {strides = array<i32>} : memref<4x384xf32, #tpu.memory_space<vmem>>, vector<1x16xf32>,
    %swap3A_352 = arith.constant 1 : i32
    %swap3A_353 = arith.index_cast %swap3A_352 : i32 to index
    %swap3A_354 = arith.constant 256 : index
    %swap3A_355 = tpu.vector_load %arg7[%swap3A_353, %swap3A_354] {strides = array<i32>} : memref<4x384xf32, #tpu.memory_space<vmem>>, vector<1x16xf32>,
    %swap3A_356 = vector.shape_cast %swap3A_355 : vector<1x16xf32> to vector<16xf32>
    %swap3A_357 = vector.shape_cast %scan3A_254#16 : vector<16xf32> to vector<1x16xf32>
    tpu.vector_store %arg7[%swap3A_353, %swap3A_354], %swap3A_357 {strides = array<i32>} : memref<4x384xf32, #tpu.memory_space<vmem>>, vector<1x16xf32>,
    %swap3A_358 = arith.constant 1 : i32
    %swap3A_359 = arith.index_cast %swap3A_358 : i32 to index
    %swap3A_360 = arith.constant 272 : index
    %swap3A_361 = tpu.vector_load %arg7[%swap3A_359, %swap3A_360] {strides = array<i32>} : memref<4x384xf32, #tpu.memory_space<vmem>>, vector<1x16xf32>,
    %swap3A_362 = vector.shape_cast %swap3A_361 : vector<1x16xf32> to vector<16xf32>
    %swap3A_363 = vector.shape_cast %scan3A_254#17 : vector<16xf32> to vector<1x16xf32>
    tpu.vector_store %arg7[%swap3A_359, %swap3A_360], %swap3A_363 {strides = array<i32>} : memref<4x384xf32, #tpu.memory_space<vmem>>, vector<1x16xf32>,
    %swap3A_364 = arith.constant 1 : i32
    %swap3A_365 = arith.index_cast %swap3A_364 : i32 to index
    %swap3A_366 = arith.constant 288 : index
    %swap3A_367 = tpu.vector_load %arg7[%swap3A_365, %swap3A_366] {strides = array<i32>} : memref<4x384xf32, #tpu.memory_space<vmem>>, vector<1x16xf32>,
    %swap3A_368 = vector.shape_cast %swap3A_367 : vector<1x16xf32> to vector<16xf32>
    %swap3A_369 = vector.shape_cast %scan3A_254#18 : vector<16xf32> to vector<1x16xf32>
    tpu.vector_store %arg7[%swap3A_365, %swap3A_366], %swap3A_369 {strides = array<i32>} : memref<4x384xf32, #tpu.memory_space<vmem>>, vector<1x16xf32>,
    %swap3A_370 = arith.constant 1 : i32
    %swap3A_371 = arith.index_cast %swap3A_370 : i32 to index
    %swap3A_372 = arith.constant 304 : index
    %swap3A_373 = tpu.vector_load %arg7[%swap3A_371, %swap3A_372] {strides = array<i32>} : memref<4x384xf32, #tpu.memory_space<vmem>>, vector<1x16xf32>,
    %swap3A_374 = vector.shape_cast %swap3A_373 : vector<1x16xf32> to vector<16xf32>
    %swap3A_375 = vector.shape_cast %scan3A_254#19 : vector<16xf32> to vector<1x16xf32>
    tpu.vector_store %arg7[%swap3A_371, %swap3A_372], %swap3A_375 {strides = array<i32>} : memref<4x384xf32, #tpu.memory_space<vmem>>, vector<1x16xf32>,
    %swap3A_376 = arith.constant 1 : i32
    %swap3A_377 = arith.index_cast %swap3A_376 : i32 to index
    %swap3A_378 = arith.constant 320 : index
    %swap3A_379 = tpu.vector_load %arg7[%swap3A_377, %swap3A_378] {strides = array<i32>} : memref<4x384xf32, #tpu.memory_space<vmem>>, vector<1x16xf32>,
    %swap3A_380 = vector.shape_cast %swap3A_379 : vector<1x16xf32> to vector<16xf32>
    %swap3A_381 = vector.shape_cast %scan3A_254#20 : vector<16xf32> to vector<1x16xf32>
    tpu.vector_store %arg7[%swap3A_377, %swap3A_378], %swap3A_381 {strides = array<i32>} : memref<4x384xf32, #tpu.memory_space<vmem>>, vector<1x16xf32>,
    %swap3A_382 = arith.constant 1 : i32
    %swap3A_383 = arith.index_cast %swap3A_382 : i32 to index
    %swap3A_384 = arith.constant 336 : index
    %swap3A_385 = tpu.vector_load %arg7[%swap3A_383, %swap3A_384] {strides = array<i32>} : memref<4x384xf32, #tpu.memory_space<vmem>>, vector<1x16xf32>,
    %swap3A_386 = vector.shape_cast %swap3A_385 : vector<1x16xf32> to vector<16xf32>
    %swap3A_387 = vector.shape_cast %scan3A_254#21 : vector<16xf32> to vector<1x16xf32>
    tpu.vector_store %arg7[%swap3A_383, %swap3A_384], %swap3A_387 {strides = array<i32>} : memref<4x384xf32, #tpu.memory_space<vmem>>, vector<1x16xf32>,
    %swap3A_388 = arith.constant 1 : i32
    %swap3A_389 = arith.index_cast %swap3A_388 : i32 to index
    %swap3A_390 = arith.constant 352 : index
    %swap3A_391 = tpu.vector_load %arg7[%swap3A_389, %swap3A_390] {strides = array<i32>} : memref<4x384xf32, #tpu.memory_space<vmem>>, vector<1x16xf32>,
    %swap3A_392 = vector.shape_cast %swap3A_391 : vector<1x16xf32> to vector<16xf32>
    %swap3A_393 = vector.shape_cast %scan3A_254#22 : vector<16xf32> to vector<1x16xf32>
    tpu.vector_store %arg7[%swap3A_389, %swap3A_390], %swap3A_393 {strides = array<i32>} : memref<4x384xf32, #tpu.memory_space<vmem>>, vector<1x16xf32>,
    %swap3A_394 = arith.constant 1 : i32
    %swap3A_395 = arith.index_cast %swap3A_394 : i32 to index
    %swap3A_396 = arith.constant 368 : index
    %swap3A_397 = tpu.vector_load %arg7[%swap3A_395, %swap3A_396] {strides = array<i32>} : memref<4x384xf32, #tpu.memory_space<vmem>>, vector<1x16xf32>,
    %swap3A_398 = vector.shape_cast %swap3A_397 : vector<1x16xf32> to vector<16xf32>
    %swap3A_399 = vector.shape_cast %scan3A_254#23 : vector<16xf32> to vector<1x16xf32>
    tpu.vector_store %arg7[%swap3A_395, %swap3A_396], %swap3A_399 {strides = array<i32>} : memref<4x384xf32, #tpu.memory_space<vmem>>, vector<1x16xf32>,
    %broadcast_in_dim3A_400 = arith.constant 0.000000e+00 : f32
    %broadcast_in_dim3A_401 = vector.broadcast %broadcast_in_dim3A_400 : f32 to vector<16xf32>
    %broadcast_in_dim3A_402 = arith.constant 0.000000e+00 : f32
    %broadcast_in_dim3A_403 = vector.broadcast %broadcast_in_dim3A_402 : f32 to vector<16xf32>
    %broadcast_in_dim3A_404 = arith.constant 0.000000e+00 : f32
    %broadcast_in_dim3A_405 = vector.broadcast %broadcast_in_dim3A_404 : f32 to vector<16xf32>
    %broadcast_in_dim3A_406 = arith.constant 0.000000e+00 : f32
    %broadcast_in_dim3A_407 = vector.broadcast %broadcast_in_dim3A_406 : f32 to vector<16xf32>
    %broadcast_in_dim3A_408 = arith.constant 0.000000e+00 : f32
    %broadcast_in_dim3A_409 = vector.broadcast %broadcast_in_dim3A_408 : f32 to vector<16xf32>
    %broadcast_in_dim3A_410 = arith.constant 0.000000e+00 : f32
    %broadcast_in_dim3A_411 = vector.broadcast %broadcast_in_dim3A_410 : f32 to vector<16xf32>
    %broadcast_in_dim3A_412 = arith.constant 0.000000e+00 : f32
    %broadcast_in_dim3A_413 = vector.broadcast %broadcast_in_dim3A_412 : f32 to vector<16xf32>
    %broadcast_in_dim3A_414 = arith.constant 0.000000e+00 : f32
    %broadcast_in_dim3A_415 = vector.broadcast %broadcast_in_dim3A_414 : f32 to vector<16xf32>
    %broadcast_in_dim3A_416 = arith.constant 0.000000e+00 : f32
    %broadcast_in_dim3A_417 = vector.broadcast %broadcast_in_dim3A_416 : f32 to vector<16xf32>
    %broadcast_in_dim3A_418 = arith.constant 0.000000e+00 : f32
    %broadcast_in_dim3A_419 = vector.broadcast %broadcast_in_dim3A_418 : f32 to vector<16xf32>
    %broadcast_in_dim3A_420 = arith.constant 0.000000e+00 : f32
    %broadcast_in_dim3A_421 = vector.broadcast %broadcast_in_dim3A_420 : f32 to vector<16xf32>
    %broadcast_in_dim3A_422 = arith.constant 0.000000e+00 : f32
    %broadcast_in_dim3A_423 = vector.broadcast %broadcast_in_dim3A_422 : f32 to vector<16xf32>
    %broadcast_in_dim3A_424 = arith.constant 0.000000e+00 : f32
    %broadcast_in_dim3A_425 = vector.broadcast %broadcast_in_dim3A_424 : f32 to vector<16xf32>
    %broadcast_in_dim3A_426 = arith.constant 0.000000e+00 : f32
    %broadcast_in_dim3A_427 = vector.broadcast %broadcast_in_dim3A_426 : f32 to vector<16xf32>
    %broadcast_in_dim3A_428 = arith.constant 0.000000e+00 : f32
    %broadcast_in_dim3A_429 = vector.broadcast %broadcast_in_dim3A_428 : f32 to vector<16xf32>
    %broadcast_in_dim3A_430 = arith.constant 0.000000e+00 : f32
    %broadcast_in_dim3A_431 = vector.broadcast %broadcast_in_dim3A_430 : f32 to vector<16xf32>
    %broadcast_in_dim3A_432 = arith.constant 0.000000e+00 : f32
    %broadcast_in_dim3A_433 = vector.broadcast %broadcast_in_dim3A_432 : f32 to vector<16xf32>
    %broadcast_in_dim3A_434 = arith.constant 0.000000e+00 : f32
    %broadcast_in_dim3A_435 = vector.broadcast %broadcast_in_dim3A_434 : f32 to vector<16xf32>
    %broadcast_in_dim3A_436 = arith.constant 0.000000e+00 : f32
    %broadcast_in_dim3A_437 = vector.broadcast %broadcast_in_dim3A_436 : f32 to vector<16xf32>
    %broadcast_in_dim3A_438 = arith.constant 0.000000e+00 : f32
    %broadcast_in_dim3A_439 = vector.broadcast %broadcast_in_dim3A_438 : f32 to vector<16xf32>
    %broadcast_in_dim3A_440 = arith.constant 0.000000e+00 : f32
    %broadcast_in_dim3A_441 = vector.broadcast %broadcast_in_dim3A_440 : f32 to vector<16xf32>
    %broadcast_in_dim3A_442 = arith.constant 0.000000e+00 : f32
    %broadcast_in_dim3A_443 = vector.broadcast %broadcast_in_dim3A_442 : f32 to vector<16xf32>
    %broadcast_in_dim3A_444 = arith.constant 0.000000e+00 : f32
    %broadcast_in_dim3A_445 = vector.broadcast %broadcast_in_dim3A_444 : f32 to vector<16xf32>
    %broadcast_in_dim3A_446 = arith.constant 0.000000e+00 : f32
    %broadcast_in_dim3A_447 = vector.broadcast %broadcast_in_dim3A_446 : f32 to vector<16xf32>
    %scan3A_448 = arith.constant 0 : i32
    %scan3A_449 = arith.constant 20 : i32
    %scan3A_450 = arith.addi %scan3A_448, %scan3A_449 : i32
    %scan3A_451 = arith.constant 1 : i32
    %scan3A_452:24 = scf.for %scan3A_798 = %scan3A_448 to %scan3A_450 step %scan3A_451 iter_args(%scan3A_799 = %broadcast_in_dim3A_401, %scan3A_800 = %broadcast_in_dim3A_403, %scan3A_801 = %broadcast_in_dim3A_405, %scan3A_802 = %broadcast_in_dim3A_407, %scan3A_803 = %broadcast_in_dim3A_409, %scan3A_804 = %broadcast_in_dim3A_411, %scan3A_805 = %broadcast_in_dim3A_413, %scan3A_806 = %broadcast_in_dim3A_415, %scan3A_807 = %broadcast_in_dim3A_417, %scan3A_808 = %broadcast_in_dim3A_419, %scan3A_809 = %broadcast_in_dim3A_421, %scan3A_810 = %broadcast_in_dim3A_423, %scan3A_811 = %broadcast_in_dim3A_425, %scan3A_812 = %broadcast_in_dim3A_427, %scan3A_813 = %broadcast_in_dim3A_429, %scan3A_814 = %broadcast_in_dim3A_431, %scan3A_815 = %broadcast_in_dim3A_433, %scan3A_816 = %broadcast_in_dim3A_435, %scan3A_817 = %broadcast_in_dim3A_437, %scan3A_818 = %broadcast_in_dim3A_439, %scan3A_819 = %broadcast_in_dim3A_441, %scan3A_820 = %broadcast_in_dim3A_443, %scan3A_821 = %broadcast_in_dim3A_445, %scan3A_822 = %broadcast_in_dim3A_447) -> (vector<16xf32>, vector<16xf32>, vector<16xf32>, vector<16xf32>, vector<16xf32>, vector<16xf32>, vector<16xf32>, vector<16xf32>, vector<16xf32>, vector<16xf32>, vector<16xf32>, vector<16xf32>, vector<16xf32>, vector<16xf32>, vector<16xf32>, vector<16xf32>, vector<16xf32>, vector<16xf32>, vector<16xf32>, vector<16xf32>, vector<16xf32>, vector<16xf32>, vector<16xf32>, vector<16xf32>)  : i32 {
      %add3A_823 = arith.constant 40 : i32
      %add3A_824 = arith.addi %add3A_823, %scan3A_798 : i32
      %get3A = arith.index_cast %add3A_824 : i32 to index
      %get3A_825 = arith.constant 0 : index
      %get3A_826 = tpu.vector_load %arg6[%get3A, %get3A_825] {strides = array<i32>} : memref<80x384xf32, #tpu.memory_space<vmem>>, vector<1x16xf32>,
      %get3A_827 = vector.shape_cast %get3A_826 : vector<1x16xf32> to vector<16xf32>
      %add3A_828 = arith.addf %scan3A_799, %get3A_827 : vector<16xf32>
      %get3A_829 = arith.index_cast %add3A_824 : i32 to index
      %get3A_830 = arith.constant 16 : index
      %get3A_831 = tpu.vector_load %arg6[%get3A_829, %get3A_830] {strides = array<i32>} : memref<80x384xf32, #tpu.memory_space<vmem>>, vector<1x16xf32>,
      %get3A_832 = vector.shape_cast %get3A_831 : vector<1x16xf32> to vector<16xf32>
      %add3A_833 = arith.addf %scan3A_800, %get3A_832 : vector<16xf32>
      %get3A_834 = arith.index_cast %add3A_824 : i32 to index
      %get3A_835 = arith.constant 32 : index
      %get3A_836 = tpu.vector_load %arg6[%get3A_834, %get3A_835] {strides = array<i32>} : memref<80x384xf32, #tpu.memory_space<vmem>>, vector<1x16xf32>,
      %get3A_837 = vector.shape_cast %get3A_836 : vector<1x16xf32> to vector<16xf32>
      %add3A_838 = arith.addf %scan3A_801, %get3A_837 : vector<16xf32>
      %get3A_839 = arith.index_cast %add3A_824 : i32 to index
      %get3A_840 = arith.constant 48 : index
      %get3A_841 = tpu.vector_load %arg6[%get3A_839, %get3A_840] {strides = array<i32>} : memref<80x384xf32, #tpu.memory_space<vmem>>, vector<1x16xf32>,
      %get3A_842 = vector.shape_cast %get3A_841 : vector<1x16xf32> to vector<16xf32>
      %add3A_843 = arith.addf %scan3A_802, %get3A_842 : vector<16xf32>
      %get3A_844 = arith.index_cast %add3A_824 : i32 to index
      %get3A_845 = arith.constant 64 : index
      %get3A_846 = tpu.vector_load %arg6[%get3A_844, %get3A_845] {strides = array<i32>} : memref<80x384xf32, #tpu.memory_space<vmem>>, vector<1x16xf32>,
      %get3A_847 = vector.shape_cast %get3A_846 : vector<1x16xf32> to vector<16xf32>
      %add3A_848 = arith.addf %scan3A_803, %get3A_847 : vector<16xf32>
      %get3A_849 = arith.index_cast %add3A_824 : i32 to index
      %get3A_850 = arith.constant 80 : index
      %get3A_851 = tpu.vector_load %arg6[%get3A_849, %get3A_850] {strides = array<i32>} : memref<80x384xf32, #tpu.memory_space<vmem>>, vector<1x16xf32>,
      %get3A_852 = vector.shape_cast %get3A_851 : vector<1x16xf32> to vector<16xf32>
      %add3A_853 = arith.addf %scan3A_804, %get3A_852 : vector<16xf32>
      %get3A_854 = arith.index_cast %add3A_824 : i32 to index
      %get3A_855 = arith.constant 96 : index
      %get3A_856 = tpu.vector_load %arg6[%get3A_854, %get3A_855] {strides = array<i32>} : memref<80x384xf32, #tpu.memory_space<vmem>>, vector<1x16xf32>,
      %get3A_857 = vector.shape_cast %get3A_856 : vector<1x16xf32> to vector<16xf32>
      %add3A_858 = arith.addf %scan3A_805, %get3A_857 : vector<16xf32>
      %get3A_859 = arith.index_cast %add3A_824 : i32 to index
      %get3A_860 = arith.constant 112 : index
      %get3A_861 = tpu.vector_load %arg6[%get3A_859, %get3A_860] {strides = array<i32>} : memref<80x384xf32, #tpu.memory_space<vmem>>, vector<1x16xf32>,
      %get3A_862 = vector.shape_cast %get3A_861 : vector<1x16xf32> to vector<16xf32>
      %add3A_863 = arith.addf %scan3A_806, %get3A_862 : vector<16xf32>
      %get3A_864 = arith.index_cast %add3A_824 : i32 to index
      %get3A_865 = arith.constant 128 : index
      %get3A_866 = tpu.vector_load %arg6[%get3A_864, %get3A_865] {strides = array<i32>} : memref<80x384xf32, #tpu.memory_space<vmem>>, vector<1x16xf32>,
      %get3A_867 = vector.shape_cast %get3A_866 : vector<1x16xf32> to vector<16xf32>
      %add3A_868 = arith.addf %scan3A_807, %get3A_867 : vector<16xf32>
      %get3A_869 = arith.index_cast %add3A_824 : i32 to index
      %get3A_870 = arith.constant 144 : index
      %get3A_871 = tpu.vector_load %arg6[%get3A_869, %get3A_870] {strides = array<i32>} : memref<80x384xf32, #tpu.memory_space<vmem>>, vector<1x16xf32>,
      %get3A_872 = vector.shape_cast %get3A_871 : vector<1x16xf32> to vector<16xf32>
      %add3A_873 = arith.addf %scan3A_808, %get3A_872 : vector<16xf32>
      %get3A_874 = arith.index_cast %add3A_824 : i32 to index
      %get3A_875 = arith.constant 160 : index
      %get3A_876 = tpu.vector_load %arg6[%get3A_874, %get3A_875] {strides = array<i32>} : memref<80x384xf32, #tpu.memory_space<vmem>>, vector<1x16xf32>,
      %get3A_877 = vector.shape_cast %get3A_876 : vector<1x16xf32> to vector<16xf32>
      %add3A_878 = arith.addf %scan3A_809, %get3A_877 : vector<16xf32>
      %get3A_879 = arith.index_cast %add3A_824 : i32 to index
      %get3A_880 = arith.constant 176 : index
      %get3A_881 = tpu.vector_load %arg6[%get3A_879, %get3A_880] {strides = array<i32>} : memref<80x384xf32, #tpu.memory_space<vmem>>, vector<1x16xf32>,
      %get3A_882 = vector.shape_cast %get3A_881 : vector<1x16xf32> to vector<16xf32>
      %add3A_883 = arith.addf %scan3A_810, %get3A_882 : vector<16xf32>
      %get3A_884 = arith.index_cast %add3A_824 : i32 to index
      %get3A_885 = arith.constant 192 : index
      %get3A_886 = tpu.vector_load %arg6[%get3A_884, %get3A_885] {strides = array<i32>} : memref<80x384xf32, #tpu.memory_space<vmem>>, vector<1x16xf32>,
      %get3A_887 = vector.shape_cast %get3A_886 : vector<1x16xf32> to vector<16xf32>
      %add3A_888 = arith.addf %scan3A_811, %get3A_887 : vector<16xf32>
      %get3A_889 = arith.index_cast %add3A_824 : i32 to index
      %get3A_890 = arith.constant 208 : index
      %get3A_891 = tpu.vector_load %arg6[%get3A_889, %get3A_890] {strides = array<i32>} : memref<80x384xf32, #tpu.memory_space<vmem>>, vector<1x16xf32>,
      %get3A_892 = vector.shape_cast %get3A_891 : vector<1x16xf32> to vector<16xf32>
      %add3A_893 = arith.addf %scan3A_812, %get3A_892 : vector<16xf32>
      %get3A_894 = arith.index_cast %add3A_824 : i32 to index
      %get3A_895 = arith.constant 224 : index
      %get3A_896 = tpu.vector_load %arg6[%get3A_894, %get3A_895] {strides = array<i32>} : memref<80x384xf32, #tpu.memory_space<vmem>>, vector<1x16xf32>,
      %get3A_897 = vector.shape_cast %get3A_896 : vector<1x16xf32> to vector<16xf32>
      %add3A_898 = arith.addf %scan3A_813, %get3A_897 : vector<16xf32>
      %get3A_899 = arith.index_cast %add3A_824 : i32 to index
      %get3A_900 = arith.constant 240 : index
      %get3A_901 = tpu.vector_load %arg6[%get3A_899, %get3A_900] {strides = array<i32>} : memref<80x384xf32, #tpu.memory_space<vmem>>, vector<1x16xf32>,
      %get3A_902 = vector.shape_cast %get3A_901 : vector<1x16xf32> to vector<16xf32>
      %add3A_903 = arith.addf %scan3A_814, %get3A_902 : vector<16xf32>
      %get3A_904 = arith.index_cast %add3A_824 : i32 to index
      %get3A_905 = arith.constant 256 : index
      %get3A_906 = tpu.vector_load %arg6[%get3A_904, %get3A_905] {strides = array<i32>} : memref<80x384xf32, #tpu.memory_space<vmem>>, vector<1x16xf32>,
      %get3A_907 = vector.shape_cast %get3A_906 : vector<1x16xf32> to vector<16xf32>
      %add3A_908 = arith.addf %scan3A_815, %get3A_907 : vector<16xf32>
      %get3A_909 = arith.index_cast %add3A_824 : i32 to index
      %get3A_910 = arith.constant 272 : index
      %get3A_911 = tpu.vector_load %arg6[%get3A_909, %get3A_910] {strides = array<i32>} : memref<80x384xf32, #tpu.memory_space<vmem>>, vector<1x16xf32>,
      %get3A_912 = vector.shape_cast %get3A_911 : vector<1x16xf32> to vector<16xf32>
      %add3A_913 = arith.addf %scan3A_816, %get3A_912 : vector<16xf32>
      %get3A_914 = arith.index_cast %add3A_824 : i32 to index
      %get3A_915 = arith.constant 288 : index
      %get3A_916 = tpu.vector_load %arg6[%get3A_914, %get3A_915] {strides = array<i32>} : memref<80x384xf32, #tpu.memory_space<vmem>>, vector<1x16xf32>,
      %get3A_917 = vector.shape_cast %get3A_916 : vector<1x16xf32> to vector<16xf32>
      %add3A_918 = arith.addf %scan3A_817, %get3A_917 : vector<16xf32>
      %get3A_919 = arith.index_cast %add3A_824 : i32 to index
      %get3A_920 = arith.constant 304 : index
      %get3A_921 = tpu.vector_load %arg6[%get3A_919, %get3A_920] {strides = array<i32>} : memref<80x384xf32, #tpu.memory_space<vmem>>, vector<1x16xf32>,
      %get3A_922 = vector.shape_cast %get3A_921 : vector<1x16xf32> to vector<16xf32>
      %add3A_923 = arith.addf %scan3A_818, %get3A_922 : vector<16xf32>
      %get3A_924 = arith.index_cast %add3A_824 : i32 to index
      %get3A_925 = arith.constant 320 : index
      %get3A_926 = tpu.vector_load %arg6[%get3A_924, %get3A_925] {strides = array<i32>} : memref<80x384xf32, #tpu.memory_space<vmem>>, vector<1x16xf32>,
      %get3A_927 = vector.shape_cast %get3A_926 : vector<1x16xf32> to vector<16xf32>
      %add3A_928 = arith.addf %scan3A_819, %get3A_927 : vector<16xf32>
      %get3A_929 = arith.index_cast %add3A_824 : i32 to index
      %get3A_930 = arith.constant 336 : index
      %get3A_931 = tpu.vector_load %arg6[%get3A_929, %get3A_930] {strides = array<i32>} : memref<80x384xf32, #tpu.memory_space<vmem>>, vector<1x16xf32>,
      %get3A_932 = vector.shape_cast %get3A_931 : vector<1x16xf32> to vector<16xf32>
      %add3A_933 = arith.addf %scan3A_820, %get3A_932 : vector<16xf32>
      %get3A_934 = arith.index_cast %add3A_824 : i32 to index
      %get3A_935 = arith.constant 352 : index
      %get3A_936 = tpu.vector_load %arg6[%get3A_934, %get3A_935] {strides = array<i32>} : memref<80x384xf32, #tpu.memory_space<vmem>>, vector<1x16xf32>,
      %get3A_937 = vector.shape_cast %get3A_936 : vector<1x16xf32> to vector<16xf32>
      %add3A_938 = arith.addf %scan3A_821, %get3A_937 : vector<16xf32>
      %get3A_939 = arith.index_cast %add3A_824 : i32 to index
      %get3A_940 = arith.constant 368 : index
      %get3A_941 = tpu.vector_load %arg6[%get3A_939, %get3A_940] {strides = array<i32>} : memref<80x384xf32, #tpu.memory_space<vmem>>, vector<1x16xf32>,
      %get3A_942 = vector.shape_cast %get3A_941 : vector<1x16xf32> to vector<16xf32>
      %add3A_943 = arith.addf %scan3A_822, %get3A_942 : vector<16xf32>
      scf.yield %add3A_828, %add3A_833, %add3A_838, %add3A_843, %add3A_848, %add3A_853, %add3A_858, %add3A_863, %add3A_868, %add3A_873, %add3A_878, %add3A_883, %add3A_888, %add3A_893, %add3A_898, %add3A_903, %add3A_908, %add3A_913, %add3A_918, %add3A_923, %add3A_928, %add3A_933, %add3A_938, %add3A_943 : vector<16xf32>, vector<16xf32>, vector<16xf32>, vector<16xf32>, vector<16xf32>, vector<16xf32>, vector<16xf32>, vector<16xf32>, vector<16xf32>, vector<16xf32>, vector<16xf32>, vector<16xf32>, vector<16xf32>, vector<16xf32>, vector<16xf32>, vector<16xf32>, vector<16xf32>, vector<16xf32>, vector<16xf32>, vector<16xf32>, vector<16xf32>, vector<16xf32>, vector<16xf32>, vector<16xf32>
    }
    %scan3A_453 = arith.constant 20 : i32
    %swap3A_454 = arith.constant 2 : i32
    %swap3A_455 = arith.index_cast %swap3A_454 : i32 to index
    %swap3A_456 = arith.constant 0 : index
    %swap3A_457 = tpu.vector_load %arg7[%swap3A_455, %swap3A_456] {strides = array<i32>} : memref<4x384xf32, #tpu.memory_space<vmem>>, vector<1x16xf32>,
    %swap3A_458 = vector.shape_cast %swap3A_457 : vector<1x16xf32> to vector<16xf32>
    %swap3A_459 = vector.shape_cast %scan3A_452#0 : vector<16xf32> to vector<1x16xf32>
    tpu.vector_store %arg7[%swap3A_455, %swap3A_456], %swap3A_459 {strides = array<i32>} : memref<4x384xf32, #tpu.memory_space<vmem>>, vector<1x16xf32>,
    %swap3A_460 = arith.constant 2 : i32
    %swap3A_461 = arith.index_cast %swap3A_460 : i32 to index
    %swap3A_462 = arith.constant 16 : index
    %swap3A_463 = tpu.vector_load %arg7[%swap3A_461, %swap3A_462] {strides = array<i32>} : memref<4x384xf32, #tpu.memory_space<vmem>>, vector<1x16xf32>,
    %swap3A_464 = vector.shape_cast %swap3A_463 : vector<1x16xf32> to vector<16xf32>
    %swap3A_465 = vector.shape_cast %scan3A_452#1 : vector<16xf32> to vector<1x16xf32>
    tpu.vector_store %arg7[%swap3A_461, %swap3A_462], %swap3A_465 {strides = array<i32>} : memref<4x384xf32, #tpu.memory_space<vmem>>, vector<1x16xf32>,
    %swap3A_466 = arith.constant 2 : i32
    %swap3A_467 = arith.index_cast %swap3A_466 : i32 to index
    %swap3A_468 = arith.constant 32 : index
    %swap3A_469 = tpu.vector_load %arg7[%swap3A_467, %swap3A_468] {strides = array<i32>} : memref<4x384xf32, #tpu.memory_space<vmem>>, vector<1x16xf32>,
    %swap3A_470 = vector.shape_cast %swap3A_469 : vector<1x16xf32> to vector<16xf32>
    %swap3A_471 = vector.shape_cast %scan3A_452#2 : vector<16xf32> to vector<1x16xf32>
    tpu.vector_store %arg7[%swap3A_467, %swap3A_468], %swap3A_471 {strides = array<i32>} : memref<4x384xf32, #tpu.memory_space<vmem>>, vector<1x16xf32>,
    %swap3A_472 = arith.constant 2 : i32
    %swap3A_473 = arith.index_cast %swap3A_472 : i32 to index
    %swap3A_474 = arith.constant 48 : index
    %swap3A_475 = tpu.vector_load %arg7[%swap3A_473, %swap3A_474] {strides = array<i32>} : memref<4x384xf32, #tpu.memory_space<vmem>>, vector<1x16xf32>,
    %swap3A_476 = vector.shape_cast %swap3A_475 : vector<1x16xf32> to vector<16xf32>
    %swap3A_477 = vector.shape_cast %scan3A_452#3 : vector<16xf32> to vector<1x16xf32>
    tpu.vector_store %arg7[%swap3A_473, %swap3A_474], %swap3A_477 {strides = array<i32>} : memref<4x384xf32, #tpu.memory_space<vmem>>, vector<1x16xf32>,
    %swap3A_478 = arith.constant 2 : i32
    %swap3A_479 = arith.index_cast %swap3A_478 : i32 to index
    %swap3A_480 = arith.constant 64 : index
    %swap3A_481 = tpu.vector_load %arg7[%swap3A_479, %swap3A_480] {strides = array<i32>} : memref<4x384xf32, #tpu.memory_space<vmem>>, vector<1x16xf32>,
    %swap3A_482 = vector.shape_cast %swap3A_481 : vector<1x16xf32> to vector<16xf32>
    %swap3A_483 = vector.shape_cast %scan3A_452#4 : vector<16xf32> to vector<1x16xf32>
    tpu.vector_store %arg7[%swap3A_479, %swap3A_480], %swap3A_483 {strides = array<i32>} : memref<4x384xf32, #tpu.memory_space<vmem>>, vector<1x16xf32>,
    %swap3A_484 = arith.constant 2 : i32
    %swap3A_485 = arith.index_cast %swap3A_484 : i32 to index
    %swap3A_486 = arith.constant 80 : index
    %swap3A_487 = tpu.vector_load %arg7[%swap3A_485, %swap3A_486] {strides = array<i32>} : memref<4x384xf32, #tpu.memory_space<vmem>>, vector<1x16xf32>,
    %swap3A_488 = vector.shape_cast %swap3A_487 : vector<1x16xf32> to vector<16xf32>
    %swap3A_489 = vector.shape_cast %scan3A_452#5 : vector<16xf32> to vector<1x16xf32>
    tpu.vector_store %arg7[%swap3A_485, %swap3A_486], %swap3A_489 {strides = array<i32>} : memref<4x384xf32, #tpu.memory_space<vmem>>, vector<1x16xf32>,
    %swap3A_490 = arith.constant 2 : i32
    %swap3A_491 = arith.index_cast %swap3A_490 : i32 to index
    %swap3A_492 = arith.constant 96 : index
    %swap3A_493 = tpu.vector_load %arg7[%swap3A_491, %swap3A_492] {strides = array<i32>} : memref<4x384xf32, #tpu.memory_space<vmem>>, vector<1x16xf32>,
    %swap3A_494 = vector.shape_cast %swap3A_493 : vector<1x16xf32> to vector<16xf32>
    %swap3A_495 = vector.shape_cast %scan3A_452#6 : vector<16xf32> to vector<1x16xf32>
    tpu.vector_store %arg7[%swap3A_491, %swap3A_492], %swap3A_495 {strides = array<i32>} : memref<4x384xf32, #tpu.memory_space<vmem>>, vector<1x16xf32>,
    %swap3A_496 = arith.constant 2 : i32
    %swap3A_497 = arith.index_cast %swap3A_496 : i32 to index
    %swap3A_498 = arith.constant 112 : index
    %swap3A_499 = tpu.vector_load %arg7[%swap3A_497, %swap3A_498] {strides = array<i32>} : memref<4x384xf32, #tpu.memory_space<vmem>>, vector<1x16xf32>,
    %swap3A_500 = vector.shape_cast %swap3A_499 : vector<1x16xf32> to vector<16xf32>
    %swap3A_501 = vector.shape_cast %scan3A_452#7 : vector<16xf32> to vector<1x16xf32>
    tpu.vector_store %arg7[%swap3A_497, %swap3A_498], %swap3A_501 {strides = array<i32>} : memref<4x384xf32, #tpu.memory_space<vmem>>, vector<1x16xf32>,
    %swap3A_502 = arith.constant 2 : i32
    %swap3A_503 = arith.index_cast %swap3A_502 : i32 to index
    %swap3A_504 = arith.constant 128 : index
    %swap3A_505 = tpu.vector_load %arg7[%swap3A_503, %swap3A_504] {strides = array<i32>} : memref<4x384xf32, #tpu.memory_space<vmem>>, vector<1x16xf32>,
    %swap3A_506 = vector.shape_cast %swap3A_505 : vector<1x16xf32> to vector<16xf32>
    %swap3A_507 = vector.shape_cast %scan3A_452#8 : vector<16xf32> to vector<1x16xf32>
    tpu.vector_store %arg7[%swap3A_503, %swap3A_504], %swap3A_507 {strides = array<i32>} : memref<4x384xf32, #tpu.memory_space<vmem>>, vector<1x16xf32>,
    %swap3A_508 = arith.constant 2 : i32
    %swap3A_509 = arith.index_cast %swap3A_508 : i32 to index
    %swap3A_510 = arith.constant 144 : index
    %swap3A_511 = tpu.vector_load %arg7[%swap3A_509, %swap3A_510] {strides = array<i32>} : memref<4x384xf32, #tpu.memory_space<vmem>>, vector<1x16xf32>,
    %swap3A_512 = vector.shape_cast %swap3A_511 : vector<1x16xf32> to vector<16xf32>
    %swap3A_513 = vector.shape_cast %scan3A_452#9 : vector<16xf32> to vector<1x16xf32>
    tpu.vector_store %arg7[%swap3A_509, %swap3A_510], %swap3A_513 {strides = array<i32>} : memref<4x384xf32, #tpu.memory_space<vmem>>, vector<1x16xf32>,
    %swap3A_514 = arith.constant 2 : i32
    %swap3A_515 = arith.index_cast %swap3A_514 : i32 to index
    %swap3A_516 = arith.constant 160 : index
    %swap3A_517 = tpu.vector_load %arg7[%swap3A_515, %swap3A_516] {strides = array<i32>} : memref<4x384xf32, #tpu.memory_space<vmem>>, vector<1x16xf32>,
    %swap3A_518 = vector.shape_cast %swap3A_517 : vector<1x16xf32> to vector<16xf32>
    %swap3A_519 = vector.shape_cast %scan3A_452#10 : vector<16xf32> to vector<1x16xf32>
    tpu.vector_store %arg7[%swap3A_515, %swap3A_516], %swap3A_519 {strides = array<i32>} : memref<4x384xf32, #tpu.memory_space<vmem>>, vector<1x16xf32>,
    %swap3A_520 = arith.constant 2 : i32
    %swap3A_521 = arith.index_cast %swap3A_520 : i32 to index
    %swap3A_522 = arith.constant 176 : index
    %swap3A_523 = tpu.vector_load %arg7[%swap3A_521, %swap3A_522] {strides = array<i32>} : memref<4x384xf32, #tpu.memory_space<vmem>>, vector<1x16xf32>,
    %swap3A_524 = vector.shape_cast %swap3A_523 : vector<1x16xf32> to vector<16xf32>
    %swap3A_525 = vector.shape_cast %scan3A_452#11 : vector<16xf32> to vector<1x16xf32>
    tpu.vector_store %arg7[%swap3A_521, %swap3A_522], %swap3A_525 {strides = array<i32>} : memref<4x384xf32, #tpu.memory_space<vmem>>, vector<1x16xf32>,
    %swap3A_526 = arith.constant 2 : i32
    %swap3A_527 = arith.index_cast %swap3A_526 : i32 to index
    %swap3A_528 = arith.constant 192 : index
    %swap3A_529 = tpu.vector_load %arg7[%swap3A_527, %swap3A_528] {strides = array<i32>} : memref<4x384xf32, #tpu.memory_space<vmem>>, vector<1x16xf32>,
    %swap3A_530 = vector.shape_cast %swap3A_529 : vector<1x16xf32> to vector<16xf32>
    %swap3A_531 = vector.shape_cast %scan3A_452#12 : vector<16xf32> to vector<1x16xf32>
    tpu.vector_store %arg7[%swap3A_527, %swap3A_528], %swap3A_531 {strides = array<i32>} : memref<4x384xf32, #tpu.memory_space<vmem>>, vector<1x16xf32>,
    %swap3A_532 = arith.constant 2 : i32
    %swap3A_533 = arith.index_cast %swap3A_532 : i32 to index
    %swap3A_534 = arith.constant 208 : index
    %swap3A_535 = tpu.vector_load %arg7[%swap3A_533, %swap3A_534] {strides = array<i32>} : memref<4x384xf32, #tpu.memory_space<vmem>>, vector<1x16xf32>,
    %swap3A_536 = vector.shape_cast %swap3A_535 : vector<1x16xf32> to vector<16xf32>
    %swap3A_537 = vector.shape_cast %scan3A_452#13 : vector<16xf32> to vector<1x16xf32>
    tpu.vector_store %arg7[%swap3A_533, %swap3A_534], %swap3A_537 {strides = array<i32>} : memref<4x384xf32, #tpu.memory_space<vmem>>, vector<1x16xf32>,
    %swap3A_538 = arith.constant 2 : i32
    %swap3A_539 = arith.index_cast %swap3A_538 : i32 to index
    %swap3A_540 = arith.constant 224 : index
    %swap3A_541 = tpu.vector_load %arg7[%swap3A_539, %swap3A_540] {strides = array<i32>} : memref<4x384xf32, #tpu.memory_space<vmem>>, vector<1x16xf32>,
    %swap3A_542 = vector.shape_cast %swap3A_541 : vector<1x16xf32> to vector<16xf32>
    %swap3A_543 = vector.shape_cast %scan3A_452#14 : vector<16xf32> to vector<1x16xf32>
    tpu.vector_store %arg7[%swap3A_539, %swap3A_540], %swap3A_543 {strides = array<i32>} : memref<4x384xf32, #tpu.memory_space<vmem>>, vector<1x16xf32>,
    %swap3A_544 = arith.constant 2 : i32
    %swap3A_545 = arith.index_cast %swap3A_544 : i32 to index
    %swap3A_546 = arith.constant 240 : index
    %swap3A_547 = tpu.vector_load %arg7[%swap3A_545, %swap3A_546] {strides = array<i32>} : memref<4x384xf32, #tpu.memory_space<vmem>>, vector<1x16xf32>,
    %swap3A_548 = vector.shape_cast %swap3A_547 : vector<1x16xf32> to vector<16xf32>
    %swap3A_549 = vector.shape_cast %scan3A_452#15 : vector<16xf32> to vector<1x16xf32>
    tpu.vector_store %arg7[%swap3A_545, %swap3A_546], %swap3A_549 {strides = array<i32>} : memref<4x384xf32, #tpu.memory_space<vmem>>, vector<1x16xf32>,
    %swap3A_550 = arith.constant 2 : i32
    %swap3A_551 = arith.index_cast %swap3A_550 : i32 to index
    %swap3A_552 = arith.constant 256 : index
    %swap3A_553 = tpu.vector_load %arg7[%swap3A_551, %swap3A_552] {strides = array<i32>} : memref<4x384xf32, #tpu.memory_space<vmem>>, vector<1x16xf32>,
    %swap3A_554 = vector.shape_cast %swap3A_553 : vector<1x16xf32> to vector<16xf32>
    %swap3A_555 = vector.shape_cast %scan3A_452#16 : vector<16xf32> to vector<1x16xf32>
    tpu.vector_store %arg7[%swap3A_551, %swap3A_552], %swap3A_555 {strides = array<i32>} : memref<4x384xf32, #tpu.memory_space<vmem>>, vector<1x16xf32>,
    %swap3A_556 = arith.constant 2 : i32
    %swap3A_557 = arith.index_cast %swap3A_556 : i32 to index
    %swap3A_558 = arith.constant 272 : index
    %swap3A_559 = tpu.vector_load %arg7[%swap3A_557, %swap3A_558] {strides = array<i32>} : memref<4x384xf32, #tpu.memory_space<vmem>>, vector<1x16xf32>,
    %swap3A_560 = vector.shape_cast %swap3A_559 : vector<1x16xf32> to vector<16xf32>
    %swap3A_561 = vector.shape_cast %scan3A_452#17 : vector<16xf32> to vector<1x16xf32>
    tpu.vector_store %arg7[%swap3A_557, %swap3A_558], %swap3A_561 {strides = array<i32>} : memref<4x384xf32, #tpu.memory_space<vmem>>, vector<1x16xf32>,
    %swap3A_562 = arith.constant 2 : i32
    %swap3A_563 = arith.index_cast %swap3A_562 : i32 to index
    %swap3A_564 = arith.constant 288 : index
    %swap3A_565 = tpu.vector_load %arg7[%swap3A_563, %swap3A_564] {strides = array<i32>} : memref<4x384xf32, #tpu.memory_space<vmem>>, vector<1x16xf32>,
    %swap3A_566 = vector.shape_cast %swap3A_565 : vector<1x16xf32> to vector<16xf32>
    %swap3A_567 = vector.shape_cast %scan3A_452#18 : vector<16xf32> to vector<1x16xf32>
    tpu.vector_store %arg7[%swap3A_563, %swap3A_564], %swap3A_567 {strides = array<i32>} : memref<4x384xf32, #tpu.memory_space<vmem>>, vector<1x16xf32>,
    %swap3A_568 = arith.constant 2 : i32
    %swap3A_569 = arith.index_cast %swap3A_568 : i32 to index
    %swap3A_570 = arith.constant 304 : index
    %swap3A_571 = tpu.vector_load %arg7[%swap3A_569, %swap3A_570] {strides = array<i32>} : memref<4x384xf32, #tpu.memory_space<vmem>>, vector<1x16xf32>,
    %swap3A_572 = vector.shape_cast %swap3A_571 : vector<1x16xf32> to vector<16xf32>
    %swap3A_573 = vector.shape_cast %scan3A_452#19 : vector<16xf32> to vector<1x16xf32>
    tpu.vector_store %arg7[%swap3A_569, %swap3A_570], %swap3A_573 {strides = array<i32>} : memref<4x384xf32, #tpu.memory_space<vmem>>, vector<1x16xf32>,
    %swap3A_574 = arith.constant 2 : i32
    %swap3A_575 = arith.index_cast %swap3A_574 : i32 to index
    %swap3A_576 = arith.constant 320 : index
    %swap3A_577 = tpu.vector_load %arg7[%swap3A_575, %swap3A_576] {strides = array<i32>} : memref<4x384xf32, #tpu.memory_space<vmem>>, vector<1x16xf32>,
    %swap3A_578 = vector.shape_cast %swap3A_577 : vector<1x16xf32> to vector<16xf32>
    %swap3A_579 = vector.shape_cast %scan3A_452#20 : vector<16xf32> to vector<1x16xf32>
    tpu.vector_store %arg7[%swap3A_575, %swap3A_576], %swap3A_579 {strides = array<i32>} : memref<4x384xf32, #tpu.memory_space<vmem>>, vector<1x16xf32>,
    %swap3A_580 = arith.constant 2 : i32
    %swap3A_581 = arith.index_cast %swap3A_580 : i32 to index
    %swap3A_582 = arith.constant 336 : index
    %swap3A_583 = tpu.vector_load %arg7[%swap3A_581, %swap3A_582] {strides = array<i32>} : memref<4x384xf32, #tpu.memory_space<vmem>>, vector<1x16xf32>,
    %swap3A_584 = vector.shape_cast %swap3A_583 : vector<1x16xf32> to vector<16xf32>
    %swap3A_585 = vector.shape_cast %scan3A_452#21 : vector<16xf32> to vector<1x16xf32>
    tpu.vector_store %arg7[%swap3A_581, %swap3A_582], %swap3A_585 {strides = array<i32>} : memref<4x384xf32, #tpu.memory_space<vmem>>, vector<1x16xf32>,
    %swap3A_586 = arith.constant 2 : i32
    %swap3A_587 = arith.index_cast %swap3A_586 : i32 to index
    %swap3A_588 = arith.constant 352 : index
    %swap3A_589 = tpu.vector_load %arg7[%swap3A_587, %swap3A_588] {strides = array<i32>} : memref<4x384xf32, #tpu.memory_space<vmem>>, vector<1x16xf32>,
    %swap3A_590 = vector.shape_cast %swap3A_589 : vector<1x16xf32> to vector<16xf32>
    %swap3A_591 = vector.shape_cast %scan3A_452#22 : vector<16xf32> to vector<1x16xf32>
    tpu.vector_store %arg7[%swap3A_587, %swap3A_588], %swap3A_591 {strides = array<i32>} : memref<4x384xf32, #tpu.memory_space<vmem>>, vector<1x16xf32>,
    %swap3A_592 = arith.constant 2 : i32
    %swap3A_593 = arith.index_cast %swap3A_592 : i32 to index
    %swap3A_594 = arith.constant 368 : index
    %swap3A_595 = tpu.vector_load %arg7[%swap3A_593, %swap3A_594] {strides = array<i32>} : memref<4x384xf32, #tpu.memory_space<vmem>>, vector<1x16xf32>,
    %swap3A_596 = vector.shape_cast %swap3A_595 : vector<1x16xf32> to vector<16xf32>
    %swap3A_597 = vector.shape_cast %scan3A_452#23 : vector<16xf32> to vector<1x16xf32>
    tpu.vector_store %arg7[%swap3A_593, %swap3A_594], %swap3A_597 {strides = array<i32>} : memref<4x384xf32, #tpu.memory_space<vmem>>, vector<1x16xf32>,
    %broadcast_in_dim3A_598 = arith.constant 0.000000e+00 : f32
    %broadcast_in_dim3A_599 = vector.broadcast %broadcast_in_dim3A_598 : f32 to vector<16xf32>
    %broadcast_in_dim3A_600 = arith.constant 0.000000e+00 : f32
    %broadcast_in_dim3A_601 = vector.broadcast %broadcast_in_dim3A_600 : f32 to vector<16xf32>
    %broadcast_in_dim3A_602 = arith.constant 0.000000e+00 : f32
    %broadcast_in_dim3A_603 = vector.broadcast %broadcast_in_dim3A_602 : f32 to vector<16xf32>
    %broadcast_in_dim3A_604 = arith.constant 0.000000e+00 : f32
    %broadcast_in_dim3A_605 = vector.broadcast %broadcast_in_dim3A_604 : f32 to vector<16xf32>
    %broadcast_in_dim3A_606 = arith.constant 0.000000e+00 : f32
    %broadcast_in_dim3A_607 = vector.broadcast %broadcast_in_dim3A_606 : f32 to vector<16xf32>
    %broadcast_in_dim3A_608 = arith.constant 0.000000e+00 : f32
    %broadcast_in_dim3A_609 = vector.broadcast %broadcast_in_dim3A_608 : f32 to vector<16xf32>
    %broadcast_in_dim3A_610 = arith.constant 0.000000e+00 : f32
    %broadcast_in_dim3A_611 = vector.broadcast %broadcast_in_dim3A_610 : f32 to vector<16xf32>
    %broadcast_in_dim3A_612 = arith.constant 0.000000e+00 : f32
    %broadcast_in_dim3A_613 = vector.broadcast %broadcast_in_dim3A_612 : f32 to vector<16xf32>
    %broadcast_in_dim3A_614 = arith.constant 0.000000e+00 : f32
    %broadcast_in_dim3A_615 = vector.broadcast %broadcast_in_dim3A_614 : f32 to vector<16xf32>
    %broadcast_in_dim3A_616 = arith.constant 0.000000e+00 : f32
    %broadcast_in_dim3A_617 = vector.broadcast %broadcast_in_dim3A_616 : f32 to vector<16xf32>
    %broadcast_in_dim3A_618 = arith.constant 0.000000e+00 : f32
    %broadcast_in_dim3A_619 = vector.broadcast %broadcast_in_dim3A_618 : f32 to vector<16xf32>
    %broadcast_in_dim3A_620 = arith.constant 0.000000e+00 : f32
    %broadcast_in_dim3A_621 = vector.broadcast %broadcast_in_dim3A_620 : f32 to vector<16xf32>
    %broadcast_in_dim3A_622 = arith.constant 0.000000e+00 : f32
    %broadcast_in_dim3A_623 = vector.broadcast %broadcast_in_dim3A_622 : f32 to vector<16xf32>
    %broadcast_in_dim3A_624 = arith.constant 0.000000e+00 : f32
    %broadcast_in_dim3A_625 = vector.broadcast %broadcast_in_dim3A_624 : f32 to vector<16xf32>
    %broadcast_in_dim3A_626 = arith.constant 0.000000e+00 : f32
    %broadcast_in_dim3A_627 = vector.broadcast %broadcast_in_dim3A_626 : f32 to vector<16xf32>
    %broadcast_in_dim3A_628 = arith.constant 0.000000e+00 : f32
    %broadcast_in_dim3A_629 = vector.broadcast %broadcast_in_dim3A_628 : f32 to vector<16xf32>
    %broadcast_in_dim3A_630 = arith.constant 0.000000e+00 : f32
    %broadcast_in_dim3A_631 = vector.broadcast %broadcast_in_dim3A_630 : f32 to vector<16xf32>
    %broadcast_in_dim3A_632 = arith.constant 0.000000e+00 : f32
    %broadcast_in_dim3A_633 = vector.broadcast %broadcast_in_dim3A_632 : f32 to vector<16xf32>
    %broadcast_in_dim3A_634 = arith.constant 0.000000e+00 : f32
    %broadcast_in_dim3A_635 = vector.broadcast %broadcast_in_dim3A_634 : f32 to vector<16xf32>
    %broadcast_in_dim3A_636 = arith.constant 0.000000e+00 : f32
    %broadcast_in_dim3A_637 = vector.broadcast %broadcast_in_dim3A_636 : f32 to vector<16xf32>
    %broadcast_in_dim3A_638 = arith.constant 0.000000e+00 : f32
    %broadcast_in_dim3A_639 = vector.broadcast %broadcast_in_dim3A_638 : f32 to vector<16xf32>
    %broadcast_in_dim3A_640 = arith.constant 0.000000e+00 : f32
    %broadcast_in_dim3A_641 = vector.broadcast %broadcast_in_dim3A_640 : f32 to vector<16xf32>
    %broadcast_in_dim3A_642 = arith.constant 0.000000e+00 : f32
    %broadcast_in_dim3A_643 = vector.broadcast %broadcast_in_dim3A_642 : f32 to vector<16xf32>
    %broadcast_in_dim3A_644 = arith.constant 0.000000e+00 : f32
    %broadcast_in_dim3A_645 = vector.broadcast %broadcast_in_dim3A_644 : f32 to vector<16xf32>
    %scan3A_646 = arith.constant 0 : i32
    %scan3A_647 = arith.constant 20 : i32
    %scan3A_648 = arith.addi %scan3A_646, %scan3A_647 : i32
    %scan3A_649 = arith.constant 1 : i32
    %scan3A_650:24 = scf.for %scan3A_798 = %scan3A_646 to %scan3A_648 step %scan3A_649 iter_args(%scan3A_799 = %broadcast_in_dim3A_599, %scan3A_800 = %broadcast_in_dim3A_601, %scan3A_801 = %broadcast_in_dim3A_603, %scan3A_802 = %broadcast_in_dim3A_605, %scan3A_803 = %broadcast_in_dim3A_607, %scan3A_804 = %broadcast_in_dim3A_609, %scan3A_805 = %broadcast_in_dim3A_611, %scan3A_806 = %broadcast_in_dim3A_613, %scan3A_807 = %broadcast_in_dim3A_615, %scan3A_808 = %broadcast_in_dim3A_617, %scan3A_809 = %broadcast_in_dim3A_619, %scan3A_810 = %broadcast_in_dim3A_621, %scan3A_811 = %broadcast_in_dim3A_623, %scan3A_812 = %broadcast_in_dim3A_625, %scan3A_813 = %broadcast_in_dim3A_627, %scan3A_814 = %broadcast_in_dim3A_629, %scan3A_815 = %broadcast_in_dim3A_631, %scan3A_816 = %broadcast_in_dim3A_633, %scan3A_817 = %broadcast_in_dim3A_635, %scan3A_818 = %broadcast_in_dim3A_637, %scan3A_819 = %broadcast_in_dim3A_639, %scan3A_820 = %broadcast_in_dim3A_641, %scan3A_821 = %broadcast_in_dim3A_643, %scan3A_822 = %broadcast_in_dim3A_645) -> (vector<16xf32>, vector<16xf32>, vector<16xf32>, vector<16xf32>, vector<16xf32>, vector<16xf32>, vector<16xf32>, vector<16xf32>, vector<16xf32>, vector<16xf32>, vector<16xf32>, vector<16xf32>, vector<16xf32>, vector<16xf32>, vector<16xf32>, vector<16xf32>, vector<16xf32>, vector<16xf32>, vector<16xf32>, vector<16xf32>, vector<16xf32>, vector<16xf32>, vector<16xf32>, vector<16xf32>)  : i32 {
      %add3A_823 = arith.constant 60 : i32
      %add3A_824 = arith.addi %add3A_823, %scan3A_798 : i32
      %get3A = arith.index_cast %add3A_824 : i32 to index
      %get3A_825 = arith.constant 0 : index
      %get3A_826 = tpu.vector_load %arg6[%get3A, %get3A_825] {strides = array<i32>} : memref<80x384xf32, #tpu.memory_space<vmem>>, vector<1x16xf32>,
      %get3A_827 = vector.shape_cast %get3A_826 : vector<1x16xf32> to vector<16xf32>
      %add3A_828 = arith.addf %scan3A_799, %get3A_827 : vector<16xf32>
      %get3A_829 = arith.index_cast %add3A_824 : i32 to index
      %get3A_830 = arith.constant 16 : index
      %get3A_831 = tpu.vector_load %arg6[%get3A_829, %get3A_830] {strides = array<i32>} : memref<80x384xf32, #tpu.memory_space<vmem>>, vector<1x16xf32>,
      %get3A_832 = vector.shape_cast %get3A_831 : vector<1x16xf32> to vector<16xf32>
      %add3A_833 = arith.addf %scan3A_800, %get3A_832 : vector<16xf32>
      %get3A_834 = arith.index_cast %add3A_824 : i32 to index
      %get3A_835 = arith.constant 32 : index
      %get3A_836 = tpu.vector_load %arg6[%get3A_834, %get3A_835] {strides = array<i32>} : memref<80x384xf32, #tpu.memory_space<vmem>>, vector<1x16xf32>,
      %get3A_837 = vector.shape_cast %get3A_836 : vector<1x16xf32> to vector<16xf32>
      %add3A_838 = arith.addf %scan3A_801, %get3A_837 : vector<16xf32>
      %get3A_839 = arith.index_cast %add3A_824 : i32 to index
      %get3A_840 = arith.constant 48 : index
      %get3A_841 = tpu.vector_load %arg6[%get3A_839, %get3A_840] {strides = array<i32>} : memref<80x384xf32, #tpu.memory_space<vmem>>, vector<1x16xf32>,
      %get3A_842 = vector.shape_cast %get3A_841 : vector<1x16xf32> to vector<16xf32>
      %add3A_843 = arith.addf %scan3A_802, %get3A_842 : vector<16xf32>
      %get3A_844 = arith.index_cast %add3A_824 : i32 to index
      %get3A_845 = arith.constant 64 : index
      %get3A_846 = tpu.vector_load %arg6[%get3A_844, %get3A_845] {strides = array<i32>} : memref<80x384xf32, #tpu.memory_space<vmem>>, vector<1x16xf32>,
      %get3A_847 = vector.shape_cast %get3A_846 : vector<1x16xf32> to vector<16xf32>
      %add3A_848 = arith.addf %scan3A_803, %get3A_847 : vector<16xf32>
      %get3A_849 = arith.index_cast %add3A_824 : i32 to index
      %get3A_850 = arith.constant 80 : index
      %get3A_851 = tpu.vector_load %arg6[%get3A_849, %get3A_850] {strides = array<i32>} : memref<80x384xf32, #tpu.memory_space<vmem>>, vector<1x16xf32>,
      %get3A_852 = vector.shape_cast %get3A_851 : vector<1x16xf32> to vector<16xf32>
      %add3A_853 = arith.addf %scan3A_804, %get3A_852 : vector<16xf32>
      %get3A_854 = arith.index_cast %add3A_824 : i32 to index
      %get3A_855 = arith.constant 96 : index
      %get3A_856 = tpu.vector_load %arg6[%get3A_854, %get3A_855] {strides = array<i32>} : memref<80x384xf32, #tpu.memory_space<vmem>>, vector<1x16xf32>,
      %get3A_857 = vector.shape_cast %get3A_856 : vector<1x16xf32> to vector<16xf32>
      %add3A_858 = arith.addf %scan3A_805, %get3A_857 : vector<16xf32>
      %get3A_859 = arith.index_cast %add3A_824 : i32 to index
      %get3A_860 = arith.constant 112 : index
      %get3A_861 = tpu.vector_load %arg6[%get3A_859, %get3A_860] {strides = array<i32>} : memref<80x384xf32, #tpu.memory_space<vmem>>, vector<1x16xf32>,
      %get3A_862 = vector.shape_cast %get3A_861 : vector<1x16xf32> to vector<16xf32>
      %add3A_863 = arith.addf %scan3A_806, %get3A_862 : vector<16xf32>
      %get3A_864 = arith.index_cast %add3A_824 : i32 to index
      %get3A_865 = arith.constant 128 : index
      %get3A_866 = tpu.vector_load %arg6[%get3A_864, %get3A_865] {strides = array<i32>} : memref<80x384xf32, #tpu.memory_space<vmem>>, vector<1x16xf32>,
      %get3A_867 = vector.shape_cast %get3A_866 : vector<1x16xf32> to vector<16xf32>
      %add3A_868 = arith.addf %scan3A_807, %get3A_867 : vector<16xf32>
      %get3A_869 = arith.index_cast %add3A_824 : i32 to index
      %get3A_870 = arith.constant 144 : index
      %get3A_871 = tpu.vector_load %arg6[%get3A_869, %get3A_870] {strides = array<i32>} : memref<80x384xf32, #tpu.memory_space<vmem>>, vector<1x16xf32>,
      %get3A_872 = vector.shape_cast %get3A_871 : vector<1x16xf32> to vector<16xf32>
      %add3A_873 = arith.addf %scan3A_808, %get3A_872 : vector<16xf32>
      %get3A_874 = arith.index_cast %add3A_824 : i32 to index
      %get3A_875 = arith.constant 160 : index
      %get3A_876 = tpu.vector_load %arg6[%get3A_874, %get3A_875] {strides = array<i32>} : memref<80x384xf32, #tpu.memory_space<vmem>>, vector<1x16xf32>,
      %get3A_877 = vector.shape_cast %get3A_876 : vector<1x16xf32> to vector<16xf32>
      %add3A_878 = arith.addf %scan3A_809, %get3A_877 : vector<16xf32>
      %get3A_879 = arith.index_cast %add3A_824 : i32 to index
      %get3A_880 = arith.constant 176 : index
      %get3A_881 = tpu.vector_load %arg6[%get3A_879, %get3A_880] {strides = array<i32>} : memref<80x384xf32, #tpu.memory_space<vmem>>, vector<1x16xf32>,
      %get3A_882 = vector.shape_cast %get3A_881 : vector<1x16xf32> to vector<16xf32>
      %add3A_883 = arith.addf %scan3A_810, %get3A_882 : vector<16xf32>
      %get3A_884 = arith.index_cast %add3A_824 : i32 to index
      %get3A_885 = arith.constant 192 : index
      %get3A_886 = tpu.vector_load %arg6[%get3A_884, %get3A_885] {strides = array<i32>} : memref<80x384xf32, #tpu.memory_space<vmem>>, vector<1x16xf32>,
      %get3A_887 = vector.shape_cast %get3A_886 : vector<1x16xf32> to vector<16xf32>
      %add3A_888 = arith.addf %scan3A_811, %get3A_887 : vector<16xf32>
      %get3A_889 = arith.index_cast %add3A_824 : i32 to index
      %get3A_890 = arith.constant 208 : index
      %get3A_891 = tpu.vector_load %arg6[%get3A_889, %get3A_890] {strides = array<i32>} : memref<80x384xf32, #tpu.memory_space<vmem>>, vector<1x16xf32>,
      %get3A_892 = vector.shape_cast %get3A_891 : vector<1x16xf32> to vector<16xf32>
      %add3A_893 = arith.addf %scan3A_812, %get3A_892 : vector<16xf32>
      %get3A_894 = arith.index_cast %add3A_824 : i32 to index
      %get3A_895 = arith.constant 224 : index
      %get3A_896 = tpu.vector_load %arg6[%get3A_894, %get3A_895] {strides = array<i32>} : memref<80x384xf32, #tpu.memory_space<vmem>>, vector<1x16xf32>,
      %get3A_897 = vector.shape_cast %get3A_896 : vector<1x16xf32> to vector<16xf32>
      %add3A_898 = arith.addf %scan3A_813, %get3A_897 : vector<16xf32>
      %get3A_899 = arith.index_cast %add3A_824 : i32 to index
      %get3A_900 = arith.constant 240 : index
      %get3A_901 = tpu.vector_load %arg6[%get3A_899, %get3A_900] {strides = array<i32>} : memref<80x384xf32, #tpu.memory_space<vmem>>, vector<1x16xf32>,
      %get3A_902 = vector.shape_cast %get3A_901 : vector<1x16xf32> to vector<16xf32>
      %add3A_903 = arith.addf %scan3A_814, %get3A_902 : vector<16xf32>
      %get3A_904 = arith.index_cast %add3A_824 : i32 to index
      %get3A_905 = arith.constant 256 : index
      %get3A_906 = tpu.vector_load %arg6[%get3A_904, %get3A_905] {strides = array<i32>} : memref<80x384xf32, #tpu.memory_space<vmem>>, vector<1x16xf32>,
      %get3A_907 = vector.shape_cast %get3A_906 : vector<1x16xf32> to vector<16xf32>
      %add3A_908 = arith.addf %scan3A_815, %get3A_907 : vector<16xf32>
      %get3A_909 = arith.index_cast %add3A_824 : i32 to index
      %get3A_910 = arith.constant 272 : index
      %get3A_911 = tpu.vector_load %arg6[%get3A_909, %get3A_910] {strides = array<i32>} : memref<80x384xf32, #tpu.memory_space<vmem>>, vector<1x16xf32>,
      %get3A_912 = vector.shape_cast %get3A_911 : vector<1x16xf32> to vector<16xf32>
      %add3A_913 = arith.addf %scan3A_816, %get3A_912 : vector<16xf32>
      %get3A_914 = arith.index_cast %add3A_824 : i32 to index
      %get3A_915 = arith.constant 288 : index
      %get3A_916 = tpu.vector_load %arg6[%get3A_914, %get3A_915] {strides = array<i32>} : memref<80x384xf32, #tpu.memory_space<vmem>>, vector<1x16xf32>,
      %get3A_917 = vector.shape_cast %get3A_916 : vector<1x16xf32> to vector<16xf32>
      %add3A_918 = arith.addf %scan3A_817, %get3A_917 : vector<16xf32>
      %get3A_919 = arith.index_cast %add3A_824 : i32 to index
      %get3A_920 = arith.constant 304 : index
      %get3A_921 = tpu.vector_load %arg6[%get3A_919, %get3A_920] {strides = array<i32>} : memref<80x384xf32, #tpu.memory_space<vmem>>, vector<1x16xf32>,
      %get3A_922 = vector.shape_cast %get3A_921 : vector<1x16xf32> to vector<16xf32>
      %add3A_923 = arith.addf %scan3A_818, %get3A_922 : vector<16xf32>
      %get3A_924 = arith.index_cast %add3A_824 : i32 to index
      %get3A_925 = arith.constant 320 : index
      %get3A_926 = tpu.vector_load %arg6[%get3A_924, %get3A_925] {strides = array<i32>} : memref<80x384xf32, #tpu.memory_space<vmem>>, vector<1x16xf32>,
      %get3A_927 = vector.shape_cast %get3A_926 : vector<1x16xf32> to vector<16xf32>
      %add3A_928 = arith.addf %scan3A_819, %get3A_927 : vector<16xf32>
      %get3A_929 = arith.index_cast %add3A_824 : i32 to index
      %get3A_930 = arith.constant 336 : index
      %get3A_931 = tpu.vector_load %arg6[%get3A_929, %get3A_930] {strides = array<i32>} : memref<80x384xf32, #tpu.memory_space<vmem>>, vector<1x16xf32>,
      %get3A_932 = vector.shape_cast %get3A_931 : vector<1x16xf32> to vector<16xf32>
      %add3A_933 = arith.addf %scan3A_820, %get3A_932 : vector<16xf32>
      %get3A_934 = arith.index_cast %add3A_824 : i32 to index
      %get3A_935 = arith.constant 352 : index
      %get3A_936 = tpu.vector_load %arg6[%get3A_934, %get3A_935] {strides = array<i32>} : memref<80x384xf32, #tpu.memory_space<vmem>>, vector<1x16xf32>,
      %get3A_937 = vector.shape_cast %get3A_936 : vector<1x16xf32> to vector<16xf32>
      %add3A_938 = arith.addf %scan3A_821, %get3A_937 : vector<16xf32>
      %get3A_939 = arith.index_cast %add3A_824 : i32 to index
      %get3A_940 = arith.constant 368 : index
      %get3A_941 = tpu.vector_load %arg6[%get3A_939, %get3A_940] {strides = array<i32>} : memref<80x384xf32, #tpu.memory_space<vmem>>, vector<1x16xf32>,
      %get3A_942 = vector.shape_cast %get3A_941 : vector<1x16xf32> to vector<16xf32>
      %add3A_943 = arith.addf %scan3A_822, %get3A_942 : vector<16xf32>
      scf.yield %add3A_828, %add3A_833, %add3A_838, %add3A_843, %add3A_848, %add3A_853, %add3A_858, %add3A_863, %add3A_868, %add3A_873, %add3A_878, %add3A_883, %add3A_888, %add3A_893, %add3A_898, %add3A_903, %add3A_908, %add3A_913, %add3A_918, %add3A_923, %add3A_928, %add3A_933, %add3A_938, %add3A_943 : vector<16xf32>, vector<16xf32>, vector<16xf32>, vector<16xf32>, vector<16xf32>, vector<16xf32>, vector<16xf32>, vector<16xf32>, vector<16xf32>, vector<16xf32>, vector<16xf32>, vector<16xf32>, vector<16xf32>, vector<16xf32>, vector<16xf32>, vector<16xf32>, vector<16xf32>, vector<16xf32>, vector<16xf32>, vector<16xf32>, vector<16xf32>, vector<16xf32>, vector<16xf32>, vector<16xf32>
    }
    %scan3A_651 = arith.constant 20 : i32
    %swap3A_652 = arith.constant 3 : i32
    %swap3A_653 = arith.index_cast %swap3A_652 : i32 to index
    %swap3A_654 = arith.constant 0 : index
    %swap3A_655 = tpu.vector_load %arg7[%swap3A_653, %swap3A_654] {strides = array<i32>} : memref<4x384xf32, #tpu.memory_space<vmem>>, vector<1x16xf32>,
    %swap3A_656 = vector.shape_cast %swap3A_655 : vector<1x16xf32> to vector<16xf32>
    %swap3A_657 = vector.shape_cast %scan3A_650#0 : vector<16xf32> to vector<1x16xf32>
    tpu.vector_store %arg7[%swap3A_653, %swap3A_654], %swap3A_657 {strides = array<i32>} : memref<4x384xf32, #tpu.memory_space<vmem>>, vector<1x16xf32>,
    %swap3A_658 = arith.constant 3 : i32
    %swap3A_659 = arith.index_cast %swap3A_658 : i32 to index
    %swap3A_660 = arith.constant 16 : index
    %swap3A_661 = tpu.vector_load %arg7[%swap3A_659, %swap3A_660] {strides = array<i32>} : memref<4x384xf32, #tpu.memory_space<vmem>>, vector<1x16xf32>,
    %swap3A_662 = vector.shape_cast %swap3A_661 : vector<1x16xf32> to vector<16xf32>
    %swap3A_663 = vector.shape_cast %scan3A_650#1 : vector<16xf32> to vector<1x16xf32>
    tpu.vector_store %arg7[%swap3A_659, %swap3A_660], %swap3A_663 {strides = array<i32>} : memref<4x384xf32, #tpu.memory_space<vmem>>, vector<1x16xf32>,
    %swap3A_664 = arith.constant 3 : i32
    %swap3A_665 = arith.index_cast %swap3A_664 : i32 to index
    %swap3A_666 = arith.constant 32 : index
    %swap3A_667 = tpu.vector_load %arg7[%swap3A_665, %swap3A_666] {strides = array<i32>} : memref<4x384xf32, #tpu.memory_space<vmem>>, vector<1x16xf32>,
    %swap3A_668 = vector.shape_cast %swap3A_667 : vector<1x16xf32> to vector<16xf32>
    %swap3A_669 = vector.shape_cast %scan3A_650#2 : vector<16xf32> to vector<1x16xf32>
    tpu.vector_store %arg7[%swap3A_665, %swap3A_666], %swap3A_669 {strides = array<i32>} : memref<4x384xf32, #tpu.memory_space<vmem>>, vector<1x16xf32>,
    %swap3A_670 = arith.constant 3 : i32
    %swap3A_671 = arith.index_cast %swap3A_670 : i32 to index
    %swap3A_672 = arith.constant 48 : index
    %swap3A_673 = tpu.vector_load %arg7[%swap3A_671, %swap3A_672] {strides = array<i32>} : memref<4x384xf32, #tpu.memory_space<vmem>>, vector<1x16xf32>,
    %swap3A_674 = vector.shape_cast %swap3A_673 : vector<1x16xf32> to vector<16xf32>
    %swap3A_675 = vector.shape_cast %scan3A_650#3 : vector<16xf32> to vector<1x16xf32>
    tpu.vector_store %arg7[%swap3A_671, %swap3A_672], %swap3A_675 {strides = array<i32>} : memref<4x384xf32, #tpu.memory_space<vmem>>, vector<1x16xf32>,
    %swap3A_676 = arith.constant 3 : i32
    %swap3A_677 = arith.index_cast %swap3A_676 : i32 to index
    %swap3A_678 = arith.constant 64 : index
    %swap3A_679 = tpu.vector_load %arg7[%swap3A_677, %swap3A_678] {strides = array<i32>} : memref<4x384xf32, #tpu.memory_space<vmem>>, vector<1x16xf32>,
    %swap3A_680 = vector.shape_cast %swap3A_679 : vector<1x16xf32> to vector<16xf32>
    %swap3A_681 = vector.shape_cast %scan3A_650#4 : vector<16xf32> to vector<1x16xf32>
    tpu.vector_store %arg7[%swap3A_677, %swap3A_678], %swap3A_681 {strides = array<i32>} : memref<4x384xf32, #tpu.memory_space<vmem>>, vector<1x16xf32>,
    %swap3A_682 = arith.constant 3 : i32
    %swap3A_683 = arith.index_cast %swap3A_682 : i32 to index
    %swap3A_684 = arith.constant 80 : index
    %swap3A_685 = tpu.vector_load %arg7[%swap3A_683, %swap3A_684] {strides = array<i32>} : memref<4x384xf32, #tpu.memory_space<vmem>>, vector<1x16xf32>,
    %swap3A_686 = vector.shape_cast %swap3A_685 : vector<1x16xf32> to vector<16xf32>
    %swap3A_687 = vector.shape_cast %scan3A_650#5 : vector<16xf32> to vector<1x16xf32>
    tpu.vector_store %arg7[%swap3A_683, %swap3A_684], %swap3A_687 {strides = array<i32>} : memref<4x384xf32, #tpu.memory_space<vmem>>, vector<1x16xf32>,
    %swap3A_688 = arith.constant 3 : i32
    %swap3A_689 = arith.index_cast %swap3A_688 : i32 to index
    %swap3A_690 = arith.constant 96 : index
    %swap3A_691 = tpu.vector_load %arg7[%swap3A_689, %swap3A_690] {strides = array<i32>} : memref<4x384xf32, #tpu.memory_space<vmem>>, vector<1x16xf32>,
    %swap3A_692 = vector.shape_cast %swap3A_691 : vector<1x16xf32> to vector<16xf32>
    %swap3A_693 = vector.shape_cast %scan3A_650#6 : vector<16xf32> to vector<1x16xf32>
    tpu.vector_store %arg7[%swap3A_689, %swap3A_690], %swap3A_693 {strides = array<i32>} : memref<4x384xf32, #tpu.memory_space<vmem>>, vector<1x16xf32>,
    %swap3A_694 = arith.constant 3 : i32
    %swap3A_695 = arith.index_cast %swap3A_694 : i32 to index
    %swap3A_696 = arith.constant 112 : index
    %swap3A_697 = tpu.vector_load %arg7[%swap3A_695, %swap3A_696] {strides = array<i32>} : memref<4x384xf32, #tpu.memory_space<vmem>>, vector<1x16xf32>,
    %swap3A_698 = vector.shape_cast %swap3A_697 : vector<1x16xf32> to vector<16xf32>
    %swap3A_699 = vector.shape_cast %scan3A_650#7 : vector<16xf32> to vector<1x16xf32>
    tpu.vector_store %arg7[%swap3A_695, %swap3A_696], %swap3A_699 {strides = array<i32>} : memref<4x384xf32, #tpu.memory_space<vmem>>, vector<1x16xf32>,
    %swap3A_700 = arith.constant 3 : i32
    %swap3A_701 = arith.index_cast %swap3A_700 : i32 to index
    %swap3A_702 = arith.constant 128 : index
    %swap3A_703 = tpu.vector_load %arg7[%swap3A_701, %swap3A_702] {strides = array<i32>} : memref<4x384xf32, #tpu.memory_space<vmem>>, vector<1x16xf32>,
    %swap3A_704 = vector.shape_cast %swap3A_703 : vector<1x16xf32> to vector<16xf32>
    %swap3A_705 = vector.shape_cast %scan3A_650#8 : vector<16xf32> to vector<1x16xf32>
    tpu.vector_store %arg7[%swap3A_701, %swap3A_702], %swap3A_705 {strides = array<i32>} : memref<4x384xf32, #tpu.memory_space<vmem>>, vector<1x16xf32>,
    %swap3A_706 = arith.constant 3 : i32
    %swap3A_707 = arith.index_cast %swap3A_706 : i32 to index
    %swap3A_708 = arith.constant 144 : index
    %swap3A_709 = tpu.vector_load %arg7[%swap3A_707, %swap3A_708] {strides = array<i32>} : memref<4x384xf32, #tpu.memory_space<vmem>>, vector<1x16xf32>,
    %swap3A_710 = vector.shape_cast %swap3A_709 : vector<1x16xf32> to vector<16xf32>
    %swap3A_711 = vector.shape_cast %scan3A_650#9 : vector<16xf32> to vector<1x16xf32>
    tpu.vector_store %arg7[%swap3A_707, %swap3A_708], %swap3A_711 {strides = array<i32>} : memref<4x384xf32, #tpu.memory_space<vmem>>, vector<1x16xf32>,
    %swap3A_712 = arith.constant 3 : i32
    %swap3A_713 = arith.index_cast %swap3A_712 : i32 to index
    %swap3A_714 = arith.constant 160 : index
    %swap3A_715 = tpu.vector_load %arg7[%swap3A_713, %swap3A_714] {strides = array<i32>} : memref<4x384xf32, #tpu.memory_space<vmem>>, vector<1x16xf32>,
    %swap3A_716 = vector.shape_cast %swap3A_715 : vector<1x16xf32> to vector<16xf32>
    %swap3A_717 = vector.shape_cast %scan3A_650#10 : vector<16xf32> to vector<1x16xf32>
    tpu.vector_store %arg7[%swap3A_713, %swap3A_714], %swap3A_717 {strides = array<i32>} : memref<4x384xf32, #tpu.memory_space<vmem>>, vector<1x16xf32>,
    %swap3A_718 = arith.constant 3 : i32
    %swap3A_719 = arith.index_cast %swap3A_718 : i32 to index
    %swap3A_720 = arith.constant 176 : index
    %swap3A_721 = tpu.vector_load %arg7[%swap3A_719, %swap3A_720] {strides = array<i32>} : memref<4x384xf32, #tpu.memory_space<vmem>>, vector<1x16xf32>,
    %swap3A_722 = vector.shape_cast %swap3A_721 : vector<1x16xf32> to vector<16xf32>
    %swap3A_723 = vector.shape_cast %scan3A_650#11 : vector<16xf32> to vector<1x16xf32>
    tpu.vector_store %arg7[%swap3A_719, %swap3A_720], %swap3A_723 {strides = array<i32>} : memref<4x384xf32, #tpu.memory_space<vmem>>, vector<1x16xf32>,
    %swap3A_724 = arith.constant 3 : i32
    %swap3A_725 = arith.index_cast %swap3A_724 : i32 to index
    %swap3A_726 = arith.constant 192 : index
    %swap3A_727 = tpu.vector_load %arg7[%swap3A_725, %swap3A_726] {strides = array<i32>} : memref<4x384xf32, #tpu.memory_space<vmem>>, vector<1x16xf32>,
    %swap3A_728 = vector.shape_cast %swap3A_727 : vector<1x16xf32> to vector<16xf32>
    %swap3A_729 = vector.shape_cast %scan3A_650#12 : vector<16xf32> to vector<1x16xf32>
    tpu.vector_store %arg7[%swap3A_725, %swap3A_726], %swap3A_729 {strides = array<i32>} : memref<4x384xf32, #tpu.memory_space<vmem>>, vector<1x16xf32>,
    %swap3A_730 = arith.constant 3 : i32
    %swap3A_731 = arith.index_cast %swap3A_730 : i32 to index
    %swap3A_732 = arith.constant 208 : index
    %swap3A_733 = tpu.vector_load %arg7[%swap3A_731, %swap3A_732] {strides = array<i32>} : memref<4x384xf32, #tpu.memory_space<vmem>>, vector<1x16xf32>,
    %swap3A_734 = vector.shape_cast %swap3A_733 : vector<1x16xf32> to vector<16xf32>
    %swap3A_735 = vector.shape_cast %scan3A_650#13 : vector<16xf32> to vector<1x16xf32>
    tpu.vector_store %arg7[%swap3A_731, %swap3A_732], %swap3A_735 {strides = array<i32>} : memref<4x384xf32, #tpu.memory_space<vmem>>, vector<1x16xf32>,
    %swap3A_736 = arith.constant 3 : i32
    %swap3A_737 = arith.index_cast %swap3A_736 : i32 to index
    %swap3A_738 = arith.constant 224 : index
    %swap3A_739 = tpu.vector_load %arg7[%swap3A_737, %swap3A_738] {strides = array<i32>} : memref<4x384xf32, #tpu.memory_space<vmem>>, vector<1x16xf32>,
    %swap3A_740 = vector.shape_cast %swap3A_739 : vector<1x16xf32> to vector<16xf32>
    %swap3A_741 = vector.shape_cast %scan3A_650#14 : vector<16xf32> to vector<1x16xf32>
    tpu.vector_store %arg7[%swap3A_737, %swap3A_738], %swap3A_741 {strides = array<i32>} : memref<4x384xf32, #tpu.memory_space<vmem>>, vector<1x16xf32>,
    %swap3A_742 = arith.constant 3 : i32
    %swap3A_743 = arith.index_cast %swap3A_742 : i32 to index
    %swap3A_744 = arith.constant 240 : index
    %swap3A_745 = tpu.vector_load %arg7[%swap3A_743, %swap3A_744] {strides = array<i32>} : memref<4x384xf32, #tpu.memory_space<vmem>>, vector<1x16xf32>,
    %swap3A_746 = vector.shape_cast %swap3A_745 : vector<1x16xf32> to vector<16xf32>
    %swap3A_747 = vector.shape_cast %scan3A_650#15 : vector<16xf32> to vector<1x16xf32>
    tpu.vector_store %arg7[%swap3A_743, %swap3A_744], %swap3A_747 {strides = array<i32>} : memref<4x384xf32, #tpu.memory_space<vmem>>, vector<1x16xf32>,
    %swap3A_748 = arith.constant 3 : i32
    %swap3A_749 = arith.index_cast %swap3A_748 : i32 to index
    %swap3A_750 = arith.constant 256 : index
    %swap3A_751 = tpu.vector_load %arg7[%swap3A_749, %swap3A_750] {strides = array<i32>} : memref<4x384xf32, #tpu.memory_space<vmem>>, vector<1x16xf32>,
    %swap3A_752 = vector.shape_cast %swap3A_751 : vector<1x16xf32> to vector<16xf32>
    %swap3A_753 = vector.shape_cast %scan3A_650#16 : vector<16xf32> to vector<1x16xf32>
    tpu.vector_store %arg7[%swap3A_749, %swap3A_750], %swap3A_753 {strides = array<i32>} : memref<4x384xf32, #tpu.memory_space<vmem>>, vector<1x16xf32>,
    %swap3A_754 = arith.constant 3 : i32
    %swap3A_755 = arith.index_cast %swap3A_754 : i32 to index
    %swap3A_756 = arith.constant 272 : index
    %swap3A_757 = tpu.vector_load %arg7[%swap3A_755, %swap3A_756] {strides = array<i32>} : memref<4x384xf32, #tpu.memory_space<vmem>>, vector<1x16xf32>,
    %swap3A_758 = vector.shape_cast %swap3A_757 : vector<1x16xf32> to vector<16xf32>
    %swap3A_759 = vector.shape_cast %scan3A_650#17 : vector<16xf32> to vector<1x16xf32>
    tpu.vector_store %arg7[%swap3A_755, %swap3A_756], %swap3A_759 {strides = array<i32>} : memref<4x384xf32, #tpu.memory_space<vmem>>, vector<1x16xf32>,
    %swap3A_760 = arith.constant 3 : i32
    %swap3A_761 = arith.index_cast %swap3A_760 : i32 to index
    %swap3A_762 = arith.constant 288 : index
    %swap3A_763 = tpu.vector_load %arg7[%swap3A_761, %swap3A_762] {strides = array<i32>} : memref<4x384xf32, #tpu.memory_space<vmem>>, vector<1x16xf32>,
    %swap3A_764 = vector.shape_cast %swap3A_763 : vector<1x16xf32> to vector<16xf32>
    %swap3A_765 = vector.shape_cast %scan3A_650#18 : vector<16xf32> to vector<1x16xf32>
    tpu.vector_store %arg7[%swap3A_761, %swap3A_762], %swap3A_765 {strides = array<i32>} : memref<4x384xf32, #tpu.memory_space<vmem>>, vector<1x16xf32>,
    %swap3A_766 = arith.constant 3 : i32
    %swap3A_767 = arith.index_cast %swap3A_766 : i32 to index
    %swap3A_768 = arith.constant 304 : index
    %swap3A_769 = tpu.vector_load %arg7[%swap3A_767, %swap3A_768] {strides = array<i32>} : memref<4x384xf32, #tpu.memory_space<vmem>>, vector<1x16xf32>,
    %swap3A_770 = vector.shape_cast %swap3A_769 : vector<1x16xf32> to vector<16xf32>
    %swap3A_771 = vector.shape_cast %scan3A_650#19 : vector<16xf32> to vector<1x16xf32>
    tpu.vector_store %arg7[%swap3A_767, %swap3A_768], %swap3A_771 {strides = array<i32>} : memref<4x384xf32, #tpu.memory_space<vmem>>, vector<1x16xf32>,
    %swap3A_772 = arith.constant 3 : i32
    %swap3A_773 = arith.index_cast %swap3A_772 : i32 to index
    %swap3A_774 = arith.constant 320 : index
    %swap3A_775 = tpu.vector_load %arg7[%swap3A_773, %swap3A_774] {strides = array<i32>} : memref<4x384xf32, #tpu.memory_space<vmem>>, vector<1x16xf32>,
    %swap3A_776 = vector.shape_cast %swap3A_775 : vector<1x16xf32> to vector<16xf32>
    %swap3A_777 = vector.shape_cast %scan3A_650#20 : vector<16xf32> to vector<1x16xf32>
    tpu.vector_store %arg7[%swap3A_773, %swap3A_774], %swap3A_777 {strides = array<i32>} : memref<4x384xf32, #tpu.memory_space<vmem>>, vector<1x16xf32>,
    %swap3A_778 = arith.constant 3 : i32
    %swap3A_779 = arith.index_cast %swap3A_778 : i32 to index
    %swap3A_780 = arith.constant 336 : index
    %swap3A_781 = tpu.vector_load %arg7[%swap3A_779, %swap3A_780] {strides = array<i32>} : memref<4x384xf32, #tpu.memory_space<vmem>>, vector<1x16xf32>,
    %swap3A_782 = vector.shape_cast %swap3A_781 : vector<1x16xf32> to vector<16xf32>
    %swap3A_783 = vector.shape_cast %scan3A_650#21 : vector<16xf32> to vector<1x16xf32>
    tpu.vector_store %arg7[%swap3A_779, %swap3A_780], %swap3A_783 {strides = array<i32>} : memref<4x384xf32, #tpu.memory_space<vmem>>, vector<1x16xf32>,
    %swap3A_784 = arith.constant 3 : i32
    %swap3A_785 = arith.index_cast %swap3A_784 : i32 to index
    %swap3A_786 = arith.constant 352 : index
    %swap3A_787 = tpu.vector_load %arg7[%swap3A_785, %swap3A_786] {strides = array<i32>} : memref<4x384xf32, #tpu.memory_space<vmem>>, vector<1x16xf32>,
    %swap3A_788 = vector.shape_cast %swap3A_787 : vector<1x16xf32> to vector<16xf32>
    %swap3A_789 = vector.shape_cast %scan3A_650#22 : vector<16xf32> to vector<1x16xf32>
    tpu.vector_store %arg7[%swap3A_785, %swap3A_786], %swap3A_789 {strides = array<i32>} : memref<4x384xf32, #tpu.memory_space<vmem>>, vector<1x16xf32>,
    %swap3A_790 = arith.constant 3 : i32
    %swap3A_791 = arith.index_cast %swap3A_790 : i32 to index
    %swap3A_792 = arith.constant 368 : index
    %swap3A_793 = tpu.vector_load %arg7[%swap3A_791, %swap3A_792] {strides = array<i32>} : memref<4x384xf32, #tpu.memory_space<vmem>>, vector<1x16xf32>,
    %swap3A_794 = vector.shape_cast %swap3A_793 : vector<1x16xf32> to vector<16xf32>
    %swap3A_795 = vector.shape_cast %scan3A_650#23 : vector<16xf32> to vector<1x16xf32>
    tpu.vector_store %arg7[%swap3A_791, %swap3A_792], %swap3A_795 {strides = array<i32>} : memref<4x384xf32, #tpu.memory_space<vmem>>, vector<1x16xf32>,
    %mul3A_796 = arith.constant 4 : i32
    %mul3A_797 = arith.muli %add3A, %mul3A_796 : i32
    "tpu.region"() ({
      %run_scoped3A = tpu.sem_alloc : memref<!tpu.dma_semaphore, #tpu.memory_space<semaphore_mem>>
      %dma_start3A_798 = arith.constant 0 : i32
      %dma_start3A_799 = tpu.memref_slice %arg4[%mul3A_797, %dma_start3A_798] : memref<128x384xf32, #tpu.memory_space<hbm>> -> memref<4x384xf32, #tpu.memory_space<hbm>>
      %dma_start3A_800 = arith.constant 0 : i32
      %dma_start3A_801 = tpu.memref_slice %arg4[%mul3A_797, %dma_start3A_800] : memref<128x384xf32, #tpu.memory_space<hbm>> -> memref<4x384xf32, #tpu.memory_space<hbm>>
      tpu.enqueue_dma source(%arg7 : memref<4x384xf32, #tpu.memory_space<vmem>>) target(%dma_start3A_801 : memref<4x384xf32, #tpu.memory_space<hbm>>) target_semaphore(%run_scoped3A : memref<!tpu.dma_semaphore, #tpu.memory_space<semaphore_mem>>)
      %dma_wait3A_802 = arith.constant 0 : i32
      %dma_wait3A_803 = tpu.memref_slice %arg4[%mul3A_797, %dma_wait3A_802] : memref<128x384xf32, #tpu.memory_space<hbm>> -> memref<4x384xf32, #tpu.memory_space<hbm>>
      %dma_wait3A_804 = arith.constant 0 : i32
      %dma_wait3A_805 = tpu.memref_slice %arg4[%mul3A_797, %dma_wait3A_804] : memref<128x384xf32, #tpu.memory_space<hbm>> -> memref<4x384xf32, #tpu.memory_space<hbm>>
      tpu.wait_dma2 semaphore(%run_scoped3A : memref<!tpu.dma_semaphore, #tpu.memory_space<semaphore_mem>>) src(%arg7 : memref<4x384xf32, #tpu.memory_space<vmem>>) dst(%dma_wait3A_805 : memref<4x384xf32, #tpu.memory_space<hbm>>)
      tpu.yield
    }) : () -> ()
    return
  }
}

module attributes {stable_mosaic.version = 14 : i64} {
  func.func @_find_body(%arg0: i32, %arg1: memref<128xi32, #tpu.memory_space<smem>>, %arg2: memref<128xi32, #tpu.memory_space<smem>>, %arg3: memref<8x512x196xf32, #tpu.memory_space<vmem>>, %arg4: memref<256x512xf32, #tpu.memory_space<vmem>>, %arg5: memref<8x196xf32, #tpu.memory_space<vmem>>, %arg6: memref<8x512xf32, #tpu.memory_space<vmem>>) attributes {dimension_semantics = [#tpu.dimension_semantics<arbitrary>], iteration_bounds = array<i64: 16>, scalar_prefetch = 2 : i64, scratch_operands = 0 : i64, tpu.core_type = #tpu.core_type<tc>, window_params = [{transform_indices = @transform_0, window_bounds = array<i64: 8, 512, 196>}, {pipeline_mode = #tpu.pipeline_mode<synchronous>, transform_indices = @transform_1, window_bounds = array<i64: 256, 512>}, {transform_indices = @transform_2, window_bounds = array<i64: 8, 196>}, {transform_indices = @transform_3, window_bounds = array<i64: 8, 512>}]} {
    %mul3A = arith.constant 8 : i32
    %mul3A_0 = arith.muli %arg0, %mul3A : i32
    %add3A = arith.constant 0 : i32
    %add3A_1 = arith.addi %mul3A_0, %add3A : i32
    %get3A = arith.constant 0 : index
    %get3A_2 = arith.constant 0 : index
    %get3A_3 = arith.constant 0 : index
    %get3A_4 = vector.load %arg3[%get3A, %get3A_2, %get3A_3] : memref<8x512x196xf32, #tpu.memory_space<vmem>>, vector<1x512x196xf32>
    %get3A_5 = vector.shape_cast %get3A_4 : vector<1x512x196xf32> to vector<512x196xf32>
    %get3A_6 = arith.index_cast %add3A_1 : i32 to index
    %get3A_7 = memref.load %arg1[%get3A_6] : memref<128xi32, #tpu.memory_space<smem>>
    %get3A_8 = arith.index_cast %get3A_7 : i32 to index
    %get3A_9 = arith.constant 0 : index
    %get3A_10 = vector.load %arg4[%get3A_8, %get3A_9] : memref<256x512xf32, #tpu.memory_space<vmem>>, vector<1x512xf32>
    %get3A_11 = arith.index_cast %add3A_1 : i32 to index
    %get3A_12 = memref.load %arg2[%get3A_11] : memref<128xi32, #tpu.memory_space<smem>>
    %get3A_13 = arith.index_cast %get3A_12 : i32 to index
    %get3A_14 = arith.constant 0 : index
    %get3A_15 = vector.load %arg4[%get3A_13, %get3A_14] : memref<256x512xf32, #tpu.memory_space<vmem>>, vector<1x512xf32>
    %concatenate3A = tpu.concatenate %get3A_10, %get3A_15 in 0 : vector<1x512xf32>, vector<1x512xf32> -> vector<2x512xf32>
    %dot_general3A = arith.constant dense<0.000000e+00> : vector<2x196xf32>
    %dot_general3A_16 = tpu.matmul %concatenate3A, %get3A_5, %dot_general3A {dimension_numbers = #tpu.dot_dimension_numbers<[1], [0], [0], [1], [0, 0, 1, 1], [], []>, transpose_lhs_hint = false} : vector<2x512xf32>, vector<512x196xf32>, vector<2x196xf32> -> vector<2x196xf32>
    %max3A = arith.constant 0.000000e+00 : f32
    %max3A_17 = vector.broadcast %max3A : f32 to vector<2x196xf32>
    %max3A_18 = arith.maximumf %dot_general3A_16, %max3A_17 : vector<2x196xf32>
    %slice3A = vector.extract_strided_slice %max3A_18 {offsets = [0, 0], sizes = [1, 196], strides = [1, 1]} : vector<2x196xf32> to vector<1x196xf32>
    %slice3A_19 = vector.extract_strided_slice %max3A_18 {offsets = [1, 0], sizes = [1, 196], strides = [1, 1]} : vector<2x196xf32> to vector<1x196xf32>
    %mul3A_20 = arith.mulf %slice3A, %slice3A_19 : vector<1x196xf32>
    %swap3A = arith.constant 0 : index
    %swap3A_21 = arith.constant 0 : index
    %swap3A_22 = vector.load %arg5[%swap3A, %swap3A_21] : memref<8x196xf32, #tpu.memory_space<vmem>>, vector<1x196xf32>
    tpu.vector_store %arg5[%swap3A, %swap3A_21], %mul3A_20 {strides = array<i32>} : memref<8x196xf32, #tpu.memory_space<vmem>>, vector<1x196xf32>,
    %dot_general3A_23 = arith.constant dense<0.000000e+00> : vector<1x512xf32>
    %dot_general3A_24 = tpu.matmul %mul3A_20, %get3A_5, %dot_general3A_23 {dimension_numbers = #tpu.dot_dimension_numbers<[1], [1], [0], [0], [0, 0, 1, 0], [], []>, transpose_lhs_hint = false} : vector<1x196xf32>, vector<512x196xf32>, vector<1x512xf32> -> vector<1x512xf32>
    %swap3A_25 = arith.constant 0 : index
    %swap3A_26 = arith.constant 0 : index
    %swap3A_27 = vector.load %arg6[%swap3A_25, %swap3A_26] : memref<8x512xf32, #tpu.memory_space<vmem>>, vector<1x512xf32>
    tpu.vector_store %arg6[%swap3A_25, %swap3A_26], %dot_general3A_24 {strides = array<i32>} : memref<8x512xf32, #tpu.memory_space<vmem>>, vector<1x512xf32>,
    %mul3A_28 = arith.constant 8 : i32
    %mul3A_29 = arith.muli %arg0, %mul3A_28 : i32
    %add3A_30 = arith.constant 1 : i32
    %add3A_31 = arith.addi %mul3A_29, %add3A_30 : i32
    %get3A_32 = arith.constant 1 : index
    %get3A_33 = arith.constant 0 : index
    %get3A_34 = arith.constant 0 : index
    %get3A_35 = vector.load %arg3[%get3A_32, %get3A_33, %get3A_34] : memref<8x512x196xf32, #tpu.memory_space<vmem>>, vector<1x512x196xf32>
    %get3A_36 = vector.shape_cast %get3A_35 : vector<1x512x196xf32> to vector<512x196xf32>
    %get3A_37 = arith.index_cast %add3A_31 : i32 to index
    %get3A_38 = memref.load %arg1[%get3A_37] : memref<128xi32, #tpu.memory_space<smem>>
    %get3A_39 = arith.index_cast %get3A_38 : i32 to index
    %get3A_40 = arith.constant 0 : index
    %get3A_41 = vector.load %arg4[%get3A_39, %get3A_40] : memref<256x512xf32, #tpu.memory_space<vmem>>, vector<1x512xf32>
    %get3A_42 = arith.index_cast %add3A_31 : i32 to index
    %get3A_43 = memref.load %arg2[%get3A_42] : memref<128xi32, #tpu.memory_space<smem>>
    %get3A_44 = arith.index_cast %get3A_43 : i32 to index
    %get3A_45 = arith.constant 0 : index
    %get3A_46 = vector.load %arg4[%get3A_44, %get3A_45] : memref<256x512xf32, #tpu.memory_space<vmem>>, vector<1x512xf32>
    %concatenate3A_47 = tpu.concatenate %get3A_41, %get3A_46 in 0 : vector<1x512xf32>, vector<1x512xf32> -> vector<2x512xf32>
    %dot_general3A_48 = arith.constant dense<0.000000e+00> : vector<2x196xf32>
    %dot_general3A_49 = tpu.matmul %concatenate3A_47, %get3A_36, %dot_general3A_48 {dimension_numbers = #tpu.dot_dimension_numbers<[1], [0], [0], [1], [0, 0, 1, 1], [], []>, transpose_lhs_hint = false} : vector<2x512xf32>, vector<512x196xf32>, vector<2x196xf32> -> vector<2x196xf32>
    %max3A_50 = arith.constant 0.000000e+00 : f32
    %max3A_51 = vector.broadcast %max3A_50 : f32 to vector<2x196xf32>
    %max3A_52 = arith.maximumf %dot_general3A_49, %max3A_51 : vector<2x196xf32>
    %slice3A_53 = vector.extract_strided_slice %max3A_52 {offsets = [0, 0], sizes = [1, 196], strides = [1, 1]} : vector<2x196xf32> to vector<1x196xf32>
    %slice3A_54 = vector.extract_strided_slice %max3A_52 {offsets = [1, 0], sizes = [1, 196], strides = [1, 1]} : vector<2x196xf32> to vector<1x196xf32>
    %mul3A_55 = arith.mulf %slice3A_53, %slice3A_54 : vector<1x196xf32>
    %swap3A_56 = arith.constant 1 : index
    %swap3A_57 = arith.constant 0 : index
    %swap3A_58 = vector.load %arg5[%swap3A_56, %swap3A_57] : memref<8x196xf32, #tpu.memory_space<vmem>>, vector<1x196xf32>
    tpu.vector_store %arg5[%swap3A_56, %swap3A_57], %mul3A_55 {strides = array<i32>} : memref<8x196xf32, #tpu.memory_space<vmem>>, vector<1x196xf32>,
    %dot_general3A_59 = arith.constant dense<0.000000e+00> : vector<1x512xf32>
    %dot_general3A_60 = tpu.matmul %mul3A_55, %get3A_36, %dot_general3A_59 {dimension_numbers = #tpu.dot_dimension_numbers<[1], [1], [0], [0], [0, 0, 1, 0], [], []>, transpose_lhs_hint = false} : vector<1x196xf32>, vector<512x196xf32>, vector<1x512xf32> -> vector<1x512xf32>
    %swap3A_61 = arith.constant 1 : index
    %swap3A_62 = arith.constant 0 : index
    %swap3A_63 = vector.load %arg6[%swap3A_61, %swap3A_62] : memref<8x512xf32, #tpu.memory_space<vmem>>, vector<1x512xf32>
    tpu.vector_store %arg6[%swap3A_61, %swap3A_62], %dot_general3A_60 {strides = array<i32>} : memref<8x512xf32, #tpu.memory_space<vmem>>, vector<1x512xf32>,
    %mul3A_64 = arith.constant 8 : i32
    %mul3A_65 = arith.muli %arg0, %mul3A_64 : i32
    %add3A_66 = arith.constant 2 : i32
    %add3A_67 = arith.addi %mul3A_65, %add3A_66 : i32
    %get3A_68 = arith.constant 2 : index
    %get3A_69 = arith.constant 0 : index
    %get3A_70 = arith.constant 0 : index
    %get3A_71 = vector.load %arg3[%get3A_68, %get3A_69, %get3A_70] : memref<8x512x196xf32, #tpu.memory_space<vmem>>, vector<1x512x196xf32>
    %get3A_72 = vector.shape_cast %get3A_71 : vector<1x512x196xf32> to vector<512x196xf32>
    %get3A_73 = arith.index_cast %add3A_67 : i32 to index
    %get3A_74 = memref.load %arg1[%get3A_73] : memref<128xi32, #tpu.memory_space<smem>>
    %get3A_75 = arith.index_cast %get3A_74 : i32 to index
    %get3A_76 = arith.constant 0 : index
    %get3A_77 = vector.load %arg4[%get3A_75, %get3A_76] : memref<256x512xf32, #tpu.memory_space<vmem>>, vector<1x512xf32>
    %get3A_78 = arith.index_cast %add3A_67 : i32 to index
    %get3A_79 = memref.load %arg2[%get3A_78] : memref<128xi32, #tpu.memory_space<smem>>
    %get3A_80 = arith.index_cast %get3A_79 : i32 to index
    %get3A_81 = arith.constant 0 : index
    %get3A_82 = vector.load %arg4[%get3A_80, %get3A_81] : memref<256x512xf32, #tpu.memory_space<vmem>>, vector<1x512xf32>
    %concatenate3A_83 = tpu.concatenate %get3A_77, %get3A_82 in 0 : vector<1x512xf32>, vector<1x512xf32> -> vector<2x512xf32>
    %dot_general3A_84 = arith.constant dense<0.000000e+00> : vector<2x196xf32>
    %dot_general3A_85 = tpu.matmul %concatenate3A_83, %get3A_72, %dot_general3A_84 {dimension_numbers = #tpu.dot_dimension_numbers<[1], [0], [0], [1], [0, 0, 1, 1], [], []>, transpose_lhs_hint = false} : vector<2x512xf32>, vector<512x196xf32>, vector<2x196xf32> -> vector<2x196xf32>
    %max3A_86 = arith.constant 0.000000e+00 : f32
    %max3A_87 = vector.broadcast %max3A_86 : f32 to vector<2x196xf32>
    %max3A_88 = arith.maximumf %dot_general3A_85, %max3A_87 : vector<2x196xf32>
    %slice3A_89 = vector.extract_strided_slice %max3A_88 {offsets = [0, 0], sizes = [1, 196], strides = [1, 1]} : vector<2x196xf32> to vector<1x196xf32>
    %slice3A_90 = vector.extract_strided_slice %max3A_88 {offsets = [1, 0], sizes = [1, 196], strides = [1, 1]} : vector<2x196xf32> to vector<1x196xf32>
    %mul3A_91 = arith.mulf %slice3A_89, %slice3A_90 : vector<1x196xf32>
    %swap3A_92 = arith.constant 2 : index
    %swap3A_93 = arith.constant 0 : index
    %swap3A_94 = vector.load %arg5[%swap3A_92, %swap3A_93] : memref<8x196xf32, #tpu.memory_space<vmem>>, vector<1x196xf32>
    tpu.vector_store %arg5[%swap3A_92, %swap3A_93], %mul3A_91 {strides = array<i32>} : memref<8x196xf32, #tpu.memory_space<vmem>>, vector<1x196xf32>,
    %dot_general3A_95 = arith.constant dense<0.000000e+00> : vector<1x512xf32>
    %dot_general3A_96 = tpu.matmul %mul3A_91, %get3A_72, %dot_general3A_95 {dimension_numbers = #tpu.dot_dimension_numbers<[1], [1], [0], [0], [0, 0, 1, 0], [], []>, transpose_lhs_hint = false} : vector<1x196xf32>, vector<512x196xf32>, vector<1x512xf32> -> vector<1x512xf32>
    %swap3A_97 = arith.constant 2 : index
    %swap3A_98 = arith.constant 0 : index
    %swap3A_99 = vector.load %arg6[%swap3A_97, %swap3A_98] : memref<8x512xf32, #tpu.memory_space<vmem>>, vector<1x512xf32>
    tpu.vector_store %arg6[%swap3A_97, %swap3A_98], %dot_general3A_96 {strides = array<i32>} : memref<8x512xf32, #tpu.memory_space<vmem>>, vector<1x512xf32>,
    %mul3A_100 = arith.constant 8 : i32
    %mul3A_101 = arith.muli %arg0, %mul3A_100 : i32
    %add3A_102 = arith.constant 3 : i32
    %add3A_103 = arith.addi %mul3A_101, %add3A_102 : i32
    %get3A_104 = arith.constant 3 : index
    %get3A_105 = arith.constant 0 : index
    %get3A_106 = arith.constant 0 : index
    %get3A_107 = vector.load %arg3[%get3A_104, %get3A_105, %get3A_106] : memref<8x512x196xf32, #tpu.memory_space<vmem>>, vector<1x512x196xf32>
    %get3A_108 = vector.shape_cast %get3A_107 : vector<1x512x196xf32> to vector<512x196xf32>
    %get3A_109 = arith.index_cast %add3A_103 : i32 to index
    %get3A_110 = memref.load %arg1[%get3A_109] : memref<128xi32, #tpu.memory_space<smem>>
    %get3A_111 = arith.index_cast %get3A_110 : i32 to index
    %get3A_112 = arith.constant 0 : index
    %get3A_113 = vector.load %arg4[%get3A_111, %get3A_112] : memref<256x512xf32, #tpu.memory_space<vmem>>, vector<1x512xf32>
    %get3A_114 = arith.index_cast %add3A_103 : i32 to index
    %get3A_115 = memref.load %arg2[%get3A_114] : memref<128xi32, #tpu.memory_space<smem>>
    %get3A_116 = arith.index_cast %get3A_115 : i32 to index
    %get3A_117 = arith.constant 0 : index
    %get3A_118 = vector.load %arg4[%get3A_116, %get3A_117] : memref<256x512xf32, #tpu.memory_space<vmem>>, vector<1x512xf32>
    %concatenate3A_119 = tpu.concatenate %get3A_113, %get3A_118 in 0 : vector<1x512xf32>, vector<1x512xf32> -> vector<2x512xf32>
    %dot_general3A_120 = arith.constant dense<0.000000e+00> : vector<2x196xf32>
    %dot_general3A_121 = tpu.matmul %concatenate3A_119, %get3A_108, %dot_general3A_120 {dimension_numbers = #tpu.dot_dimension_numbers<[1], [0], [0], [1], [0, 0, 1, 1], [], []>, transpose_lhs_hint = false} : vector<2x512xf32>, vector<512x196xf32>, vector<2x196xf32> -> vector<2x196xf32>
    %max3A_122 = arith.constant 0.000000e+00 : f32
    %max3A_123 = vector.broadcast %max3A_122 : f32 to vector<2x196xf32>
    %max3A_124 = arith.maximumf %dot_general3A_121, %max3A_123 : vector<2x196xf32>
    %slice3A_125 = vector.extract_strided_slice %max3A_124 {offsets = [0, 0], sizes = [1, 196], strides = [1, 1]} : vector<2x196xf32> to vector<1x196xf32>
    %slice3A_126 = vector.extract_strided_slice %max3A_124 {offsets = [1, 0], sizes = [1, 196], strides = [1, 1]} : vector<2x196xf32> to vector<1x196xf32>
    %mul3A_127 = arith.mulf %slice3A_125, %slice3A_126 : vector<1x196xf32>
    %swap3A_128 = arith.constant 3 : index
    %swap3A_129 = arith.constant 0 : index
    %swap3A_130 = vector.load %arg5[%swap3A_128, %swap3A_129] : memref<8x196xf32, #tpu.memory_space<vmem>>, vector<1x196xf32>
    tpu.vector_store %arg5[%swap3A_128, %swap3A_129], %mul3A_127 {strides = array<i32>} : memref<8x196xf32, #tpu.memory_space<vmem>>, vector<1x196xf32>,
    %dot_general3A_131 = arith.constant dense<0.000000e+00> : vector<1x512xf32>
    %dot_general3A_132 = tpu.matmul %mul3A_127, %get3A_108, %dot_general3A_131 {dimension_numbers = #tpu.dot_dimension_numbers<[1], [1], [0], [0], [0, 0, 1, 0], [], []>, transpose_lhs_hint = false} : vector<1x196xf32>, vector<512x196xf32>, vector<1x512xf32> -> vector<1x512xf32>
    %swap3A_133 = arith.constant 3 : index
    %swap3A_134 = arith.constant 0 : index
    %swap3A_135 = vector.load %arg6[%swap3A_133, %swap3A_134] : memref<8x512xf32, #tpu.memory_space<vmem>>, vector<1x512xf32>
    tpu.vector_store %arg6[%swap3A_133, %swap3A_134], %dot_general3A_132 {strides = array<i32>} : memref<8x512xf32, #tpu.memory_space<vmem>>, vector<1x512xf32>,
    %mul3A_136 = arith.constant 8 : i32
    %mul3A_137 = arith.muli %arg0, %mul3A_136 : i32
    %add3A_138 = arith.constant 4 : i32
    %add3A_139 = arith.addi %mul3A_137, %add3A_138 : i32
    %get3A_140 = arith.constant 4 : index
    %get3A_141 = arith.constant 0 : index
    %get3A_142 = arith.constant 0 : index
    %get3A_143 = vector.load %arg3[%get3A_140, %get3A_141, %get3A_142] : memref<8x512x196xf32, #tpu.memory_space<vmem>>, vector<1x512x196xf32>
    %get3A_144 = vector.shape_cast %get3A_143 : vector<1x512x196xf32> to vector<512x196xf32>
    %get3A_145 = arith.index_cast %add3A_139 : i32 to index
    %get3A_146 = memref.load %arg1[%get3A_145] : memref<128xi32, #tpu.memory_space<smem>>
    %get3A_147 = arith.index_cast %get3A_146 : i32 to index
    %get3A_148 = arith.constant 0 : index
    %get3A_149 = vector.load %arg4[%get3A_147, %get3A_148] : memref<256x512xf32, #tpu.memory_space<vmem>>, vector<1x512xf32>
    %get3A_150 = arith.index_cast %add3A_139 : i32 to index
    %get3A_151 = memref.load %arg2[%get3A_150] : memref<128xi32, #tpu.memory_space<smem>>
    %get3A_152 = arith.index_cast %get3A_151 : i32 to index
    %get3A_153 = arith.constant 0 : index
    %get3A_154 = vector.load %arg4[%get3A_152, %get3A_153] : memref<256x512xf32, #tpu.memory_space<vmem>>, vector<1x512xf32>
    %concatenate3A_155 = tpu.concatenate %get3A_149, %get3A_154 in 0 : vector<1x512xf32>, vector<1x512xf32> -> vector<2x512xf32>
    %dot_general3A_156 = arith.constant dense<0.000000e+00> : vector<2x196xf32>
    %dot_general3A_157 = tpu.matmul %concatenate3A_155, %get3A_144, %dot_general3A_156 {dimension_numbers = #tpu.dot_dimension_numbers<[1], [0], [0], [1], [0, 0, 1, 1], [], []>, transpose_lhs_hint = false} : vector<2x512xf32>, vector<512x196xf32>, vector<2x196xf32> -> vector<2x196xf32>
    %max3A_158 = arith.constant 0.000000e+00 : f32
    %max3A_159 = vector.broadcast %max3A_158 : f32 to vector<2x196xf32>
    %max3A_160 = arith.maximumf %dot_general3A_157, %max3A_159 : vector<2x196xf32>
    %slice3A_161 = vector.extract_strided_slice %max3A_160 {offsets = [0, 0], sizes = [1, 196], strides = [1, 1]} : vector<2x196xf32> to vector<1x196xf32>
    %slice3A_162 = vector.extract_strided_slice %max3A_160 {offsets = [1, 0], sizes = [1, 196], strides = [1, 1]} : vector<2x196xf32> to vector<1x196xf32>
    %mul3A_163 = arith.mulf %slice3A_161, %slice3A_162 : vector<1x196xf32>
    %swap3A_164 = arith.constant 4 : index
    %swap3A_165 = arith.constant 0 : index
    %swap3A_166 = vector.load %arg5[%swap3A_164, %swap3A_165] : memref<8x196xf32, #tpu.memory_space<vmem>>, vector<1x196xf32>
    tpu.vector_store %arg5[%swap3A_164, %swap3A_165], %mul3A_163 {strides = array<i32>} : memref<8x196xf32, #tpu.memory_space<vmem>>, vector<1x196xf32>,
    %dot_general3A_167 = arith.constant dense<0.000000e+00> : vector<1x512xf32>
    %dot_general3A_168 = tpu.matmul %mul3A_163, %get3A_144, %dot_general3A_167 {dimension_numbers = #tpu.dot_dimension_numbers<[1], [1], [0], [0], [0, 0, 1, 0], [], []>, transpose_lhs_hint = false} : vector<1x196xf32>, vector<512x196xf32>, vector<1x512xf32> -> vector<1x512xf32>
    %swap3A_169 = arith.constant 4 : index
    %swap3A_170 = arith.constant 0 : index
    %swap3A_171 = vector.load %arg6[%swap3A_169, %swap3A_170] : memref<8x512xf32, #tpu.memory_space<vmem>>, vector<1x512xf32>
    tpu.vector_store %arg6[%swap3A_169, %swap3A_170], %dot_general3A_168 {strides = array<i32>} : memref<8x512xf32, #tpu.memory_space<vmem>>, vector<1x512xf32>,
    %mul3A_172 = arith.constant 8 : i32
    %mul3A_173 = arith.muli %arg0, %mul3A_172 : i32
    %add3A_174 = arith.constant 5 : i32
    %add3A_175 = arith.addi %mul3A_173, %add3A_174 : i32
    %get3A_176 = arith.constant 5 : index
    %get3A_177 = arith.constant 0 : index
    %get3A_178 = arith.constant 0 : index
    %get3A_179 = vector.load %arg3[%get3A_176, %get3A_177, %get3A_178] : memref<8x512x196xf32, #tpu.memory_space<vmem>>, vector<1x512x196xf32>
    %get3A_180 = vector.shape_cast %get3A_179 : vector<1x512x196xf32> to vector<512x196xf32>
    %get3A_181 = arith.index_cast %add3A_175 : i32 to index
    %get3A_182 = memref.load %arg1[%get3A_181] : memref<128xi32, #tpu.memory_space<smem>>
    %get3A_183 = arith.index_cast %get3A_182 : i32 to index
    %get3A_184 = arith.constant 0 : index
    %get3A_185 = vector.load %arg4[%get3A_183, %get3A_184] : memref<256x512xf32, #tpu.memory_space<vmem>>, vector<1x512xf32>
    %get3A_186 = arith.index_cast %add3A_175 : i32 to index
    %get3A_187 = memref.load %arg2[%get3A_186] : memref<128xi32, #tpu.memory_space<smem>>
    %get3A_188 = arith.index_cast %get3A_187 : i32 to index
    %get3A_189 = arith.constant 0 : index
    %get3A_190 = vector.load %arg4[%get3A_188, %get3A_189] : memref<256x512xf32, #tpu.memory_space<vmem>>, vector<1x512xf32>
    %concatenate3A_191 = tpu.concatenate %get3A_185, %get3A_190 in 0 : vector<1x512xf32>, vector<1x512xf32> -> vector<2x512xf32>
    %dot_general3A_192 = arith.constant dense<0.000000e+00> : vector<2x196xf32>
    %dot_general3A_193 = tpu.matmul %concatenate3A_191, %get3A_180, %dot_general3A_192 {dimension_numbers = #tpu.dot_dimension_numbers<[1], [0], [0], [1], [0, 0, 1, 1], [], []>, transpose_lhs_hint = false} : vector<2x512xf32>, vector<512x196xf32>, vector<2x196xf32> -> vector<2x196xf32>
    %max3A_194 = arith.constant 0.000000e+00 : f32
    %max3A_195 = vector.broadcast %max3A_194 : f32 to vector<2x196xf32>
    %max3A_196 = arith.maximumf %dot_general3A_193, %max3A_195 : vector<2x196xf32>
    %slice3A_197 = vector.extract_strided_slice %max3A_196 {offsets = [0, 0], sizes = [1, 196], strides = [1, 1]} : vector<2x196xf32> to vector<1x196xf32>
    %slice3A_198 = vector.extract_strided_slice %max3A_196 {offsets = [1, 0], sizes = [1, 196], strides = [1, 1]} : vector<2x196xf32> to vector<1x196xf32>
    %mul3A_199 = arith.mulf %slice3A_197, %slice3A_198 : vector<1x196xf32>
    %swap3A_200 = arith.constant 5 : index
    %swap3A_201 = arith.constant 0 : index
    %swap3A_202 = vector.load %arg5[%swap3A_200, %swap3A_201] : memref<8x196xf32, #tpu.memory_space<vmem>>, vector<1x196xf32>
    tpu.vector_store %arg5[%swap3A_200, %swap3A_201], %mul3A_199 {strides = array<i32>} : memref<8x196xf32, #tpu.memory_space<vmem>>, vector<1x196xf32>,
    %dot_general3A_203 = arith.constant dense<0.000000e+00> : vector<1x512xf32>
    %dot_general3A_204 = tpu.matmul %mul3A_199, %get3A_180, %dot_general3A_203 {dimension_numbers = #tpu.dot_dimension_numbers<[1], [1], [0], [0], [0, 0, 1, 0], [], []>, transpose_lhs_hint = false} : vector<1x196xf32>, vector<512x196xf32>, vector<1x512xf32> -> vector<1x512xf32>
    %swap3A_205 = arith.constant 5 : index
    %swap3A_206 = arith.constant 0 : index
    %swap3A_207 = vector.load %arg6[%swap3A_205, %swap3A_206] : memref<8x512xf32, #tpu.memory_space<vmem>>, vector<1x512xf32>
    tpu.vector_store %arg6[%swap3A_205, %swap3A_206], %dot_general3A_204 {strides = array<i32>} : memref<8x512xf32, #tpu.memory_space<vmem>>, vector<1x512xf32>,
    %mul3A_208 = arith.constant 8 : i32
    %mul3A_209 = arith.muli %arg0, %mul3A_208 : i32
    %add3A_210 = arith.constant 6 : i32
    %add3A_211 = arith.addi %mul3A_209, %add3A_210 : i32
    %get3A_212 = arith.constant 6 : index
    %get3A_213 = arith.constant 0 : index
    %get3A_214 = arith.constant 0 : index
    %get3A_215 = vector.load %arg3[%get3A_212, %get3A_213, %get3A_214] : memref<8x512x196xf32, #tpu.memory_space<vmem>>, vector<1x512x196xf32>
    %get3A_216 = vector.shape_cast %get3A_215 : vector<1x512x196xf32> to vector<512x196xf32>
    %get3A_217 = arith.index_cast %add3A_211 : i32 to index
    %get3A_218 = memref.load %arg1[%get3A_217] : memref<128xi32, #tpu.memory_space<smem>>
    %get3A_219 = arith.index_cast %get3A_218 : i32 to index
    %get3A_220 = arith.constant 0 : index
    %get3A_221 = vector.load %arg4[%get3A_219, %get3A_220] : memref<256x512xf32, #tpu.memory_space<vmem>>, vector<1x512xf32>
    %get3A_222 = arith.index_cast %add3A_211 : i32 to index
    %get3A_223 = memref.load %arg2[%get3A_222] : memref<128xi32, #tpu.memory_space<smem>>
    %get3A_224 = arith.index_cast %get3A_223 : i32 to index
    %get3A_225 = arith.constant 0 : index
    %get3A_226 = vector.load %arg4[%get3A_224, %get3A_225] : memref<256x512xf32, #tpu.memory_space<vmem>>, vector<1x512xf32>
    %concatenate3A_227 = tpu.concatenate %get3A_221, %get3A_226 in 0 : vector<1x512xf32>, vector<1x512xf32> -> vector<2x512xf32>
    %dot_general3A_228 = arith.constant dense<0.000000e+00> : vector<2x196xf32>
    %dot_general3A_229 = tpu.matmul %concatenate3A_227, %get3A_216, %dot_general3A_228 {dimension_numbers = #tpu.dot_dimension_numbers<[1], [0], [0], [1], [0, 0, 1, 1], [], []>, transpose_lhs_hint = false} : vector<2x512xf32>, vector<512x196xf32>, vector<2x196xf32> -> vector<2x196xf32>
    %max3A_230 = arith.constant 0.000000e+00 : f32
    %max3A_231 = vector.broadcast %max3A_230 : f32 to vector<2x196xf32>
    %max3A_232 = arith.maximumf %dot_general3A_229, %max3A_231 : vector<2x196xf32>
    %slice3A_233 = vector.extract_strided_slice %max3A_232 {offsets = [0, 0], sizes = [1, 196], strides = [1, 1]} : vector<2x196xf32> to vector<1x196xf32>
    %slice3A_234 = vector.extract_strided_slice %max3A_232 {offsets = [1, 0], sizes = [1, 196], strides = [1, 1]} : vector<2x196xf32> to vector<1x196xf32>
    %mul3A_235 = arith.mulf %slice3A_233, %slice3A_234 : vector<1x196xf32>
    %swap3A_236 = arith.constant 6 : index
    %swap3A_237 = arith.constant 0 : index
    %swap3A_238 = vector.load %arg5[%swap3A_236, %swap3A_237] : memref<8x196xf32, #tpu.memory_space<vmem>>, vector<1x196xf32>
    tpu.vector_store %arg5[%swap3A_236, %swap3A_237], %mul3A_235 {strides = array<i32>} : memref<8x196xf32, #tpu.memory_space<vmem>>, vector<1x196xf32>,
    %dot_general3A_239 = arith.constant dense<0.000000e+00> : vector<1x512xf32>
    %dot_general3A_240 = tpu.matmul %mul3A_235, %get3A_216, %dot_general3A_239 {dimension_numbers = #tpu.dot_dimension_numbers<[1], [1], [0], [0], [0, 0, 1, 0], [], []>, transpose_lhs_hint = false} : vector<1x196xf32>, vector<512x196xf32>, vector<1x512xf32> -> vector<1x512xf32>
    %swap3A_241 = arith.constant 6 : index
    %swap3A_242 = arith.constant 0 : index
    %swap3A_243 = vector.load %arg6[%swap3A_241, %swap3A_242] : memref<8x512xf32, #tpu.memory_space<vmem>>, vector<1x512xf32>
    tpu.vector_store %arg6[%swap3A_241, %swap3A_242], %dot_general3A_240 {strides = array<i32>} : memref<8x512xf32, #tpu.memory_space<vmem>>, vector<1x512xf32>,
    %mul3A_244 = arith.constant 8 : i32
    %mul3A_245 = arith.muli %arg0, %mul3A_244 : i32
    %add3A_246 = arith.constant 7 : i32
    %add3A_247 = arith.addi %mul3A_245, %add3A_246 : i32
    %get3A_248 = arith.constant 7 : index
    %get3A_249 = arith.constant 0 : index
    %get3A_250 = arith.constant 0 : index
    %get3A_251 = vector.load %arg3[%get3A_248, %get3A_249, %get3A_250] : memref<8x512x196xf32, #tpu.memory_space<vmem>>, vector<1x512x196xf32>
    %get3A_252 = vector.shape_cast %get3A_251 : vector<1x512x196xf32> to vector<512x196xf32>
    %get3A_253 = arith.index_cast %add3A_247 : i32 to index
    %get3A_254 = memref.load %arg1[%get3A_253] : memref<128xi32, #tpu.memory_space<smem>>
    %get3A_255 = arith.index_cast %get3A_254 : i32 to index
    %get3A_256 = arith.constant 0 : index
    %get3A_257 = vector.load %arg4[%get3A_255, %get3A_256] : memref<256x512xf32, #tpu.memory_space<vmem>>, vector<1x512xf32>
    %get3A_258 = arith.index_cast %add3A_247 : i32 to index
    %get3A_259 = memref.load %arg2[%get3A_258] : memref<128xi32, #tpu.memory_space<smem>>
    %get3A_260 = arith.index_cast %get3A_259 : i32 to index
    %get3A_261 = arith.constant 0 : index
    %get3A_262 = vector.load %arg4[%get3A_260, %get3A_261] : memref<256x512xf32, #tpu.memory_space<vmem>>, vector<1x512xf32>
    %concatenate3A_263 = tpu.concatenate %get3A_257, %get3A_262 in 0 : vector<1x512xf32>, vector<1x512xf32> -> vector<2x512xf32>
    %dot_general3A_264 = arith.constant dense<0.000000e+00> : vector<2x196xf32>
    %dot_general3A_265 = tpu.matmul %concatenate3A_263, %get3A_252, %dot_general3A_264 {dimension_numbers = #tpu.dot_dimension_numbers<[1], [0], [0], [1], [0, 0, 1, 1], [], []>, transpose_lhs_hint = false} : vector<2x512xf32>, vector<512x196xf32>, vector<2x196xf32> -> vector<2x196xf32>
    %max3A_266 = arith.constant 0.000000e+00 : f32
    %max3A_267 = vector.broadcast %max3A_266 : f32 to vector<2x196xf32>
    %max3A_268 = arith.maximumf %dot_general3A_265, %max3A_267 : vector<2x196xf32>
    %slice3A_269 = vector.extract_strided_slice %max3A_268 {offsets = [0, 0], sizes = [1, 196], strides = [1, 1]} : vector<2x196xf32> to vector<1x196xf32>
    %slice3A_270 = vector.extract_strided_slice %max3A_268 {offsets = [1, 0], sizes = [1, 196], strides = [1, 1]} : vector<2x196xf32> to vector<1x196xf32>
    %mul3A_271 = arith.mulf %slice3A_269, %slice3A_270 : vector<1x196xf32>
    %swap3A_272 = arith.constant 7 : index
    %swap3A_273 = arith.constant 0 : index
    %swap3A_274 = vector.load %arg5[%swap3A_272, %swap3A_273] : memref<8x196xf32, #tpu.memory_space<vmem>>, vector<1x196xf32>
    tpu.vector_store %arg5[%swap3A_272, %swap3A_273], %mul3A_271 {strides = array<i32>} : memref<8x196xf32, #tpu.memory_space<vmem>>, vector<1x196xf32>,
    %dot_general3A_275 = arith.constant dense<0.000000e+00> : vector<1x512xf32>
    %dot_general3A_276 = tpu.matmul %mul3A_271, %get3A_252, %dot_general3A_275 {dimension_numbers = #tpu.dot_dimension_numbers<[1], [1], [0], [0], [0, 0, 1, 0], [], []>, transpose_lhs_hint = false} : vector<1x196xf32>, vector<512x196xf32>, vector<1x512xf32> -> vector<1x512xf32>
    %swap3A_277 = arith.constant 7 : index
    %swap3A_278 = arith.constant 0 : index
    %swap3A_279 = vector.load %arg6[%swap3A_277, %swap3A_278] : memref<8x512xf32, #tpu.memory_space<vmem>>, vector<1x512xf32>
    tpu.vector_store %arg6[%swap3A_277, %swap3A_278], %dot_general3A_276 {strides = array<i32>} : memref<8x512xf32, #tpu.memory_space<vmem>>, vector<1x512xf32>,
    return
  }
  func.func @transform_0(%arg0: i32, %arg1: memref<128xi32, #tpu.memory_space<smem>>, %arg2: memref<128xi32, #tpu.memory_space<smem>>) -> (i32, i32, i32) {
    %c0_i32 = arith.constant 0 : i32
    %c0_i32_0 = arith.constant 0 : i32
    %c0_i32_1 = arith.constant 0 : i32
    return %arg0, %c0_i32, %c0_i32_0 : i32, i32, i32
  }
  func.func @transform_1(%arg0: i32, %arg1: memref<128xi32, #tpu.memory_space<smem>>, %arg2: memref<128xi32, #tpu.memory_space<smem>>) -> (i32, i32) {
    %c0_i32 = arith.constant 0 : i32
    %c0_i32_0 = arith.constant 0 : i32
    %c0_i32_1 = arith.constant 0 : i32
    return %c0_i32, %c0_i32_0 : i32, i32
  }
  func.func @transform_2(%arg0: i32, %arg1: memref<128xi32, #tpu.memory_space<smem>>, %arg2: memref<128xi32, #tpu.memory_space<smem>>) -> (i32, i32) {
    %c0_i32 = arith.constant 0 : i32
    %c0_i32_0 = arith.constant 0 : i32
    return %arg0, %c0_i32 : i32, i32
  }
  func.func @transform_3(%arg0: i32, %arg1: memref<128xi32, #tpu.memory_space<smem>>, %arg2: memref<128xi32, #tpu.memory_space<smem>>) -> (i32, i32) {
    %c0_i32 = arith.constant 0 : i32
    %c0_i32_0 = arith.constant 0 : i32
    return %arg0, %c0_i32 : i32, i32
  }
}

module attributes {stable_mosaic.version = 14 : i64} {
  func.func @_expert_body(%arg0: i32, %arg1: memref<128x196xf32, #tpu.memory_space<vmem>>, %arg2: memref<128x512xf32, #tpu.memory_space<vmem>>, %arg3: memref<1x196x1000xf32, #tpu.memory_space<vmem>>, %arg4: memref<1x512x1000xf32, #tpu.memory_space<vmem>>, %arg5: memref<1x1x1000xf32, #tpu.memory_space<vmem>>, %arg6: memref<1x1x1000xf32, #tpu.memory_space<vmem>>, %arg7: memref<1x128x1xf32, #tpu.memory_space<vmem>>, %arg8: memref<1x128x1xf32, #tpu.memory_space<vmem>>, %arg9: memref<128x1000xf32, #tpu.memory_space<vmem>>) attributes {dimension_semantics = [#tpu.dimension_semantics<arbitrary>], iteration_bounds = array<i64: 64>, scalar_prefetch = 0 : i64, scratch_operands = 0 : i64, tpu.core_type = #tpu.core_type<tc>, window_params = [{pipeline_mode = #tpu.pipeline_mode<synchronous>, transform_indices = @transform_0, window_bounds = array<i64: 128, 196>}, {pipeline_mode = #tpu.pipeline_mode<synchronous>, transform_indices = @transform_1, window_bounds = array<i64: 128, 512>}, {transform_indices = @transform_2, window_bounds = array<i64: 1, 196, 1000>}, {transform_indices = @transform_3, window_bounds = array<i64: 1, 512, 1000>}, {transform_indices = @transform_4, window_bounds = array<i64: 1, 1, 1000>}, {transform_indices = @transform_5, window_bounds = array<i64: 1, 1, 1000>}, {transform_indices = @transform_6, window_bounds = array<i64: 1, 128, 1>}, {transform_indices = @transform_7, window_bounds = array<i64: 1, 128, 1>}, {pipeline_mode = #tpu.pipeline_mode<synchronous>, transform_indices = @transform_8, window_bounds = array<i64: 128, 1000>}]} {
    %get3A = arith.constant 0 : index
    %get3A_0 = arith.constant 0 : index
    %get3A_1 = vector.load %arg1[%get3A, %get3A_0] : memref<128x196xf32, #tpu.memory_space<vmem>>, vector<128x196xf32>
    %get3A_2 = arith.constant 0 : index
    %get3A_3 = arith.constant 0 : index
    %get3A_4 = arith.constant 0 : index
    %get3A_5 = vector.load %arg3[%get3A_2, %get3A_3, %get3A_4] : memref<1x196x1000xf32, #tpu.memory_space<vmem>>, vector<1x196x1000xf32>
    %get3A_6 = vector.shape_cast %get3A_5 : vector<1x196x1000xf32> to vector<196x1000xf32>
    %dot_general3A = arith.constant dense<0.000000e+00> : vector<128x1000xf32>
    %dot_general3A_7 = tpu.matmul %get3A_1, %get3A_6, %dot_general3A {dimension_numbers = #tpu.dot_dimension_numbers<[1], [0], [0], [1], [0, 0, 1, 1], [], []>, transpose_lhs_hint = false} : vector<128x196xf32>, vector<196x1000xf32>, vector<128x1000xf32> -> vector<128x1000xf32>
    %get3A_8 = arith.constant 0 : index
    %get3A_9 = arith.constant 0 : index
    %get3A_10 = arith.constant 0 : index
    %get3A_11 = vector.load %arg5[%get3A_8, %get3A_9, %get3A_10] : memref<1x1x1000xf32, #tpu.memory_space<vmem>>, vector<1x1x1000xf32>
    %get3A_12 = vector.shape_cast %get3A_11 : vector<1x1x1000xf32> to vector<1x1000xf32>
    %add3A = vector.broadcast %get3A_12 : vector<1x1000xf32> to vector<128x1000xf32>
    %add3A_13 = arith.addf %dot_general3A_7, %add3A : vector<128x1000xf32>
    %get3A_14 = arith.constant 0 : index
    %get3A_15 = arith.constant 0 : index
    %get3A_16 = vector.load %arg2[%get3A_14, %get3A_15] : memref<128x512xf32, #tpu.memory_space<vmem>>, vector<128x512xf32>
    %get3A_17 = arith.constant 0 : index
    %get3A_18 = arith.constant 0 : index
    %get3A_19 = arith.constant 0 : index
    %get3A_20 = vector.load %arg4[%get3A_17, %get3A_18, %get3A_19] : memref<1x512x1000xf32, #tpu.memory_space<vmem>>, vector<1x512x1000xf32>
    %get3A_21 = vector.shape_cast %get3A_20 : vector<1x512x1000xf32> to vector<512x1000xf32>
    %dot_general3A_22 = arith.constant dense<0.000000e+00> : vector<128x1000xf32>
    %dot_general3A_23 = tpu.matmul %get3A_16, %get3A_21, %dot_general3A_22 {dimension_numbers = #tpu.dot_dimension_numbers<[1], [0], [0], [1], [0, 0, 1, 1], [], []>, transpose_lhs_hint = false} : vector<128x512xf32>, vector<512x1000xf32>, vector<128x1000xf32> -> vector<128x1000xf32>
    %get3A_24 = arith.constant 0 : index
    %get3A_25 = arith.constant 0 : index
    %get3A_26 = arith.constant 0 : index
    %get3A_27 = vector.load %arg6[%get3A_24, %get3A_25, %get3A_26] : memref<1x1x1000xf32, #tpu.memory_space<vmem>>, vector<1x1x1000xf32>
    %get3A_28 = vector.shape_cast %get3A_27 : vector<1x1x1000xf32> to vector<1x1000xf32>
    %add3A_29 = vector.broadcast %get3A_28 : vector<1x1000xf32> to vector<128x1000xf32>
    %add3A_30 = arith.addf %dot_general3A_23, %add3A_29 : vector<128x1000xf32>
    %get3A_31 = arith.constant 0 : index
    %get3A_32 = arith.constant 0 : index
    %get3A_33 = vector.load %arg9[%get3A_31, %get3A_32] : memref<128x1000xf32, #tpu.memory_space<vmem>>, vector<128x1000xf32>
    %get3A_34 = arith.constant 0 : index
    %get3A_35 = arith.constant 0 : index
    %get3A_36 = arith.constant 0 : index
    %get3A_37 = vector.load %arg7[%get3A_34, %get3A_35, %get3A_36] : memref<1x128x1xf32, #tpu.memory_space<vmem>>, vector<1x128x1xf32>
    %get3A_38 = vector.shape_cast %get3A_37 : vector<1x128x1xf32> to vector<128x1xf32>
    %gt3A = arith.constant 0.000000e+00 : f32
    %gt3A_39 = vector.broadcast %gt3A : f32 to vector<128x1xf32>
    %gt3A_40 = arith.cmpf ogt, %get3A_38, %gt3A_39 : vector<128x1xf32>
    %broadcast_in_dim3A = vector.shape_cast %gt3A_40 : vector<128x1xi1> to vector<128x1xi1>
    %broadcast_in_dim3A_41 = vector.broadcast %broadcast_in_dim3A : vector<128x1xi1> to vector<128x1000xi1>
    %select_n3A = arith.select %broadcast_in_dim3A_41, %add3A_13, %get3A_33 : vector<128x1000xi1>, vector<128x1000xf32>
    %get3A_42 = arith.constant 0 : index
    %get3A_43 = arith.constant 0 : index
    %get3A_44 = arith.constant 0 : index
    %get3A_45 = vector.load %arg8[%get3A_42, %get3A_43, %get3A_44] : memref<1x128x1xf32, #tpu.memory_space<vmem>>, vector<1x128x1xf32>
    %get3A_46 = vector.shape_cast %get3A_45 : vector<1x128x1xf32> to vector<128x1xf32>
    %gt3A_47 = arith.constant 0.000000e+00 : f32
    %gt3A_48 = vector.broadcast %gt3A_47 : f32 to vector<128x1xf32>
    %gt3A_49 = arith.cmpf ogt, %get3A_46, %gt3A_48 : vector<128x1xf32>
    %broadcast_in_dim3A_50 = vector.shape_cast %gt3A_49 : vector<128x1xi1> to vector<128x1xi1>
    %broadcast_in_dim3A_51 = vector.broadcast %broadcast_in_dim3A_50 : vector<128x1xi1> to vector<128x1000xi1>
    %select_n3A_52 = arith.select %broadcast_in_dim3A_51, %add3A_30, %select_n3A : vector<128x1000xi1>, vector<128x1000xf32>
    %swap3A = arith.constant 0 : index
    %swap3A_53 = arith.constant 0 : index
    %swap3A_54 = vector.load %arg9[%swap3A, %swap3A_53] : memref<128x1000xf32, #tpu.memory_space<vmem>>, vector<128x1000xf32>
    tpu.vector_store %arg9[%swap3A, %swap3A_53], %select_n3A_52 {strides = array<i32>} : memref<128x1000xf32, #tpu.memory_space<vmem>>, vector<128x1000xf32>,
    %eq3A = arith.constant 63 : i32
    %eq3A_55 = arith.cmpi eq, %arg0, %eq3A : i32
    %convert_element_type3A = arith.extui %eq3A_55 : i1 to i32
    %cond3A = arith.constant 0 : i32
    %cond3A_56 = arith.cmpi ne, %convert_element_type3A, %cond3A : i32
    scf.if %cond3A_56 {
      %get3A_57 = arith.constant 0 : index
      %get3A_58 = arith.constant 0 : index
      %get3A_59 = vector.load %arg9[%get3A_57, %get3A_58] : memref<128x1000xf32, #tpu.memory_space<vmem>>, vector<128x1000xf32>
      %reduce_max3A = arith.constant dense<0xFF800000> : vector<128xf32>
      %reduce_max3A_60 = vector.multi_reduction <maximumf>, %get3A_59, %reduce_max3A [1] : vector<128x1000xf32> to vector<128xf32>
      %broadcast_in_dim3A_61 = vector.shape_cast %reduce_max3A_60 : vector<128xf32> to vector<128x1xf32>
      %sub3A = vector.broadcast %broadcast_in_dim3A_61 : vector<128x1xf32> to vector<128x1000xf32>
      %sub3A_62 = arith.subf %get3A_59, %sub3A : vector<128x1000xf32>
      %exp3A = math.exp %sub3A_62 : vector<128x1000xf32>
      %reduce_sum3A = arith.constant dense<0.000000e+00> : vector<128xf32>
      %reduce_sum3A_63 = vector.multi_reduction <add>, %exp3A, %reduce_sum3A [1] : vector<128x1000xf32> to vector<128xf32>
      %broadcast_in_dim3A_64 = vector.shape_cast %reduce_sum3A_63 : vector<128xf32> to vector<128x1xf32>
      %div3A = vector.broadcast %broadcast_in_dim3A_64 : vector<128x1xf32> to vector<128x1000xf32>
      %div3A_65 = arith.divf %exp3A, %div3A : vector<128x1000xf32>
      %swap3A_66 = arith.constant 0 : index
      %swap3A_67 = arith.constant 0 : index
      %swap3A_68 = vector.load %arg9[%swap3A_66, %swap3A_67] : memref<128x1000xf32, #tpu.memory_space<vmem>>, vector<128x1000xf32>
      tpu.vector_store %arg9[%swap3A_66, %swap3A_67], %div3A_65 {strides = array<i32>} : memref<128x1000xf32, #tpu.memory_space<vmem>>, vector<128x1000xf32>,
    } else {
    }
    return
  }
  func.func @transform_0(%arg0: i32) -> (i32, i32) {
    %c0_i32 = arith.constant 0 : i32
    %c0_i32_0 = arith.constant 0 : i32
    %c0_i32_1 = arith.constant 0 : i32
    return %c0_i32, %c0_i32_0 : i32, i32
  }
  func.func @transform_1(%arg0: i32) -> (i32, i32) {
    %c0_i32 = arith.constant 0 : i32
    %c0_i32_0 = arith.constant 0 : i32
    %c0_i32_1 = arith.constant 0 : i32
    return %c0_i32, %c0_i32_0 : i32, i32
  }
  func.func @transform_2(%arg0: i32) -> (i32, i32, i32) {
    %c0_i32 = arith.constant 0 : i32
    %c0_i32_0 = arith.constant 0 : i32
    %c0_i32_1 = arith.constant 0 : i32
    return %arg0, %c0_i32, %c0_i32_0 : i32, i32, i32
  }
  func.func @transform_3(%arg0: i32) -> (i32, i32, i32) {
    %c0_i32 = arith.constant 0 : i32
    %c0_i32_0 = arith.constant 0 : i32
    %c0_i32_1 = arith.constant 0 : i32
    return %arg0, %c0_i32, %c0_i32_0 : i32, i32, i32
  }
  func.func @transform_4(%arg0: i32) -> (i32, i32, i32) {
    %c0_i32 = arith.constant 0 : i32
    %c0_i32_0 = arith.constant 0 : i32
    %c0_i32_1 = arith.constant 0 : i32
    return %arg0, %c0_i32, %c0_i32_0 : i32, i32, i32
  }
  func.func @transform_5(%arg0: i32) -> (i32, i32, i32) {
    %c0_i32 = arith.constant 0 : i32
    %c0_i32_0 = arith.constant 0 : i32
    %c0_i32_1 = arith.constant 0 : i32
    return %arg0, %c0_i32, %c0_i32_0 : i32, i32, i32
  }
  func.func @transform_6(%arg0: i32) -> (i32, i32, i32) {
    %c0_i32 = arith.constant 0 : i32
    %c0_i32_0 = arith.constant 0 : i32
    %c0_i32_1 = arith.constant 0 : i32
    return %arg0, %c0_i32, %c0_i32_0 : i32, i32, i32
  }
  func.func @transform_7(%arg0: i32) -> (i32, i32, i32) {
    %c0_i32 = arith.constant 0 : i32
    %c0_i32_0 = arith.constant 0 : i32
    %c0_i32_1 = arith.constant 0 : i32
    return %arg0, %c0_i32, %c0_i32_0 : i32, i32, i32
  }
  func.func @transform_8(%arg0: i32) -> (i32, i32) {
    %c0_i32 = arith.constant 0 : i32
    %c0_i32_0 = arith.constant 0 : i32
    %c0_i32_1 = arith.constant 0 : i32
    return %c0_i32, %c0_i32_0 : i32, i32
  }
}

module attributes {stable_mosaic.version = 14 : i64} {
  func.func @_enc_body(%arg0: memref<128x384xf32, #tpu.memory_space<vmem>>, %arg1: memref<128x1xf32, #tpu.memory_space<vmem>>, %arg2: memref<384x512xf32, #tpu.memory_space<vmem>>, %arg3: memref<1x512xf32, #tpu.memory_space<vmem>>, %arg4: memref<512x1000xf32, #tpu.memory_space<vmem>>, %arg5: memref<1x1000xf32, #tpu.memory_space<vmem>>, %arg6: memref<128x1000xf32, #tpu.memory_space<vmem>>, %arg7: memref<128x1000xf32, #tpu.memory_space<vmem>>) attributes {dimension_semantics = [], scalar_prefetch = 0 : i64, scratch_operands = 0 : i64, tpu.core_type = #tpu.core_type<tc>} {
    %get3A = arith.constant 0 : index
    %get3A_0 = arith.constant 0 : index
    %get3A_1 = vector.load %arg0[%get3A, %get3A_0] : memref<128x384xf32, #tpu.memory_space<vmem>>, vector<128x384xf32>
    %get3A_2 = arith.constant 0 : index
    %get3A_3 = arith.constant 0 : index
    %get3A_4 = vector.load %arg1[%get3A_2, %get3A_3] : memref<128x1xf32, #tpu.memory_space<vmem>>, vector<128x1xf32>
    %div3A = vector.broadcast %get3A_4 : vector<128x1xf32> to vector<128x384xf32>
    %div3A_5 = arith.divf %get3A_1, %div3A : vector<128x384xf32>
    %get3A_6 = arith.constant 0 : index
    %get3A_7 = arith.constant 0 : index
    %get3A_8 = vector.load %arg2[%get3A_6, %get3A_7] : memref<384x512xf32, #tpu.memory_space<vmem>>, vector<384x512xf32>
    %dot_general3A = arith.constant dense<0.000000e+00> : vector<128x512xf32>
    %dot_general3A_9 = tpu.matmul %div3A_5, %get3A_8, %dot_general3A {dimension_numbers = #tpu.dot_dimension_numbers<[1], [0], [0], [1], [0, 0, 1, 1], [], []>, transpose_lhs_hint = false} : vector<128x384xf32>, vector<384x512xf32>, vector<128x512xf32> -> vector<128x512xf32>
    %get3A_10 = arith.constant 0 : index
    %get3A_11 = arith.constant 0 : index
    %get3A_12 = vector.load %arg3[%get3A_10, %get3A_11] : memref<1x512xf32, #tpu.memory_space<vmem>>, vector<1x512xf32>
    %add3A = vector.broadcast %get3A_12 : vector<1x512xf32> to vector<128x512xf32>
    %add3A_13 = arith.addf %dot_general3A_9, %add3A : vector<128x512xf32>
    %tanh3A = math.tanh %add3A_13 : vector<128x512xf32>
    %get3A_14 = arith.constant 0 : index
    %get3A_15 = arith.constant 0 : index
    %get3A_16 = vector.load %arg4[%get3A_14, %get3A_15] : memref<512x1000xf32, #tpu.memory_space<vmem>>, vector<512x1000xf32>
    %dot_general3A_17 = arith.constant dense<0.000000e+00> : vector<128x1000xf32>
    %dot_general3A_18 = tpu.matmul %tanh3A, %get3A_16, %dot_general3A_17 {dimension_numbers = #tpu.dot_dimension_numbers<[1], [0], [0], [1], [0, 0, 1, 1], [], []>, transpose_lhs_hint = false} : vector<128x512xf32>, vector<512x1000xf32>, vector<128x1000xf32> -> vector<128x1000xf32>
    %get3A_19 = arith.constant 0 : index
    %get3A_20 = arith.constant 0 : index
    %get3A_21 = vector.load %arg5[%get3A_19, %get3A_20] : memref<1x1000xf32, #tpu.memory_space<vmem>>, vector<1x1000xf32>
    %add3A_22 = vector.broadcast %get3A_21 : vector<1x1000xf32> to vector<128x1000xf32>
    %add3A_23 = arith.addf %dot_general3A_18, %add3A_22 : vector<128x1000xf32>
    %reduce_max3A = arith.constant dense<0xFF800000> : vector<128xf32>
    %reduce_max3A_24 = vector.multi_reduction <maximumf>, %add3A_23, %reduce_max3A [1] : vector<128x1000xf32> to vector<128xf32>
    %broadcast_in_dim3A = vector.shape_cast %reduce_max3A_24 : vector<128xf32> to vector<128x1xf32>
    %sub3A = vector.broadcast %broadcast_in_dim3A : vector<128x1xf32> to vector<128x1000xf32>
    %sub3A_25 = arith.subf %add3A_23, %sub3A : vector<128x1000xf32>
    %exp3A = math.exp %sub3A_25 : vector<128x1000xf32>
    %reduce_sum3A = arith.constant dense<0.000000e+00> : vector<128xf32>
    %reduce_sum3A_26 = vector.multi_reduction <add>, %exp3A, %reduce_sum3A [1] : vector<128x1000xf32> to vector<128xf32>
    %broadcast_in_dim3A_27 = vector.shape_cast %reduce_sum3A_26 : vector<128xf32> to vector<128x1xf32>
    %div3A_28 = vector.broadcast %broadcast_in_dim3A_27 : vector<128x1xf32> to vector<128x1000xf32>
    %div3A_29 = arith.divf %exp3A, %div3A_28 : vector<128x1000xf32>
    %get3A_30 = arith.constant 0 : index
    %get3A_31 = arith.constant 0 : index
    %get3A_32 = vector.load %arg6[%get3A_30, %get3A_31] : memref<128x1000xf32, #tpu.memory_space<vmem>>, vector<128x1000xf32>
    %mul3A = arith.mulf %get3A_32, %div3A_29 : vector<128x1000xf32>
    %add3A_33 = arith.constant 1.000000e-30 : f32
    %add3A_34 = vector.broadcast %add3A_33 : f32 to vector<128x1000xf32>
    %add3A_35 = arith.addf %mul3A, %add3A_34 : vector<128x1000xf32>
    %sqrt3A = math.sqrt %add3A_35 : vector<128x1000xf32>
    %swap3A = arith.constant 0 : index
    %swap3A_36 = arith.constant 0 : index
    %swap3A_37 = vector.load %arg7[%swap3A, %swap3A_36] : memref<128x1000xf32, #tpu.memory_space<vmem>>, vector<128x1000xf32>
    tpu.vector_store %arg7[%swap3A, %swap3A_36], %sqrt3A {strides = array<i32>} : memref<128x1000xf32, #tpu.memory_space<vmem>>, vector<128x1000xf32>,
    return
  }
}

</mosaic_0001>

<sc_bundles>
// kernel: kernel.6.cloned.1.call-start
scs
__scs_entry_jumppad:
0x0: {  	(pc) =	sbr.rel $0x88, $3  }
0x1: {  	(tag) =	ssettag $0x0;
	lr =	simm.s32 $0x1  }
0x2: {  	[smem:$0x3F91] =	sst lr;
	_ =	strace $0xD0000000  }
0x3: {  	_ = 	snop  }
0x4: {  	_ = 	snop  }
0x5: {  	_ = 	snop  }
0x6: {  	_ = 	snop  }
0x7: {  	_ = 	snop  }
__scs_overlays_trampoline_lowered:
0x8: {  	[smem:$0x3FA0] =	sst s0  }
0x9: {  	[smem:$0x3FA1] =	sst s1  }
0xa: {  	[smem:$0x3FA2] =	sst s2  }
0xb: {  	[smem:$0x3FA3] =	sst s3  }
0xc: {  	[smem:$0x3FA4] =	sst s4  }
0xd: {  	[smem:$0x3FA5] =	sst s5  }
0xe: {  	[smem:$0x3FA6] =	sst s6  }
0xf: {  	[smem:$0x3FA7] =	sst s7  }
0x10: {  	[smem:$0x3FA8] =	sst s8  }
0x11: {  	[smem:$0x3FA9] =	sst s9;
	s0 =	simm.s32 @!p0 $0x0  }
0x12: {  	s1 =	sld [smem:$0x3F8F];
	s0 =	simm.s32 @p0 $0x1  }
0x13: {  	[smem:$0x3FAA] =	sst s0;
	s0 =	simm.s32 @!p1 $0x0  }
0x14: {  	s2 =	sld [smem:$0x3F8E];
	s0 =	simm.s32 @p1 $0x1  }
0x15: {  	[smem:$0x3FAB] =	sst s0;
	s0 =	simm.s32 @!p2 $0x0  }
0x16: {  	s3 =	sld [smem:$0x3FDB];
	s0 =	simm.s32 @p2 $0x1  }
0x17: {  	s4 =	simm.s32 $0x1BF5;
	[smem:$0x3FAD] =	sst s0  }
0x18: {  	s0 =	sld [smem:$0x3F90];
	_ =	swait.ge [sflag:s4], $0x0  }
0x19: {  	s7 =	sld [smem:$0x3F91]  }
0x1a: {  	s8 =	sadd.s32 $0xFFFFE003, lr  }
0x1b: {  	s9 =	sadd.s32 $0xFFFFFEF7, lr;
	s5 =	simm.s32 $0xFFFFFFFF;
	p2 =	slt.u32 s8, $0xFFFFF086  }
0x1c: {  	p1 =	slt.u32 s9, $0xF7A;
	s5 =	simm.s32 @!p2 $0x0  }
0x1d: {  	s5 =	simm.s32 @p1 $0x1;
	p0 =	seq.s32 s7, s2  }
0x1e: {  	s7 =	smul.u32 @!p0 $0xF7A, s2;
	p2 =	seq.s32 @!p0 s5, $0x0  }
0x1f: {  	s9 =	smul.u32 $0xF7A, s1;
	s8 =	simm.s32 @!p0 $0x1BF5;
	p2 =	por !p2, p0  }
0x20: {  	[sflag:s8] =	ssyncset.s32 @!p0 $0xFFFFF086;
	s6 =	sadd.s32 @!p0 s3, s7;
	s7 =	simm.s32 @!p0 $0x108  }
0x21: {  	s3 =	sadd.s32 s3, s9;
	s6 =	sadd.s32 @!p0 $0x88, s6;
	s7 =	simm.s32 @p2 $0x1082  }
0x22: {  	[simem:s7], [sflag:s8] =	dma.local @!p0 [hbm:s6], $0xF7A  }
0x23: {  	s9 =	sor.u32 $0xD0000000, s2;
	s6 =	simm.s32 $0x108;
	_ =	swait.ge @!p0 [sflag:s8], $0x0  }
0x24: {  	s3 =	sadd.s32 $0x88, s3;
	s6 =	simm.s32 @!p1 $0x1082;
	[sflag:s4] =	ssyncset.s32 $0xFFFFF086  }
0x25: {  	[simem:s6], [sflag:s4] =	dma.local [hbm:s3], $0xF7A  }
0x26: {  	[smem:$0x3F91] =	sst s1;
	(tag) =	ssettag s2;
	_ =	strace s9  }
0x27: {  	s1 =	sld [smem:$0x3FA1]  }
0x28: {  	s2 =	sld [smem:$0x3FA2]  }
0x29: {  	s4 =	sld [smem:$0x3FA4]  }
0x2a: {  	p0 =	seq.s32 s5, $0x0;
	s5 =	sld [smem:$0x3FA5]  }
0x2b: {  	s6 =	sld [smem:$0x3FA6]  }
0x2c: {  	s7 =	sld [smem:$0x3FA7]  }
0x2d: {  	s3 =	simm.s32 $0x108;
	s8 =	sld [smem:$0x3FA8]  }
0x2e: {  	s3 =	simm.s32 @!p0 $0x1082;
	s9 =	sld [smem:$0x3FA9]  }
0x2f: {  	lr =	sadd.s32 s0, s3;
	s0 =	sld [smem:$0x3FA0]  }
0x30: {  	s3 =	sld [smem:$0x3FA3]  }
0x31: {  	[smem:$0x3FAC] =	sst s10  }
0x32: {  	s10 =	sld [smem:$0x3FAA];
	_ =	sdelay $0x3  }
0x33: {  	p0 =	seq.s32 s10, $0x1;
	s10 =	sld [smem:$0x3FAC];
	_ =	sdelay $0x3  }
0x34: {  	[smem:$0x3FAC] =	sst s10  }
0x35: {  	s10 =	sld [smem:$0x3FAB];
	_ =	sdelay $0x3  }
0x36: {  	p1 =	seq.s32 s10, $0x1;
	s10 =	sld [smem:$0x3FAC];
	_ =	sdelay $0x3  }
0x37: {  	[smem:$0x3FAC] =	sst s10  }
0x38: {  	s10 =	sld [smem:$0x3FAD]  }
0x39: {  	_ = 	snop;
	(pc) =	sbr.ind lr, $3  }
0x3a: {  	_ = 	snop  }
0x3b: {  	_ = 	snop  }
0x3c: {  	p2 =	seq.s32 s10, $0x1;
	s10 =	sld [smem:$0x3FAC]  }
0x3d: {  	_ =	shalt  }
0x3e: {  	_ =	shalt  }
0x3f: {  	_ =	shalt  }
0x40: {  	_ =	shalt  }
0x41: {  	_ =	shalt  }
0x42: {  	_ =	shalt  }
0x43: {  	_ =	shalt  }
0x44: {  	_ =	shalt  }
0x45: {  	_ =	shalt  }
0x46: {  	_ =	shalt  }
0x47: {  	_ =	shalt  }
0x48: {  	_ =	shalt  }
0x49: {  	_ =	shalt  }
0x4a: {  	_ =	shalt  }
0x4b: {  	_ =	shalt  }
0x4c: {  	_ =	shalt  }
0x4d: {  	_ =	shalt  }
0x4e: {  	_ =	shalt  }
0x4f: {  	_ =	shalt  }
0x50: {  	_ =	shalt  }
0x51: {  	_ =	shalt  }
0x52: {  	_ =	shalt  }
0x53: {  	_ =	shalt  }
0x54: {  	_ =	shalt  }
0x55: {  	_ =	shalt  }
0x56: {  	_ =	shalt  }
0x57: {  	_ =	shalt  }
0x58: {  	_ =	shalt  }
0x59: {  	_ =	shalt  }
0x5a: {  	_ =	shalt  }
0x5b: {  	_ =	shalt  }
0x5c: {  	_ =	shalt  }
0x5d: {  	_ =	shalt  }
0x5e: {  	_ =	shalt  }
0x5f: {  	_ =	shalt  }
0x60: {  	_ =	shalt  }
0x61: {  	_ =	shalt  }
0x62: {  	_ =	shalt  }
0x63: {  	_ =	shalt  }
0x64: {  	_ =	shalt  }
0x65: {  	_ =	shalt  }
0x66: {  	_ =	shalt  }
0x67: {  	_ =	shalt  }
0x68: {  	_ =	shalt  }
0x69: {  	_ =	shalt  }
0x6a: {  	_ =	shalt  }
0x6b: {  	_ =	shalt  }
0x6c: {  	_ =	shalt  }
0x6d: {  	_ =	shalt  }
0x6e: {  	_ =	shalt  }
0x6f: {  	_ =	shalt  }
0x70: {  	_ =	shalt  }
0x71: {  	_ =	shalt  }
0x72: {  	_ =	shalt  }
0x73: {  	_ =	shalt  }
0x74: {  	_ =	shalt  }
0x75: {  	_ =	shalt  }
0x76: {  	_ =	shalt  }
0x77: {  	_ =	shalt  }
0x78: {  	_ =	shalt  }
0x79: {  	_ =	shalt  }
0x7a: {  	_ =	shalt  }
0x7b: {  	_ =	shalt  }
0x7c: {  	_ =	shalt  }
0x7d: {  	_ =	shalt  }
0x7e: {  	_ =	shalt  }
0x7f: {  	_ =	shalt  }
0x80: {  	_ =	shalt  }
0x81: {  	_ =	shalt  }
0x82: {  	_ =	shalt  }
0x83: {  	_ =	shalt  }
0x84: {  	_ =	shalt  }
0x85: {  	_ =	shalt  }
0x86: {  	_ =	shalt  }
0x87: {  	_ =	shalt  }
.Lfunc_end0:
.L_simem_size_0:
called_computation_lowered:
.L_overlay_start_0:
0x88: {  	s2 =	sld [smem:$0x3FD9]  }
0x89: {  	s3 =	sld [smem:$0x3FFE];
	_ =	sdelay $0x1  }
0x8a: {  	s1 =	srdreg.scid  }
0x8b: {  	s0 =	sand.u32 $0x1, s1  }
0x8c: {  	s17 =	sshll.u32 s0, $0xA;
	s2 =	sadd.s32 s3, s2  }
0x8d: {  	s2 =	sadd.s32 s2, s17  }
0x8e: {  	[smem:$0x3FB8] =	sst s2  }
0x8f: {  	_ = 	snop  }
0x90: {  	s2 =	sld [smem:$0x3FD0];
	(tm) =	ssettm $0x1  }
0x91: {  	s18 =	sld [smem:$0x3FFB];
	_ =	sdelay $0x3  }
0x92: {  	_ =	strace s18  }
0x93: {  	s3 =	sld [smem:$0x3FFC];
	_ =	sdelay $0x3  }
0x94: {  	_ =	strace s3  }
0x95: {  	s3 =	sld [smem:$0x3FFD];
	_ =	sdelay $0x3  }
0x96: {  	_ =	strace s3  }
0x97: {  	_ =	strace $0x8FFFFFFF  }
0x98: {  	s19 =	sld [smem:$0x3FDB];
	_ =	sdelay $0x1  }
0x99: {  	s4 =	simm.s32 $_scs_section_size  }
0x9a: {  	s5 =	simm.s32 $_size__tile_overlayer_lowered;
	s6 =	simm.s32 $_tile_overlayer_lowered  }
0x9b: {  	s22 =	simm.s32 $0x1BFF;
	s21 =	sshll.u32 s6, $0x1;
	s3 =	sadd.s32 s4, s19  }
0x9c: {  	s7 =	simm.s32 $0x0;
	s20 =	sshll.u32 s5, $0x1;
	s5 =	sadd.s32 s21, s3  }
0x9d: {  	[timem:s7], [sflag:s22] =	dma.local [hbm:s5], s20  }
0x9e: {  	_ =	swait.ge [sflag:s22], s20  }
0x9f: {  	s4 =	ssub.s32 $0x0, s20;
	[sflag:s22] =	ssyncset.done $0x0  }
0xa0: {  	[sflag:s22] =	ssyncadd.s32 s4;
	_ =	sdelay $0x1  }
0xa1: {  	s23 =	simm.s32 $0x1B8B  }
0xa2: {  	_ =	swait.ge [sflag:s23], $0x1  }
0xa3: {  	[sflag:s23] =	ssyncset.done $0x0  }
0xa4: {  	s25 =	simm.s32 $0x1B8E;
	s24 =	sld [smem:$0x3FFE];
	[sflag:s23] =	ssyncadd.s32 $0xFFFFFFFF  }
0xa5: {  	s26 =	simm.s32 $execute0_lowered;
	[smem:$0x3FD2] =	sst s25  }
0xa6: {  	s5 =	sshll.u32 s26, $0x1;
	_ =	strace $0x80000046;
	[dreg:$0x1] =	wrdreg $0xFFFFFFFF  }
0xa7: {  	s28 =	simm.s32 $_size_execute0_lowered;
	s3 =	sadd.s32 s3, s5;
	[dreg:$0x0] =	wrdreg $0x0  }
0xa8: {  	s5 =	sshll.u32 s28, $0x1;
	[dreg:$0x2] =	wrdreg s3  }
0xa9: {  	[dreg:$0x3] =	wrdreg s5  }
0xaa: {  	[dreg:$0x4] =	wrdreg $0xC0  }
0xab: {  	_ =	task [dreg:s7], $0x5FFFF  }
0xac: {  	[dreg:$0x1] =	wrdreg $0xFFFFFFFF  }
0xad: {  	[dreg:$0x0] =	wrdreg $0x60  }
0xae: {  	[dreg:$0x2] =	wrdreg s24  }
0xaf: {  	[dreg:$0x3] =	wrdreg s2  }
0xb0: {  	[dreg:$0x4] =	wrdreg $0x9  }
0xb1: {  	_ =	task.clear_ibuf [dreg:s7], $0x5FFFF;
	_ =	strace $0x90000046  }
0xb2: {  	s29 =	simm.s32 $0x9;
	_ =	strace $0x80000048  }
0xb3: {  	_ =	swait.ge [sflag:s29], $0x1  }
0xb4: {  	[sflag:s29] =	ssyncadd.s32 $0xFFFFFFFF  }
0xb5: {  	_ =	strace $0x90000048  }
0xb6: {  	_ =	sfence  }
0xb7: {  	s30 =	sld [smem:$0x0];
	_ =	sdelay $0x2  }
0xb8: {  	s31 =	sshll.u32 s1, $0xD;
	s1 =	sshrl.u32 s1, $0x2  }
0xb9: {  	s3 =	sand.u32 $0x4000, s31;
	s1 =	sadd.s32 s1, s30  }
0xba: {  	s0 =	sor.u32 s3, s0;
	s1 =	sshll.u32 s1, $0x11  }
0xbb: {  	s0 =	sor.u32 s1, s0  }
0xbc: {  	s0 =	sadd.s32 $0x8F2B, s0  }
0xbd: {  	[sflag:s0] =	ssyncadd.remote.s32 $0x1  }
0xbe: {  	_ =	sfence.sel $0xFFFF  }
0xbf: {  	[dreg:$0x0] =	wrdreg $0xFFFFFFFF;
	(pc) =	sbr.abs _section_cstart, $3  }
0xc0: {  	[dreg:$0x1] =	wrdreg $0xFFFFFFFF  }
0xc1: {  	_ =	task.clear_ibuf [dreg:s7], $0x2FFFF;
	_ =	strace $0x9FFFFFFF  }
0xc2: {  	(tm) =	ssettm $0x7FFFFFFF  }
0xc3: {  	_ =	shalt  }
tec
execute0_lowered:
.L_overlay_start_1:
0x0: {  	(tag) =	ssettag $0x1  }
0x1: {  	s0 =	srdreg.scid;
	s1 =	rddreg [dreg:$0x0]  }
0x2: {  	s4 =	stileid.u32;
	s6 =	rddreg [dreg:$0x1];
	s15 =	simm.s32 $0x2480  }
0x3: {  	s16 =	simm.s32 $0x2C80;
	s17 =	simm.s32 $0x3080;
	s18 =	simm.s32 $0x3880  }
0x4: {  	s19 =	simm.s32 $0x3C80;
	s20 =	simm.s32 $0x4480;
	s21 =	simm.s32 $0x4880  }
0x5: {  	s22 =	simm.s32 $0x5080;
	s23 =	simm.s32 $0x5480;
	s24 =	simm.s32 $0x5C80  }
0x6: {  	s25 =	simm.s32 $0x6080;
	s26 =	simm.s32 $0x6880;
	s28 =	simm.s32 $0x6C80  }
0x7: {  	s29 =	simm.s32 $0x7480;
	s30 =	simm.s32 $0x1;
	s31 =	simm.s32 $0x200  }
0x8: {  	s9 =	simm.s32 $0x0;
	s0 =	sand.u32 $0x1, s0;
	s2 =	sshll.u32 s4, $0x1  }
0x9: {  	s4 =	smul.u32 $0xC00, s4;
	s3 =	sor.u32 s0, s2;
	s2 =	simm.s32 $0x0  }
0xa: {  	s5 =	ssub.s32 $0x2, s0;
	s0 =	sshll.u32 s0, $0x9;
	s3 =	smul.u32 $0xA, s3  }
0xb: {  	[smem:$0x7FF] =	sst s2;
	s8 =	sshrl.u32 s5, $0x1;
	s0 =	sor.u32 s0, s4  }
0xc: {  	_ =	strace $0x80000047;
	s8 =	ssub.s32 s5, s8;
	s0 =	sshrl.u32 s0, $0x3  }
0xd: {  	v2 =	vlaneseq.u32;
	s5 =	sadd.s32 $0x2900, s1;
	s7 =	sadd.s32 s3, s1;
	s3 =	sadd.s32 $0x2800, s1  }
0xe: {  	vm0 =	vmmov $0xffff;
	vm1 =	vmmov $0xff;
	v1 =	vshrl.u32 v2, $0x3;
	s6 =	sadd.s32 s6, s0;
	s1 =	simm.s32 $0x400;
	s0 =	simm.s32 $0x7880  }
0xf: {  	v0 =	vand.u32 $0x7, v2;
	v2 =	vor.u32 $0x8, v2;
	v1 =	vmul.u32 $0x8, v1;
	s4 =	sadd.s32 $0x2600, s7;
	s7 =	smax.u32 s8, $0x1;
	s8 =	simm.s32 $0x2  }
.LBB2_1:
0x10: {  	[tilespmem:s2], [sflag:$0x2] =	stream.linear.gather [hbm4b:s4+s2], $0x50, $0x38;
	[tilespmem:$0x7E80] =	vst v63  }
0x11: {  	_ =	swait.ge [sflag:s8], $0x50  }
0x12: {  	[sflag:s8] =	ssyncset.done $0x0  }
0x13: {  	[sflag:s8] =	ssyncadd.s32 $0xFFFFFFB0  }
0x14: {  	v3 =	vld [tilespmem:$0x0];
	_ =	sdelay $0x4  }
0x15: {  	v4 =	vshrl.u32 v3, $0x3  }
0x16: {  	v4 =	vmul.u32 $0x18, v4  }
0x17: {  	v3 =	vand.u32 $0x7, v3  }
0x18: {  	v3 =	vor.u32 v3, v4  }
0x19: {  	v4 =	vperm.xlane v3, v0;
	_ =	sdelay $0x1  }
0x1a: {  	v4 =	vadd.s32 v1, v4;
	_ =	sdelay $0x1  }
0x1b: {  	v3 =	vperm.xlane v3, v2;
	_ =	sdelay $0x1  }
0x1c: {  	s10 =	simm.s32 $0x80;
	v3 =	vadd.s32 v1, v3  }
0x1d: {  	[tilespmem:s10], [sflag:$0x1] =	stream.indirect_vreg.gather [hbm4b:s3+s2], $0x80, v4, vm0, $0xb8;
	[tilespmem:$0x7E80] =	vst v63  }
0x1e: {  	s13 =	simm.s32 $0x880  }
0x1f: {  	[tilespmem:s13], [sflag:$0x1] =	stream.indirect_vreg.gather [hbm4b:s5+s2], $0x80, v4, vm1, $0xb8;
	[tilespmem:$0x7E80] =	vst v63  }
0x20: {  	s14 =	simm.s32 $0xC80  }
0x21: {  	[tilespmem:s14], [sflag:$0x1] =	stream.indirect_vreg.gather [hbm4b:s3+s2], $0x80, v3, vm0, $0xb8;
	[tilespmem:$0x7E80] =	vst v63  }
0x22: {  	s11 =	simm.s32 $0x1480  }
0x23: {  	[tilespmem:s11], [sflag:$0x1] =	stream.indirect_vreg.gather [hbm4b:s5+s2], $0x80, v3, vm1, $0xb8;
	[tilespmem:$0x7E80] =	vst v63  }
0x24: {  	v3 =	vld [tilespmem:$0x10];
	_ =	sdelay $0x4  }
0x25: {  	v4 =	vshrl.u32 v3, $0x3  }
0x26: {  	v4 =	vmul.u32 $0x18, v4  }
0x27: {  	v3 =	vand.u32 $0x7, v3  }
0x28: {  	v3 =	vor.u32 v3, v4  }
0x29: {  	v4 =	vperm.xlane v3, v0;
	_ =	sdelay $0x1  }
0x2a: {  	v4 =	vadd.s32 v1, v4;
	_ =	sdelay $0x1  }
0x2b: {  	v3 =	vperm.xlane v3, v2;
	_ =	sdelay $0x1  }
0x2c: {  	s12 =	simm.s32 $0x1880;
	v3 =	vadd.s32 v1, v3  }
0x2d: {  	[tilespmem:s12], [sflag:$0x1] =	stream.indirect_vreg.gather [hbm4b:s3+s2], $0x80, v4, vm0, $0xb8;
	[tilespmem:$0x7E80] =	vst v63  }
0x2e: {  	s13 =	simm.s32 $0x2080  }
0x2f: {  	[tilespmem:s13], [sflag:$0x1] =	stream.indirect_vreg.gather [hbm4b:s5+s2], $0x80, v4, vm1, $0xb8;
	[tilespmem:$0x7E80] =	vst v63  }
0x30: {  	_ = 	snop  }
0x31: {  	[tilespmem:s15], [sflag:$0x1] =	stream.indirect_vreg.gather [hbm4b:s3+s2], $0x80, v3, vm0, $0xb8;
	[tilespmem:$0x7E80] =	vst v63  }
0x32: {  	_ = 	snop  }
0x33: {  	[tilespmem:s16], [sflag:$0x1] =	stream.indirect_vreg.gather [hbm4b:s5+s2], $0x80, v3, vm1, $0xb8;
	[tilespmem:$0x7E80] =	vst v63  }
0x34: {  	v3 =	vld [tilespmem:$0x20];
	_ =	sdelay $0x4  }
0x35: {  	v4 =	vshrl.u32 v3, $0x3  }
0x36: {  	v4 =	vmul.u32 $0x18, v4  }
0x37: {  	v3 =	vand.u32 $0x7, v3  }
0x38: {  	v3 =	vor.u32 v3, v4  }
0x39: {  	v4 =	vperm.xlane v3, v0;
	_ =	sdelay $0x1  }
0x3a: {  	v4 =	vadd.s32 v1, v4;
	_ =	sdelay $0x1  }
0x3b: {  	v3 =	vperm.xlane v3, v2;
	_ =	sdelay $0x1  }
0x3c: {  	v3 =	vadd.s32 v1, v3  }
0x3d: {  	[tilespmem:s17], [sflag:$0x1] =	stream.indirect_vreg.gather [hbm4b:s3+s2], $0x80, v4, vm0, $0xb8;
	[tilespmem:$0x7E80] =	vst v63  }
0x3e: {  	_ = 	snop  }
0x3f: {  	[tilespmem:s18], [sflag:$0x1] =	stream.indirect_vreg.gather [hbm4b:s5+s2], $0x80, v4, vm1, $0xb8;
	[tilespmem:$0x7E80] =	vst v63  }
0x40: {  	_ = 	snop  }
0x41: {  	[tilespmem:s19], [sflag:$0x1] =	stream.indirect_vreg.gather [hbm4b:s3+s2], $0x80, v3, vm0, $0xb8;
	[tilespmem:$0x7E80] =	vst v63  }
0x42: {  	_ = 	snop  }
0x43: {  	[tilespmem:s20], [sflag:$0x1] =	stream.indirect_vreg.gather [hbm4b:s5+s2], $0x80, v3, vm1, $0xb8;
	[tilespmem:$0x7E80] =	vst v63  }
0x44: {  	v3 =	vld [tilespmem:$0x30];
	_ =	sdelay $0x4  }
0x45: {  	v4 =	vshrl.u32 v3, $0x3  }
0x46: {  	v4 =	vmul.u32 $0x18, v4  }
0x47: {  	v3 =	vand.u32 $0x7, v3  }
0x48: {  	v3 =	vor.u32 v3, v4  }
0x49: {  	v4 =	vperm.xlane v3, v0;
	_ =	sdelay $0x1  }
0x4a: {  	v4 =	vadd.s32 v1, v4;
	_ =	sdelay $0x1  }
0x4b: {  	v3 =	vperm.xlane v3, v2;
	_ =	sdelay $0x1  }
0x4c: {  	v3 =	vadd.s32 v1, v3  }
0x4d: {  	[tilespmem:s21], [sflag:$0x1] =	stream.indirect_vreg.gather [hbm4b:s3+s2], $0x80, v4, vm0, $0xb8;
	[tilespmem:$0x7E80] =	vst v63  }
0x4e: {  	_ = 	snop  }
0x4f: {  	[tilespmem:s22], [sflag:$0x1] =	stream.indirect_vreg.gather [hbm4b:s5+s2], $0x80, v4, vm1, $0xb8;
	[tilespmem:$0x7E80] =	vst v63  }
0x50: {  	_ = 	snop  }
0x51: {  	[tilespmem:s23], [sflag:$0x1] =	stream.indirect_vreg.gather [hbm4b:s3+s2], $0x80, v3, vm0, $0xb8;
	[tilespmem:$0x7E80] =	vst v63  }
0x52: {  	_ = 	snop  }
0x53: {  	[tilespmem:s24], [sflag:$0x1] =	stream.indirect_vreg.gather [hbm4b:s5+s2], $0x80, v3, vm1, $0xb8;
	[tilespmem:$0x7E80] =	vst v63  }
0x54: {  	v3 =	vld [tilespmem:$0x40];
	_ =	sdelay $0x4  }
0x55: {  	v4 =	vshrl.u32 v3, $0x3  }
0x56: {  	v4 =	vmul.u32 $0x18, v4  }
0x57: {  	v3 =	vand.u32 $0x7, v3  }
0x58: {  	v3 =	vor.u32 v3, v4  }
0x59: {  	v4 =	vperm.xlane v3, v0;
	_ =	sdelay $0x1  }
0x5a: {  	v4 =	vadd.s32 v1, v4;
	_ =	sdelay $0x1  }
0x5b: {  	v3 =	vperm.xlane v3, v2;
	_ =	sdelay $0x1  }
0x5c: {  	v3 =	vadd.s32 v1, v3  }
0x5d: {  	[tilespmem:s25], [sflag:$0x1] =	stream.indirect_vreg.gather [hbm4b:s3+s2], $0x80, v4, vm0, $0xb8;
	[tilespmem:$0x7E80] =	vst v63  }
0x5e: {  	_ = 	snop  }
0x5f: {  	[tilespmem:s26], [sflag:$0x1] =	stream.indirect_vreg.gather [hbm4b:s5+s2], $0x80, v4, vm1, $0xb8;
	[tilespmem:$0x7E80] =	vst v63  }
0x60: {  	s14 =	simm.s32 $0x0  }
0x61: {  	[tilespmem:s28], [sflag:$0x1] =	stream.indirect_vreg.gather [hbm4b:s3+s2], $0x80, v3, vm0, $0xb8;
	[tilespmem:$0x7E80] =	vst v63  }
0x62: {  	s10 =	smul.u32 $0x3000, s14  }
0x63: {  	[tilespmem:s29], [sflag:$0x1] =	stream.indirect_vreg.gather [hbm4b:s5+s2], $0x80, v3, vm1, $0xb8;
	[tilespmem:$0x7E80] =	vst v63  }
0x64: {  	_ =	swait.ge [sflag:s30], $0x7800  }
0x65: {  	s11 =	sand.u32 $0x380, s2;
	s10 =	sshra.s32 s10, $0x2;
	[sflag:s30] =	ssyncset.done $0x0  }
0x66: {  	s10 =	sor.u32 s11, s10;
	[sflag:s30] =	ssyncadd.s32 $0xFFFF8800  }
0x67: {  	v3 =	vld [tilespmem:s10+$0x8F0]  }
0x68: {  	v5 =	vld [tilespmem:s10+$0x80]  }
0x69: {  	v6 =	vld [tilespmem:s10+$0x90]  }
0x6a: {  	v7 =	vld [tilespmem:s10+$0xA0]  }
0x6b: {  	v8 =	vld [tilespmem:s10+$0xB0]  }
0x6c: {  	v9 =	vld [tilespmem:s10+$0xC0]  }
0x6d: {  	v10 =	vld [tilespmem:s10+$0xD0]  }
0x6e: {  	v11 =	vld [tilespmem:s10+$0xE0]  }
0x6f: {  	v12 =	vld [tilespmem:s10+$0xF0]  }
0x70: {  	v13 =	vld [tilespmem:s10+$0x480]  }
0x71: {  	v4 =	vimm.f32 $0.0e+00;
	v14 =	vld [tilespmem:s10+$0x490]  }
0x72: {  	v16 =	vld [tilespmem:s10+$0x4A0];
	v3 =	vadd.f32 v3, v4  }
0x73: {  	v25 =	vadd.f32 v5, v4;
	v5 =	vld [tilespmem:s10+$0x4B0];
	v26 =	vadd.f32 v6, v4  }
0x74: {  	v23 =	vadd.f32 v7, v4;
	v6 =	vld [tilespmem:s10+$0x4C0];
	v24 =	vadd.f32 v8, v4  }
0x75: {  	v21 =	vadd.f32 v9, v4;
	v7 =	vld [tilespmem:s10+$0x4D0];
	v22 =	vadd.f32 v10, v4  }
0x76: {  	v20 =	vadd.f32 v11, v4;
	v19 =	vadd.f32 v12, v4  }
0x77: {  	v30 =	vld [tilespmem:s10+$0x4E0];
	v18 =	vadd.f32 v13, v4;
	v15 =	vadd.f32 v14, v4  }
0x78: {  	v29 =	vld [tilespmem:s10+$0x4F0];
	v16 =	vadd.f32 v16, v4;
	v14 =	vimm.f32 $0.0e+00;
	v11 =	vimm.f32 $0.0e+00  }
0x79: {  	v27 =	vld [tilespmem:s10+$0x880];
	v10 =	vimm.f32 $0.0e+00;
	v8 =	vimm.f32 $0.0e+00;
	v17 =	vadd.f32 v5, v4  }
0x7a: {  	v28 =	vld [tilespmem:s10+$0x890];
	v9 =	vimm.f32 $0.0e+00;
	v13 =	vadd.f32 v6, v4;
	v12 =	vadd.f32 v7, v4  }
0x7b: {  	s11 =	simm.s32 $0x0;
	s12 =	simm.s32 $0x2;
	s13 =	simm.s32 $0x0;
	v31 =	vld [tilespmem:s10+$0x8A0];
	v6 =	vimm.f32 $0.0e+00;
	v7 =	vimm.f32 $0.0e+00;
	v5 =	vimm.f32 $0.0e+00  }
.LBB2_2:
0x7c: {  	p0 =	sne.s32 s12, $0x13;
	s13 =	smul.u32 $0x3000, s13;
	v4 =	vadd.f32 v30, v4;
	v30 =	vld [tilespmem:s10+$0x8B0]  }
0x7d: {  	s11 =	sadd.s32 $0x80, s11;
	v14 =	vadd.f32 v29, v14;
	v29 =	vld [tilespmem:s10+$0x8C0]  }
0x7e: {  	s14 =	sand.u32 $0x380, s11;
	s13 =	sshra.s32 s13, $0x2;
	v11 =	vadd.f32 v27, v11;
	v27 =	vld [tilespmem:s10+$0x8D0]  }
0x7f: {  	v10 =	vadd.f32 v28, v10;
	v28 =	vld [tilespmem:s10+$0x8E0];
	s10 =	sor.u32 s14, s13  }
0x80: {  	v32 =	vld [tilespmem:s10+$0x8F0];
	v8 =	vadd.f32 v31, v8  }
0x81: {  	v31 =	vld [tilespmem:s10+$0x80];
	v6 =	vadd.f32 v30, v6  }
0x82: {  	v30 =	vld [tilespmem:s10+$0x90];
	v9 =	vadd.f32 v29, v9  }
0x83: {  	v29 =	vld [tilespmem:s10+$0xA0];
	v7 =	vadd.f32 v27, v7  }
0x84: {  	v27 =	vld [tilespmem:s10+$0xB0];
	v5 =	vadd.f32 v28, v5  }
0x85: {  	v28 =	vld [tilespmem:s10+$0xC0];
	v3 =	vadd.f32 v32, v3  }
0x86: {  	v25 =	vadd.f32 v31, v25;
	v31 =	vld [tilespmem:s10+$0xD0]  }
0x87: {  	v26 =	vadd.f32 v30, v26;
	v30 =	vld [tilespmem:s10+$0xE0]  }
0x88: {  	v23 =	vadd.f32 v29, v23;
	v29 =	vld [tilespmem:s10+$0xF0]  }
0x89: {  	v24 =	vadd.f32 v27, v24;
	v27 =	vld [tilespmem:s10+$0x480]  }
0x8a: {  	v21 =	vadd.f32 v28, v21;
	v28 =	vld [tilespmem:s10+$0x490]  }
0x8b: {  	v22 =	vadd.f32 v31, v22;
	v31 =	vld [tilespmem:s10+$0x4A0]  }
0x8c: {  	v20 =	vadd.f32 v30, v20;
	v32 =	vld [tilespmem:s10+$0x4B0]  }
0x8d: {  	v19 =	vadd.f32 v29, v19;
	v33 =	vld [tilespmem:s10+$0x4C0]  }
0x8e: {  	v18 =	vadd.f32 v27, v18;
	v34 =	vld [tilespmem:s10+$0x4D0]  }
.Ltmp0:
0x8f: {  	v15 =	vadd.f32 v28, v15;
	v30 =	vld [tilespmem:s10+$0x4E0];
	(pc) =	sbr.rel @p0 .LBB2_2-.Ltmp0, $4  }
0x90: {  	v16 =	vadd.f32 v31, v16;
	v29 =	vld [tilespmem:s10+$0x4F0]  }
0x91: {  	v17 =	vadd.f32 v32, v17;
	v27 =	vld [tilespmem:s10+$0x880]  }
0x92: {  	v13 =	vadd.f32 v33, v13;
	v28 =	vld [tilespmem:s10+$0x890]  }
0x93: {  	s13 =	sshrl.u32 s12, $0x3;
	s12 =	sadd.s32 $0x1, s12;
	v12 =	vadd.f32 v34, v12;
	v31 =	vld [tilespmem:s10+$0x8A0]  }
0x94: {  	s12 =	smul.u32 $0x3000, s13;
	v32 =	vld [tilespmem:s10+$0x8B0]  }
0x95: {  	v33 =	vld [tilespmem:s10+$0x8C0];
	s11 =	sadd.s32 $0x80, s11  }
0x96: {  	v34 =	vld [tilespmem:s10+$0x8D0];
	s11 =	sand.u32 $0x380, s11;
	s12 =	sshra.s32 s12, $0x2  }
0x97: {  	v35 =	vld [tilespmem:s10+$0x8E0];
	s11 =	sor.u32 s11, s12  }
0x98: {  	v36 =	vld [tilespmem:s11+$0x8F0]  }
0x99: {  	v37 =	vld [tilespmem:s11+$0x80]  }
0x9a: {  	v38 =	vld [tilespmem:s11+$0x90]  }
0x9b: {  	v39 =	vld [tilespmem:s11+$0xA0]  }
0x9c: {  	v40 =	vld [tilespmem:s11+$0xB0]  }
0x9d: {  	v41 =	vld [tilespmem:s11+$0xC0]  }
0x9e: {  	v42 =	vld [tilespmem:s11+$0xD0]  }
0x9f: {  	v43 =	vld [tilespmem:s11+$0xE0]  }
0xa0: {  	v44 =	vld [tilespmem:s11+$0xF0]  }
0xa1: {  	v45 =	vld [tilespmem:s11+$0x480]  }
0xa2: {  	v46 =	vld [tilespmem:s11+$0x490]  }
0xa3: {  	v47 =	vld [tilespmem:s11+$0x4A0]  }
0xa4: {  	v48 =	vld [tilespmem:s11+$0x4B0]  }
0xa5: {  	v49 =	vld [tilespmem:s11+$0x4C0]  }
0xa6: {  	v50 =	vld [tilespmem:s11+$0x4D0]  }
0xa7: {  	v51 =	vld [tilespmem:s11+$0x4E0]  }
0xa8: {  	v52 =	vld [tilespmem:s11+$0x4F0]  }
0xa9: {  	v53 =	vld [tilespmem:s11+$0x880]  }
0xaa: {  	v54 =	vld [tilespmem:s11+$0x890]  }
0xab: {  	v55 =	vld [tilespmem:s11+$0x8A0]  }
0xac: {  	v56 =	vld [tilespmem:s11+$0x8B0]  }
0xad: {  	v57 =	vld [tilespmem:s11+$0x8C0];
	v25 =	vadd.f32 v37, v25  }
0xae: {  	v62 =	vld [tilespmem:s11+$0x8D0];
	v26 =	vadd.f32 v38, v26  }
0xaf: {  	v63 =	vld [tilespmem:s11+$0x8E0];
	v23 =	vadd.f32 v39, v23;
	[tilespmem:$0x7880] =	vst v25  }
0xb0: {  	v24 =	vadd.f32 v40, v24;
	[tilespmem:$0x7890] =	vst v26  }
0xb1: {  	v21 =	vadd.f32 v41, v21;
	[tilespmem:$0x78A0] =	vst v23  }
0xb2: {  	v22 =	vadd.f32 v42, v22;
	[tilespmem:$0x78B0] =	vst v24  }
0xb3: {  	v20 =	vadd.f32 v43, v20;
	[tilespmem:$0x78C0] =	vst v21  }
0xb4: {  	v19 =	vadd.f32 v44, v19;
	[tilespmem:$0x78D0] =	vst v22  }
0xb5: {  	v18 =	vadd.f32 v45, v18;
	[tilespmem:$0x78E0] =	vst v20  }
0xb6: {  	v15 =	vadd.f32 v46, v15;
	[tilespmem:$0x78F0] =	vst v19  }
0xb7: {  	v16 =	vadd.f32 v47, v16;
	[tilespmem:$0x7A80] =	vst v18  }
0xb8: {  	v17 =	vadd.f32 v48, v17;
	[tilespmem:$0x7A90] =	vst v15  }
0xb9: {  	v4 =	vadd.f32 v30, v4;
	v13 =	vadd.f32 v49, v13;
	[tilespmem:$0x7AA0] =	vst v16  }
0xba: {  	v11 =	vadd.f32 v27, v11;
	v12 =	vadd.f32 v50, v12;
	[tilespmem:$0x7AB0] =	vst v17  }
0xbb: {  	v8 =	vadd.f32 v31, v8;
	v4 =	vadd.f32 v51, v4;
	[tilespmem:$0x7AC0] =	vst v13  }
0xbc: {  	v7 =	vadd.f32 v34, v7;
	v11 =	vadd.f32 v53, v11;
	[tilespmem:$0x7AD0] =	vst v12  }
0xbd: {  	v8 =	vadd.f32 v55, v8;
	[tilespmem:$0x7AE0] =	vst v4  }
0xbe: {  	v14 =	vadd.f32 v29, v14;
	v7 =	vadd.f32 v62, v7;
	[tilespmem:$0x7C80] =	vst v11  }
0xbf: {  	v10 =	vadd.f32 v28, v10;
	v3 =	vadd.f32 v36, v3;
	[tilespmem:$0x7CA0] =	vst v8  }
0xc0: {  	v13 =	vadd.f32 v52, v14;
	v4 =	vadd.f32 v32, v6;
	[tilespmem:$0x7CD0] =	vst v7  }
0xc1: {  	v9 =	vadd.f32 v33, v9;
	v6 =	vadd.f32 v54, v10;
	[tilespmem:$0x7CF0] =	vst v3  }
0xc2: {  	s12 =	simm.s32 $0x2;
	v5 =	vadd.f32 v35, v5;
	[tilespmem:$0x7AF0] =	vst v13;
	v4 =	vadd.f32 v56, v4  }
0xc3: {  	s13 =	smul.u32 $0x3000, s12;
	[tilespmem:$0x7C90] =	vst v6;
	v6 =	vadd.f32 v57, v9  }
0xc4: {  	s10 =	simm.s32 $0xA00;
	[tilespmem:$0x7CB0] =	vst v4;
	v4 =	vadd.f32 v63, v5  }
0xc5: {  	s14 =	sand.u32 $0x380, s10;
	s11 =	sshra.s32 s13, $0x2;
	[tilespmem:$0x7CC0] =	vst v6  }
0xc6: {  	s11 =	sor.u32 s14, s11;
	[tilespmem:$0x7CE0] =	vst v4  }
0xc7: {  	v3 =	vld [tilespmem:s11+$0x8F0]  }
0xc8: {  	v5 =	vld [tilespmem:s11+$0x80]  }
0xc9: {  	v6 =	vld [tilespmem:s11+$0x90]  }
0xca: {  	v7 =	vld [tilespmem:s11+$0xA0]  }
0xcb: {  	v8 =	vld [tilespmem:s11+$0xB0]  }
0xcc: {  	v9 =	vld [tilespmem:s11+$0xC0]  }
0xcd: {  	v10 =	vld [tilespmem:s11+$0xD0]  }
0xce: {  	v11 =	vld [tilespmem:s11+$0xE0]  }
0xcf: {  	v12 =	vld [tilespmem:s11+$0xF0]  }
0xd0: {  	v13 =	vld [tilespmem:s11+$0x480]  }
0xd1: {  	v4 =	vimm.f32 $0.0e+00;
	v14 =	vld [tilespmem:s11+$0x490]  }
0xd2: {  	v16 =	vld [tilespmem:s11+$0x4A0];
	v3 =	vadd.f32 v3, v4  }
0xd3: {  	v25 =	vadd.f32 v5, v4;
	v5 =	vld [tilespmem:s11+$0x4B0];
	v26 =	vadd.f32 v6, v4  }
0xd4: {  	v23 =	vadd.f32 v7, v4;
	v6 =	vld [tilespmem:s11+$0x4C0];
	v24 =	vadd.f32 v8, v4  }
0xd5: {  	v21 =	vadd.f32 v9, v4;
	v7 =	vld [tilespmem:s11+$0x4D0];
	v22 =	vadd.f32 v10, v4  }
0xd6: {  	v20 =	vadd.f32 v11, v4;
	v19 =	vadd.f32 v12, v4  }
0xd7: {  	v30 =	vld [tilespmem:s11+$0x4E0];
	v18 =	vadd.f32 v13, v4;
	v15 =	vadd.f32 v14, v4  }
0xd8: {  	v29 =	vld [tilespmem:s11+$0x4F0];
	v16 =	vadd.f32 v16, v4;
	v14 =	vimm.f32 $0.0e+00;
	v11 =	vimm.f32 $0.0e+00  }
0xd9: {  	v27 =	vld [tilespmem:s11+$0x880];
	v10 =	vimm.f32 $0.0e+00;
	v9 =	vimm.f32 $0.0e+00;
	v17 =	vadd.f32 v5, v4  }
0xda: {  	v28 =	vld [tilespmem:s11+$0x890];
	v8 =	vimm.f32 $0.0e+00;
	v13 =	vadd.f32 v6, v4;
	v12 =	vadd.f32 v7, v4  }
0xdb: {  	s12 =	simm.s32 $0x16;
	s13 =	simm.s32 $0x2;
	v31 =	vld [tilespmem:s11+$0x8A0];
	v7 =	vimm.f32 $0.0e+00;
	v6 =	vimm.f32 $0.0e+00;
	v5 =	vimm.f32 $0.0e+00  }
.LBB2_4:
0xdc: {  	p0 =	sne.s32 s12, $0x27;
	s13 =	smul.u32 $0x3000, s13;
	v4 =	vadd.f32 v30, v4;
	v30 =	vld [tilespmem:s11+$0x8B0]  }
0xdd: {  	s10 =	sadd.s32 $0x80, s10;
	v14 =	vadd.f32 v29, v14;
	v29 =	vld [tilespmem:s11+$0x8C0]  }
0xde: {  	s14 =	sand.u32 $0x380, s10;
	s13 =	sshra.s32 s13, $0x2;
	v11 =	vadd.f32 v27, v11;
	v27 =	vld [tilespmem:s11+$0x8D0]  }
0xdf: {  	v10 =	vadd.f32 v28, v10;
	v28 =	vld [tilespmem:s11+$0x8E0];
	s11 =	sor.u32 s14, s13  }
0xe0: {  	v32 =	vld [tilespmem:s11+$0x8F0];
	v9 =	vadd.f32 v31, v9  }
0xe1: {  	v31 =	vld [tilespmem:s11+$0x80];
	v7 =	vadd.f32 v30, v7  }
0xe2: {  	v30 =	vld [tilespmem:s11+$0x90];
	v8 =	vadd.f32 v29, v8  }
0xe3: {  	v29 =	vld [tilespmem:s11+$0xA0];
	v6 =	vadd.f32 v27, v6  }
0xe4: {  	v27 =	vld [tilespmem:s11+$0xB0];
	v5 =	vadd.f32 v28, v5  }
0xe5: {  	v28 =	vld [tilespmem:s11+$0xC0];
	v3 =	vadd.f32 v32, v3  }
0xe6: {  	v25 =	vadd.f32 v31, v25;
	v31 =	vld [tilespmem:s11+$0xD0]  }
0xe7: {  	v26 =	vadd.f32 v30, v26;
	v30 =	vld [tilespmem:s11+$0xE0]  }
0xe8: {  	v23 =	vadd.f32 v29, v23;
	v29 =	vld [tilespmem:s11+$0xF0]  }
0xe9: {  	v24 =	vadd.f32 v27, v24;
	v27 =	vld [tilespmem:s11+$0x480]  }
0xea: {  	v21 =	vadd.f32 v28, v21;
	v28 =	vld [tilespmem:s11+$0x490]  }
0xeb: {  	v22 =	vadd.f32 v31, v22;
	v31 =	vld [tilespmem:s11+$0x4A0]  }
0xec: {  	v20 =	vadd.f32 v30, v20;
	v32 =	vld [tilespmem:s11+$0x4B0]  }
0xed: {  	v19 =	vadd.f32 v29, v19;
	v33 =	vld [tilespmem:s11+$0x4C0]  }
0xee: {  	v18 =	vadd.f32 v27, v18;
	v34 =	vld [tilespmem:s11+$0x4D0]  }
.Ltmp1:
0xef: {  	v15 =	vadd.f32 v28, v15;
	v30 =	vld [tilespmem:s11+$0x4E0];
	(pc) =	sbr.rel @p0 .LBB2_4-.Ltmp1, $4  }
0xf0: {  	v16 =	vadd.f32 v31, v16;
	v29 =	vld [tilespmem:s11+$0x4F0]  }
0xf1: {  	v17 =	vadd.f32 v32, v17;
	v27 =	vld [tilespmem:s11+$0x880]  }
0xf2: {  	v13 =	vadd.f32 v33, v13;
	v28 =	vld [tilespmem:s11+$0x890]  }
0xf3: {  	s13 =	sshrl.u32 s12, $0x3;
	s12 =	sadd.s32 $0x1, s12;
	v12 =	vadd.f32 v34, v12;
	v31 =	vld [tilespmem:s11+$0x8A0]  }
0xf4: {  	s12 =	smul.u32 $0x3000, s13;
	v32 =	vld [tilespmem:s11+$0x8B0]  }
0xf5: {  	v33 =	vld [tilespmem:s11+$0x8C0];
	s10 =	sadd.s32 $0x80, s10  }
0xf6: {  	v34 =	vld [tilespmem:s11+$0x8D0];
	s10 =	sand.u32 $0x380, s10;
	s12 =	sshra.s32 s12, $0x2  }
0xf7: {  	v35 =	vld [tilespmem:s11+$0x8E0];
	s10 =	sor.u32 s10, s12  }
0xf8: {  	v36 =	vld [tilespmem:s10+$0x8F0]  }
0xf9: {  	v37 =	vld [tilespmem:s10+$0x80]  }
0xfa: {  	v38 =	vld [tilespmem:s10+$0x90]  }
0xfb: {  	v39 =	vld [tilespmem:s10+$0xA0]  }
0xfc: {  	v40 =	vld [tilespmem:s10+$0xB0]  }
0xfd: {  	v41 =	vld [tilespmem:s10+$0xC0]  }
0xfe: {  	v42 =	vld [tilespmem:s10+$0xD0]  }
0xff: {  	v43 =	vld [tilespmem:s10+$0xE0]  }
0x100: {  	v44 =	vld [tilespmem:s10+$0xF0]  }
0x101: {  	v45 =	vld [tilespmem:s10+$0x480]  }
0x102: {  	v46 =	vld [tilespmem:s10+$0x490]  }
0x103: {  	v47 =	vld [tilespmem:s10+$0x4A0]  }
0x104: {  	v48 =	vld [tilespmem:s10+$0x4B0]  }
0x105: {  	v49 =	vld [tilespmem:s10+$0x4C0]  }
0x106: {  	v50 =	vld [tilespmem:s10+$0x4D0]  }
0x107: {  	v51 =	vld [tilespmem:s10+$0x4E0]  }
0x108: {  	v52 =	vld [tilespmem:s10+$0x4F0]  }
0x109: {  	v53 =	vld [tilespmem:s10+$0x880]  }
0x10a: {  	v54 =	vld [tilespmem:s10+$0x890]  }
0x10b: {  	v55 =	vld [tilespmem:s10+$0x8A0]  }
0x10c: {  	v56 =	vld [tilespmem:s10+$0x8B0]  }
0x10d: {  	v57 =	vld [tilespmem:s10+$0x8C0];
	v25 =	vadd.f32 v37, v25  }
0x10e: {  	v62 =	vld [tilespmem:s10+$0x8D0];
	v26 =	vadd.f32 v38, v26  }
0x10f: {  	v63 =	vld [tilespmem:s10+$0x8E0];
	v23 =	vadd.f32 v39, v23;
	[tilespmem:$0x7900] =	vst v25  }
0x110: {  	v24 =	vadd.f32 v40, v24;
	[tilespmem:$0x7910] =	vst v26  }
0x111: {  	v21 =	vadd.f32 v41, v21;
	[tilespmem:$0x7920] =	vst v23  }
0x112: {  	v22 =	vadd.f32 v42, v22;
	[tilespmem:$0x7930] =	vst v24  }
0x113: {  	v20 =	vadd.f32 v43, v20;
	[tilespmem:$0x7940] =	vst v21  }
0x114: {  	v19 =	vadd.f32 v44, v19;
	[tilespmem:$0x7950] =	vst v22  }
0x115: {  	v18 =	vadd.f32 v45, v18;
	[tilespmem:$0x7960] =	vst v20  }
0x116: {  	v15 =	vadd.f32 v46, v15;
	[tilespmem:$0x7970] =	vst v19  }
0x117: {  	v16 =	vadd.f32 v47, v16;
	[tilespmem:$0x7B00] =	vst v18  }
0x118: {  	v17 =	vadd.f32 v48, v17;
	[tilespmem:$0x7B10] =	vst v15  }
0x119: {  	v4 =	vadd.f32 v30, v4;
	v13 =	vadd.f32 v49, v13;
	[tilespmem:$0x7B20] =	vst v16  }
0x11a: {  	v11 =	vadd.f32 v27, v11;
	v12 =	vadd.f32 v50, v12;
	[tilespmem:$0x7B30] =	vst v17  }
0x11b: {  	v9 =	vadd.f32 v31, v9;
	v4 =	vadd.f32 v51, v4;
	[tilespmem:$0x7B40] =	vst v13  }
0x11c: {  	v6 =	vadd.f32 v34, v6;
	v11 =	vadd.f32 v53, v11;
	[tilespmem:$0x7B50] =	vst v12  }
0x11d: {  	v9 =	vadd.f32 v55, v9;
	[tilespmem:$0x7B60] =	vst v4  }
0x11e: {  	v14 =	vadd.f32 v29, v14;
	v6 =	vadd.f32 v62, v6;
	[tilespmem:$0x7D00] =	vst v11  }
0x11f: {  	v10 =	vadd.f32 v28, v10;
	v3 =	vadd.f32 v36, v3;
	[tilespmem:$0x7D20] =	vst v9  }
0x120: {  	v13 =	vadd.f32 v52, v14;
	v4 =	vadd.f32 v32, v7;
	[tilespmem:$0x7D50] =	vst v6  }
0x121: {  	v8 =	vadd.f32 v33, v8;
	v7 =	vadd.f32 v54, v10;
	[tilespmem:$0x7D70] =	vst v3  }
0x122: {  	s12 =	simm.s32 $0x5;
	v5 =	vadd.f32 v35, v5;
	[tilespmem:$0x7B70] =	vst v13;
	v4 =	vadd.f32 v56, v4  }
0x123: {  	s13 =	smul.u32 $0x3000, s12;
	[tilespmem:$0x7D10] =	vst v7;
	v7 =	vadd.f32 v57, v8  }
0x124: {  	s10 =	simm.s32 $0x0;
	[tilespmem:$0x7D30] =	vst v4;
	v4 =	vadd.f32 v63, v5  }
0x125: {  	s14 =	sand.u32 $0x380, s10;
	s11 =	sshra.s32 s13, $0x2;
	[tilespmem:$0x7D40] =	vst v7  }
0x126: {  	s11 =	sor.u32 s14, s11;
	[tilespmem:$0x7D60] =	vst v4  }
0x127: {  	v3 =	vld [tilespmem:s11+$0x8F0]  }
0x128: {  	v5 =	vld [tilespmem:s11+$0x80]  }
0x129: {  	v6 =	vld [tilespmem:s11+$0x90]  }
0x12a: {  	v7 =	vld [tilespmem:s11+$0xA0]  }
0x12b: {  	v8 =	vld [tilespmem:s11+$0xB0]  }
0x12c: {  	v9 =	vld [tilespmem:s11+$0xC0]  }
0x12d: {  	v10 =	vld [tilespmem:s11+$0xD0]  }
0x12e: {  	v11 =	vld [tilespmem:s11+$0xE0]  }
0x12f: {  	v12 =	vld [tilespmem:s11+$0xF0]  }
0x130: {  	v13 =	vld [tilespmem:s11+$0x480]  }
0x131: {  	v4 =	vimm.f32 $0.0e+00;
	v14 =	vld [tilespmem:s11+$0x490]  }
0x132: {  	v16 =	vld [tilespmem:s11+$0x4A0];
	v3 =	vadd.f32 v3, v4  }
0x133: {  	v25 =	vadd.f32 v5, v4;
	v5 =	vld [tilespmem:s11+$0x4B0];
	v26 =	vadd.f32 v6, v4  }
0x134: {  	v23 =	vadd.f32 v7, v4;
	v6 =	vld [tilespmem:s11+$0x4C0];
	v24 =	vadd.f32 v8, v4  }
0x135: {  	v21 =	vadd.f32 v9, v4;
	v7 =	vld [tilespmem:s11+$0x4D0];
	v22 =	vadd.f32 v10, v4  }
0x136: {  	v20 =	vadd.f32 v11, v4;
	v19 =	vadd.f32 v12, v4  }
0x137: {  	v30 =	vld [tilespmem:s11+$0x4E0];
	v18 =	vadd.f32 v13, v4;
	v15 =	vadd.f32 v14, v4  }
0x138: {  	v29 =	vld [tilespmem:s11+$0x4F0];
	v16 =	vadd.f32 v16, v4;
	v14 =	vimm.f32 $0.0e+00;
	v11 =	vimm.f32 $0.0e+00  }
0x139: {  	v27 =	vld [tilespmem:s11+$0x880];
	v10 =	vimm.f32 $0.0e+00;
	v9 =	vimm.f32 $0.0e+00;
	v17 =	vadd.f32 v5, v4  }
0x13a: {  	v28 =	vld [tilespmem:s11+$0x890];
	v8 =	vimm.f32 $0.0e+00;
	v13 =	vadd.f32 v6, v4;
	v12 =	vadd.f32 v7, v4  }
0x13b: {  	s12 =	simm.s32 $0x2A;
	s13 =	simm.s32 $0x5;
	v31 =	vld [tilespmem:s11+$0x8A0];
	v7 =	vimm.f32 $0.0e+00;
	v6 =	vimm.f32 $0.0e+00;
	v5 =	vimm.f32 $0.0e+00  }
.LBB2_6:
0x13c: {  	p0 =	sne.s32 s12, $0x3B;
	s13 =	smul.u32 $0x3000, s13;
	v4 =	vadd.f32 v30, v4;
	v30 =	vld [tilespmem:s11+$0x8B0]  }
0x13d: {  	s10 =	sadd.s32 $0x80, s10;
	v14 =	vadd.f32 v29, v14;
	v29 =	vld [tilespmem:s11+$0x8C0]  }
0x13e: {  	s14 =	sand.u32 $0x380, s10;
	s13 =	sshra.s32 s13, $0x2;
	v11 =	vadd.f32 v27, v11;
	v27 =	vld [tilespmem:s11+$0x8D0]  }
0x13f: {  	v10 =	vadd.f32 v28, v10;
	v28 =	vld [tilespmem:s11+$0x8E0];
	s11 =	sor.u32 s14, s13  }
0x140: {  	v32 =	vld [tilespmem:s11+$0x8F0];
	v9 =	vadd.f32 v31, v9  }
0x141: {  	v31 =	vld [tilespmem:s11+$0x80];
	v7 =	vadd.f32 v30, v7  }
0x142: {  	v30 =	vld [tilespmem:s11+$0x90];
	v8 =	vadd.f32 v29, v8  }
0x143: {  	v29 =	vld [tilespmem:s11+$0xA0];
	v6 =	vadd.f32 v27, v6  }
0x144: {  	v27 =	vld [tilespmem:s11+$0xB0];
	v5 =	vadd.f32 v28, v5  }
0x145: {  	v28 =	vld [tilespmem:s11+$0xC0];
	v3 =	vadd.f32 v32, v3  }
0x146: {  	v25 =	vadd.f32 v31, v25;
	v31 =	vld [tilespmem:s11+$0xD0]  }
0x147: {  	v26 =	vadd.f32 v30, v26;
	v30 =	vld [tilespmem:s11+$0xE0]  }
0x148: {  	v23 =	vadd.f32 v29, v23;
	v29 =	vld [tilespmem:s11+$0xF0]  }
0x149: {  	v24 =	vadd.f32 v27, v24;
	v27 =	vld [tilespmem:s11+$0x480]  }
0x14a: {  	v21 =	vadd.f32 v28, v21;
	v28 =	vld [tilespmem:s11+$0x490]  }
0x14b: {  	v22 =	vadd.f32 v31, v22;
	v31 =	vld [tilespmem:s11+$0x4A0]  }
0x14c: {  	v20 =	vadd.f32 v30, v20;
	v32 =	vld [tilespmem:s11+$0x4B0]  }
0x14d: {  	v19 =	vadd.f32 v29, v19;
	v33 =	vld [tilespmem:s11+$0x4C0]  }
0x14e: {  	v18 =	vadd.f32 v27, v18;
	v34 =	vld [tilespmem:s11+$0x4D0]  }
.Ltmp2:
0x14f: {  	v15 =	vadd.f32 v28, v15;
	v30 =	vld [tilespmem:s11+$0x4E0];
	(pc) =	sbr.rel @p0 .LBB2_6-.Ltmp2, $4  }
0x150: {  	v16 =	vadd.f32 v31, v16;
	v29 =	vld [tilespmem:s11+$0x4F0]  }
0x151: {  	v17 =	vadd.f32 v32, v17;
	v27 =	vld [tilespmem:s11+$0x880]  }
0x152: {  	v13 =	vadd.f32 v33, v13;
	v28 =	vld [tilespmem:s11+$0x890]  }
0x153: {  	s13 =	sshrl.u32 s12, $0x3;
	s12 =	sadd.s32 $0x1, s12;
	v12 =	vadd.f32 v34, v12;
	v31 =	vld [tilespmem:s11+$0x8A0]  }
0x154: {  	s12 =	smul.u32 $0x3000, s13;
	v32 =	vld [tilespmem:s11+$0x8B0]  }
0x155: {  	v33 =	vld [tilespmem:s11+$0x8C0];
	s10 =	sadd.s32 $0x80, s10  }
0x156: {  	v34 =	vld [tilespmem:s11+$0x8D0];
	s10 =	sand.u32 $0x380, s10;
	s12 =	sshra.s32 s12, $0x2  }
0x157: {  	v35 =	vld [tilespmem:s11+$0x8E0];
	s10 =	sor.u32 s10, s12  }
0x158: {  	v36 =	vld [tilespmem:s10+$0x8F0]  }
0x159: {  	v37 =	vld [tilespmem:s10+$0x80]  }
0x15a: {  	v38 =	vld [tilespmem:s10+$0x90]  }
0x15b: {  	v39 =	vld [tilespmem:s10+$0xA0]  }
0x15c: {  	v40 =	vld [tilespmem:s10+$0xB0]  }
0x15d: {  	v41 =	vld [tilespmem:s10+$0xC0]  }
0x15e: {  	v42 =	vld [tilespmem:s10+$0xD0]  }
0x15f: {  	v43 =	vld [tilespmem:s10+$0xE0]  }
0x160: {  	v44 =	vld [tilespmem:s10+$0xF0]  }
0x161: {  	v45 =	vld [tilespmem:s10+$0x480]  }
0x162: {  	v46 =	vld [tilespmem:s10+$0x490]  }
0x163: {  	v47 =	vld [tilespmem:s10+$0x4A0]  }
0x164: {  	v48 =	vld [tilespmem:s10+$0x4B0]  }
0x165: {  	v49 =	vld [tilespmem:s10+$0x4C0]  }
0x166: {  	v50 =	vld [tilespmem:s10+$0x4D0]  }
0x167: {  	v51 =	vld [tilespmem:s10+$0x4E0]  }
0x168: {  	v52 =	vld [tilespmem:s10+$0x4F0]  }
0x169: {  	v53 =	vld [tilespmem:s10+$0x880]  }
0x16a: {  	v54 =	vld [tilespmem:s10+$0x890]  }
0x16b: {  	v55 =	vld [tilespmem:s10+$0x8A0]  }
0x16c: {  	v56 =	vld [tilespmem:s10+$0x8B0]  }
0x16d: {  	v57 =	vld [tilespmem:s10+$0x8C0];
	v25 =	vadd.f32 v37, v25  }
0x16e: {  	v62 =	vld [tilespmem:s10+$0x8D0];
	v26 =	vadd.f32 v38, v26  }
0x16f: {  	v63 =	vld [tilespmem:s10+$0x8E0];
	v23 =	vadd.f32 v39, v23;
	[tilespmem:$0x7980] =	vst v25  }
0x170: {  	v24 =	vadd.f32 v40, v24;
	[tilespmem:$0x7990] =	vst v26  }
0x171: {  	v21 =	vadd.f32 v41, v21;
	[tilespmem:$0x79A0] =	vst v23  }
0x172: {  	v22 =	vadd.f32 v42, v22;
	[tilespmem:$0x79B0] =	vst v24  }
0x173: {  	v20 =	vadd.f32 v43, v20;
	[tilespmem:$0x79C0] =	vst v21  }
0x174: {  	v19 =	vadd.f32 v44, v19;
	[tilespmem:$0x79D0] =	vst v22  }
0x175: {  	v18 =	vadd.f32 v45, v18;
	[tilespmem:$0x79E0] =	vst v20  }
0x176: {  	v15 =	vadd.f32 v46, v15;
	[tilespmem:$0x79F0] =	vst v19  }
0x177: {  	v16 =	vadd.f32 v47, v16;
	[tilespmem:$0x7B80] =	vst v18  }
0x178: {  	v17 =	vadd.f32 v48, v17;
	[tilespmem:$0x7B90] =	vst v15  }
0x179: {  	v4 =	vadd.f32 v30, v4;
	v13 =	vadd.f32 v49, v13;
	[tilespmem:$0x7BA0] =	vst v16  }
0x17a: {  	v11 =	vadd.f32 v27, v11;
	v12 =	vadd.f32 v50, v12;
	[tilespmem:$0x7BB0] =	vst v17  }
0x17b: {  	v9 =	vadd.f32 v31, v9;
	v4 =	vadd.f32 v51, v4;
	[tilespmem:$0x7BC0] =	vst v13  }
0x17c: {  	v6 =	vadd.f32 v34, v6;
	v11 =	vadd.f32 v53, v11;
	[tilespmem:$0x7BD0] =	vst v12  }
0x17d: {  	v9 =	vadd.f32 v55, v9;
	[tilespmem:$0x7BE0] =	vst v4  }
0x17e: {  	v14 =	vadd.f32 v29, v14;
	v6 =	vadd.f32 v62, v6;
	[tilespmem:$0x7D80] =	vst v11  }
0x17f: {  	v10 =	vadd.f32 v28, v10;
	v3 =	vadd.f32 v36, v3;
	[tilespmem:$0x7DA0] =	vst v9  }
0x180: {  	v13 =	vadd.f32 v52, v14;
	v4 =	vadd.f32 v32, v7;
	[tilespmem:$0x7DD0] =	vst v6  }
0x181: {  	v8 =	vadd.f32 v33, v8;
	v7 =	vadd.f32 v54, v10;
	[tilespmem:$0x7DF0] =	vst v3  }
0x182: {  	s12 =	simm.s32 $0x7;
	v5 =	vadd.f32 v35, v5;
	[tilespmem:$0x7BF0] =	vst v13;
	v4 =	vadd.f32 v56, v4  }
0x183: {  	s13 =	smul.u32 $0x3000, s12;
	[tilespmem:$0x7D90] =	vst v7;
	v7 =	vadd.f32 v57, v8  }
0x184: {  	s10 =	simm.s32 $0x1E00;
	[tilespmem:$0x7DB0] =	vst v4;
	v4 =	vadd.f32 v63, v5  }
0x185: {  	s14 =	sand.u32 $0x380, s10;
	s11 =	sshra.s32 s13, $0x2;
	[tilespmem:$0x7DC0] =	vst v7  }
0x186: {  	s11 =	sor.u32 s14, s11;
	[tilespmem:$0x7DE0] =	vst v4  }
0x187: {  	v3 =	vld [tilespmem:s11+$0x8F0]  }
0x188: {  	v5 =	vld [tilespmem:s11+$0x80]  }
0x189: {  	v6 =	vld [tilespmem:s11+$0x90]  }
0x18a: {  	v7 =	vld [tilespmem:s11+$0xA0]  }
0x18b: {  	v8 =	vld [tilespmem:s11+$0xB0]  }
0x18c: {  	v9 =	vld [tilespmem:s11+$0xC0]  }
0x18d: {  	v10 =	vld [tilespmem:s11+$0xD0]  }
0x18e: {  	v11 =	vld [tilespmem:s11+$0xE0]  }
0x18f: {  	v12 =	vld [tilespmem:s11+$0xF0]  }
0x190: {  	v13 =	vld [tilespmem:s11+$0x480]  }
0x191: {  	v4 =	vimm.f32 $0.0e+00;
	v14 =	vld [tilespmem:s11+$0x490]  }
0x192: {  	v16 =	vld [tilespmem:s11+$0x4A0];
	v3 =	vadd.f32 v3, v4  }
0x193: {  	v25 =	vadd.f32 v5, v4;
	v5 =	vld [tilespmem:s11+$0x4B0];
	v26 =	vadd.f32 v6, v4  }
0x194: {  	v23 =	vadd.f32 v7, v4;
	v6 =	vld [tilespmem:s11+$0x4C0];
	v24 =	vadd.f32 v8, v4  }
0x195: {  	v21 =	vadd.f32 v9, v4;
	v7 =	vld [tilespmem:s11+$0x4D0];
	v22 =	vadd.f32 v10, v4  }
0x196: {  	v20 =	vadd.f32 v11, v4;
	v19 =	vadd.f32 v12, v4  }
0x197: {  	v30 =	vld [tilespmem:s11+$0x4E0];
	v18 =	vadd.f32 v13, v4;
	v15 =	vadd.f32 v14, v4  }
0x198: {  	v29 =	vld [tilespmem:s11+$0x4F0];
	v16 =	vadd.f32 v16, v4;
	v14 =	vimm.f32 $0.0e+00;
	v11 =	vimm.f32 $0.0e+00  }
0x199: {  	v27 =	vld [tilespmem:s11+$0x880];
	v10 =	vimm.f32 $0.0e+00;
	v9 =	vimm.f32 $0.0e+00;
	v17 =	vadd.f32 v5, v4  }
0x19a: {  	v28 =	vld [tilespmem:s11+$0x890];
	v8 =	vimm.f32 $0.0e+00;
	v13 =	vadd.f32 v6, v4;
	v12 =	vadd.f32 v7, v4  }
0x19b: {  	s12 =	simm.s32 $0x3E;
	s13 =	simm.s32 $0x7;
	v31 =	vld [tilespmem:s11+$0x8A0];
	v7 =	vimm.f32 $0.0e+00;
	v6 =	vimm.f32 $0.0e+00;
	v5 =	vimm.f32 $0.0e+00  }
.LBB2_8:
0x19c: {  	p0 =	sne.s32 s12, $0x4F;
	s13 =	smul.u32 $0x3000, s13;
	v4 =	vadd.f32 v30, v4;
	v30 =	vld [tilespmem:s11+$0x8B0]  }
0x19d: {  	s10 =	sadd.s32 $0x80, s10;
	v14 =	vadd.f32 v29, v14;
	v29 =	vld [tilespmem:s11+$0x8C0]  }
0x19e: {  	s14 =	sand.u32 $0x380, s10;
	s13 =	sshra.s32 s13, $0x2;
	v11 =	vadd.f32 v27, v11;
	v27 =	vld [tilespmem:s11+$0x8D0]  }
0x19f: {  	v10 =	vadd.f32 v28, v10;
	v28 =	vld [tilespmem:s11+$0x8E0];
	s11 =	sor.u32 s14, s13  }
0x1a0: {  	v32 =	vld [tilespmem:s11+$0x8F0];
	v9 =	vadd.f32 v31, v9  }
0x1a1: {  	v31 =	vld [tilespmem:s11+$0x80];
	v7 =	vadd.f32 v30, v7  }
0x1a2: {  	v30 =	vld [tilespmem:s11+$0x90];
	v8 =	vadd.f32 v29, v8  }
0x1a3: {  	v29 =	vld [tilespmem:s11+$0xA0];
	v6 =	vadd.f32 v27, v6  }
0x1a4: {  	v27 =	vld [tilespmem:s11+$0xB0];
	v5 =	vadd.f32 v28, v5  }
0x1a5: {  	v28 =	vld [tilespmem:s11+$0xC0];
	v3 =	vadd.f32 v32, v3  }
0x1a6: {  	v25 =	vadd.f32 v31, v25;
	v31 =	vld [tilespmem:s11+$0xD0]  }
0x1a7: {  	v26 =	vadd.f32 v30, v26;
	v30 =	vld [tilespmem:s11+$0xE0]  }
0x1a8: {  	v23 =	vadd.f32 v29, v23;
	v29 =	vld [tilespmem:s11+$0xF0]  }
0x1a9: {  	v24 =	vadd.f32 v27, v24;
	v27 =	vld [tilespmem:s11+$0x480]  }
0x1aa: {  	v21 =	vadd.f32 v28, v21;
	v28 =	vld [tilespmem:s11+$0x490]  }
0x1ab: {  	v22 =	vadd.f32 v31, v22;
	v31 =	vld [tilespmem:s11+$0x4A0]  }
0x1ac: {  	v20 =	vadd.f32 v30, v20;
	v32 =	vld [tilespmem:s11+$0x4B0]  }
0x1ad: {  	v19 =	vadd.f32 v29, v19;
	v33 =	vld [tilespmem:s11+$0x4C0]  }
0x1ae: {  	v18 =	vadd.f32 v27, v18;
	v34 =	vld [tilespmem:s11+$0x4D0]  }
.Ltmp3:
0x1af: {  	v15 =	vadd.f32 v28, v15;
	v30 =	vld [tilespmem:s11+$0x4E0];
	(pc) =	sbr.rel @p0 .LBB2_8-.Ltmp3, $4  }
0x1b0: {  	v16 =	vadd.f32 v31, v16;
	v29 =	vld [tilespmem:s11+$0x4F0]  }
0x1b1: {  	v17 =	vadd.f32 v32, v17;
	v27 =	vld [tilespmem:s11+$0x880]  }
0x1b2: {  	v13 =	vadd.f32 v33, v13;
	v28 =	vld [tilespmem:s11+$0x890]  }
0x1b3: {  	s13 =	sshrl.u32 s12, $0x3;
	s12 =	sadd.s32 $0x1, s12;
	v12 =	vadd.f32 v34, v12;
	v31 =	vld [tilespmem:s11+$0x8A0]  }
0x1b4: {  	s12 =	smul.u32 $0x3000, s13;
	v32 =	vld [tilespmem:s11+$0x8B0]  }
0x1b5: {  	v33 =	vld [tilespmem:s11+$0x8C0];
	s10 =	sadd.s32 $0x80, s10  }
0x1b6: {  	v34 =	vld [tilespmem:s11+$0x8D0];
	s10 =	sand.u32 $0x380, s10;
	s12 =	sshra.s32 s12, $0x2  }
0x1b7: {  	v35 =	vld [tilespmem:s11+$0x8E0];
	s10 =	sor.u32 s10, s12  }
0x1b8: {  	v36 =	vld [tilespmem:s10+$0x8F0]  }
0x1b9: {  	v37 =	vld [tilespmem:s10+$0x80]  }
0x1ba: {  	v38 =	vld [tilespmem:s10+$0x90]  }
0x1bb: {  	v39 =	vld [tilespmem:s10+$0xA0]  }
0x1bc: {  	v40 =	vld [tilespmem:s10+$0xB0]  }
0x1bd: {  	v41 =	vld [tilespmem:s10+$0xC0]  }
0x1be: {  	v42 =	vld [tilespmem:s10+$0xD0]  }
0x1bf: {  	v43 =	vld [tilespmem:s10+$0xE0]  }
0x1c0: {  	v44 =	vld [tilespmem:s10+$0xF0]  }
0x1c1: {  	v45 =	vld [tilespmem:s10+$0x480]  }
0x1c2: {  	v46 =	vld [tilespmem:s10+$0x490]  }
0x1c3: {  	v47 =	vld [tilespmem:s10+$0x4A0]  }
0x1c4: {  	v48 =	vld [tilespmem:s10+$0x4B0]  }
0x1c5: {  	v49 =	vld [tilespmem:s10+$0x4C0]  }
0x1c6: {  	v50 =	vld [tilespmem:s10+$0x4D0]  }
0x1c7: {  	v51 =	vld [tilespmem:s10+$0x4E0]  }
0x1c8: {  	v52 =	vld [tilespmem:s10+$0x4F0]  }
0x1c9: {  	v53 =	vld [tilespmem:s10+$0x880]  }
0x1ca: {  	v54 =	vld [tilespmem:s10+$0x890]  }
0x1cb: {  	v55 =	vld [tilespmem:s10+$0x8A0]  }
0x1cc: {  	v56 =	vld [tilespmem:s10+$0x8B0]  }
0x1cd: {  	v57 =	vld [tilespmem:s10+$0x8C0];
	v25 =	vadd.f32 v37, v25  }
0x1ce: {  	v63 =	vld [tilespmem:s10+$0x8D0];
	v26 =	vadd.f32 v38, v26  }
0x1cf: {  	v58 =	vld [tilespmem:s10+$0x8E0];
	v23 =	vadd.f32 v39, v23;
	[tilespmem:$0x7A00] =	vst v25  }
0x1d0: {  	v24 =	vadd.f32 v40, v24;
	[tilespmem:$0x7A10] =	vst v26  }
0x1d1: {  	v21 =	vadd.f32 v41, v21;
	[tilespmem:$0x7A20] =	vst v23  }
0x1d2: {  	v22 =	vadd.f32 v42, v22;
	[tilespmem:$0x7A30] =	vst v24  }
0x1d3: {  	v20 =	vadd.f32 v43, v20;
	[tilespmem:$0x7A40] =	vst v21  }
0x1d4: {  	v19 =	vadd.f32 v44, v19;
	[tilespmem:$0x7A50] =	vst v22  }
0x1d5: {  	v18 =	vadd.f32 v45, v18;
	[tilespmem:$0x7A60] =	vst v20  }
0x1d6: {  	v15 =	vadd.f32 v46, v15;
	[tilespmem:$0x7A70] =	vst v19  }
0x1d7: {  	v16 =	vadd.f32 v47, v16;
	[tilespmem:$0x7C00] =	vst v18  }
0x1d8: {  	v17 =	vadd.f32 v48, v17;
	[tilespmem:$0x7C10] =	vst v15  }
0x1d9: {  	v4 =	vadd.f32 v30, v4;
	v13 =	vadd.f32 v49, v13;
	[tilespmem:$0x7C20] =	vst v16  }
0x1da: {  	v14 =	vadd.f32 v29, v14;
	v12 =	vadd.f32 v50, v12;
	[tilespmem:$0x7C30] =	vst v17  }
0x1db: {  	v11 =	vadd.f32 v27, v11;
	v4 =	vadd.f32 v51, v4;
	[tilespmem:$0x7C40] =	vst v13  }
0x1dc: {  	v10 =	vadd.f32 v28, v10;
	v59 =	vadd.f32 v52, v14;
	[tilespmem:$0x7C50] =	vst v12  }
0x1dd: {  	v9 =	vadd.f32 v31, v9;
	v11 =	vadd.f32 v53, v11;
	[tilespmem:$0x7C60] =	vst v4  }
0x1de: {  	v8 =	vadd.f32 v33, v8;
	v61 =	vadd.f32 v54, v10;
	[tilespmem:$0x7C70] =	vst v59  }
0x1df: {  	v6 =	vadd.f32 v34, v6;
	v9 =	vadd.f32 v55, v9;
	[tilespmem:$0x7E00] =	vst v11  }
0x1e0: {  	v5 =	vadd.f32 v35, v5;
	v62 =	vadd.f32 v57, v8;
	[tilespmem:$0x7E10] =	vst v61  }
0x1e1: {  	v6 =	vadd.f32 v63, v6;
	[tilespmem:$0x7E20] =	vst v9  }
0x1e2: {  	v60 =	vadd.f32 v32, v7;
	v63 =	vadd.f32 v58, v5;
	[tilespmem:$0x7E40] =	vst v62  }
0x1e3: {  	v3 =	vadd.f32 v36, v3;
	[tilespmem:$0x7E50] =	vst v6  }
0x1e4: {  	s9 =	sadd.s32 $0x1, s9;
	v4 =	vadd.f32 v56, v60;
	[tilespmem:$0x7E60] =	vst v63  }
0x1e5: {  	p0 =	sne.s32 s9, s7;
	[tilespmem:$0x7E70] =	vst v3  }
.Ltmp4:
0x1e6: {  	[tilespmem:$0x7E30] =	vst v4;
	(pc) =	sbr.rel @p0 .LBB2_1-.Ltmp4, $4  }
0x1e7: {  	[hbm4b:s6+s31] =	stream.strided.scatter [tilespmem:s0], [sflag:$0x2], $0x600, s1, s31, $0x38;
	[tilespmem:$0x7E80] =	vst v63  }
0x1e8: {  	_ =	swait.ge [sflag:s8], $0x600  }
0x1e9: {  	[sflag:s8] =	ssyncset.done $0x0  }
0x1ea: {  	[sflag:s8] =	ssyncadd.s32 $0xFFFFFA00  }
0x1eb: {  	_ =	sfence.sel $0x180000  }
0x1ec: {  	[bflag:$0x0] =	sbarrier.arrive $0xFFFF  }
0x1ed: {  	_ =	strace $0x90000047  }
0x1ee: {  	s0 =	stileid.u32;
	[bflag:$0x2] =	sbarrier.arrive $0xFFFF  }
0x1ef: {  	p0 =	sne.s32 s0, $0x0;
	s0 =	rddreg [dreg:$0x2]  }
0x1f0: {  	s0 =	sadd.s32 @!p0 $0x100000, s0  }
0x1f1: {  	[sflag:s0] =	ssyncadd.tile.s32 @!p0 $0x1;
	_ =	shalt  }
.Lfunc_end2:
_tile_overlayer_lowered:
.L_overlay_start_2:
0x1f2: {  	(tag) =	ssettag $0x2  }
0x1f3: {  	s0 =	rddreg [dreg:$0x0];
	s2 =	stileid.u32  }
0x1f4: {  	s1 =	rddreg [dreg:$0x1];
	p0 =	sne.s32 s2, $0x0  }
0x1f5: {  	s3 =	rddreg [dreg:$0x2];
	[bflag:$0x3] =	sbarrier.arrive $0xFFFF;
	s2 =	simm.s32 @!p0 $0x1C02  }
0x1f6: {  	[timem:s3], [sflag:s2] =	dma.local @!p0 [hbm:s0], s1  }
0x1f7: {  	s0 =	simm.s32 @!p0 $0x2  }
0x1f8: {  	_ =	swait.ge @!p0 [sflag:s0], s1  }
0x1f9: {  	s1 =	ssub.s32 @!p0 $0x0, s1;
	[sflag:s0] =	ssyncset.done @!p0 $0x0  }
0x1fa: {  	[sflag:s0] =	ssyncadd.s32 @!p0 s1  }
0x1fb: {  	[bflag:$0x3] =	sbarrier.arrive $0xFFFF  }
0x1fc: {  	_ =	shalt  }

</sc_bundles>
